<compile_context>
chip_gen: v7x
topology: tpu7x:2x2x1
jax: 0.10.2.dev20260603
libtpu: 0.0.44.dev20260713+nightly
codegen_flags: <defaults>
</compile_context>

<pallas_src>
import functools
import math

import jax
import jax.numpy as jnp
from jax import lax
from jax.experimental import pallas as pl
from jax.experimental.pallas import tpu as pltpu
from jax.experimental.pallas import tpu_sc as plsc

_K_PRE = 2000
_K_POST = 1000
_N_PAD = 2048
_K_POST_PAD = 1024
_NMS_T = 0.7
_SCALE_CLAMP = math.log(224.0 / 8.0)
_BLK = 256
_TILE = 256
_ROW_W = 16
_SC_NC = 2
_SC_NS = 16
_SC_NW = _SC_NC * _SC_NS
_B_PER_W = _N_PAD // _SC_NW


def _sc_gather_rows(table, idx):
    mesh = plsc.VectorSubcoreMesh(core_axis_name="c", subcore_axis_name="s")

    @functools.partial(
        pl.kernel,
        mesh=mesh,
        compiler_params=pltpu.CompilerParams(use_tc_tiling_on_sc=False),
        out_type=jax.ShapeDtypeStruct((_N_PAD, _ROW_W), jnp.float32),
        scratch_types=[
            pltpu.VMEM((_B_PER_W,), jnp.int32),
            pltpu.VMEM((_B_PER_W, _ROW_W), jnp.float32),
            pltpu.SemaphoreType.DMA,
        ],
    )
    def gather_kernel(table_hbm, idx_hbm, out_hbm, idx_v, rows_v, sem):
        wid = lax.axis_index("s") * _SC_NC + lax.axis_index("c")
        base = wid * _B_PER_W
        pltpu.sync_copy(idx_hbm.at[pl.ds(base, _B_PER_W)], idx_v)
        pltpu.async_copy(table_hbm.at[idx_v], rows_v, sem).wait()
        pltpu.sync_copy(rows_v, out_hbm.at[pl.ds(base, _B_PER_W)])

    return gather_kernel(table, idx)


def _decode_cols(anc, dlt):
    tx = dlt[:, 0:1]
    ty = dlt[:, 1:2]
    tw = jnp.minimum(dlt[:, 2:3], _SCALE_CLAMP)
    th = jnp.minimum(dlt[:, 3:4], _SCALE_CLAMP)
    x1 = anc[:, 0:1]
    y1 = anc[:, 1:2]
    x2 = anc[:, 2:3]
    y2 = anc[:, 3:4]
    pw = x2 - x1
    ph = y2 - y1
    px = x1 + pw / 2.0
    py = y1 + ph / 2.0
    bx = px + pw * tx
    by = py + ph * ty
    bw = pw * jnp.exp(tw)
    bh = ph * jnp.exp(th)
    return bx - bw / 2.0, by - bh / 2.0, bx + bw / 2.0, by + bh / 2.0


def _decode_rows(anc_t, dlt_t):
    tx = dlt_t[0:1, :]
    ty = dlt_t[1:2, :]
    tw = jnp.minimum(dlt_t[2:3, :], _SCALE_CLAMP)
    th = jnp.minimum(dlt_t[3:4, :], _SCALE_CLAMP)
    x1 = anc_t[0:1, :]
    y1 = anc_t[1:2, :]
    x2 = anc_t[2:3, :]
    y2 = anc_t[3:4, :]
    pw = x2 - x1
    ph = y2 - y1
    px = x1 + pw / 2.0
    py = y1 + ph / 2.0
    bx = px + pw * tx
    by = py + ph * ty
    bw = pw * jnp.exp(tw)
    bh = ph * jnp.exp(th)
    return bx - bw / 2.0, by - bh / 2.0, bx + bw / 2.0, by + bh / 2.0


def _dot(a, b):
    return jax.lax.dot_general(a, b, (((1,), (0,)), ((), ())),
                               preferred_element_type=jnp.float32)


def _rpn_body(rows_ref, sc_ref,
              boxes_out_ref, scores_out_ref, o_ref, keep_ref, supp_ref):
    f32 = jnp.float32
    bf16 = jnp.bfloat16
    rows_t = jnp.transpose(rows_ref[:, 0:8])
    rx1, ry1, rx2, ry2 = _decode_rows(rows_t[0:4, :], rows_t[4:8, :])
    r_area = (rx2 - rx1) * (ry2 - ry1)
    col_i = jax.lax.broadcasted_iota(jnp.int32, (1, _N_PAD), 1)

    nb = _N_PAD // _BLK
    zero_blk = jnp.zeros((_BLK, _BLK), bf16)
    for t in range(nb):
        j0 = t * _BLK
        ablk = rows_ref[j0:j0 + _BLK, 0:4]
        dblk = rows_ref[j0:j0 + _BLK, 4:8]
        cx1, cy1, cx2, cy2 = _decode_cols(ablk, dblk)
        c_area = (cx2 - cx1) * (cy2 - cy1)
        row_j = j0 + jax.lax.broadcasted_iota(jnp.int32, (_BLK, 1), 0)
        for c in range(nb):
            i0 = c * _BLK
            if c < t:
                o_ref[j0:j0 + _BLK, i0:i0 + _BLK] = zero_blk
                continue
            sl = slice(i0, i0 + _BLK)
            xA = jnp.maximum(cx1, rx1[:, sl])
            yA = jnp.maximum(cy1, ry1[:, sl])
            xB = jnp.minimum(cx2, rx2[:, sl])
            yB = jnp.minimum(cy2, ry2[:, sl])
            iw = jnp.clip(xB - xA, 0.0, None)
            ih = jnp.clip(yB - yA, 0.0, None)
            inter = iw * ih
            iou = inter / (c_area + r_area[:, sl] - inter)
            if c == t:
                tri = row_j < (i0 + jax.lax.broadcasted_iota(
                    jnp.int32, (1, _BLK), 1))
                o = jnp.where((iou > _NMS_T) & tri, 1.0, 0.0).astype(bf16)
            else:
                o = jnp.where(iou > _NMS_T, 1.0, 0.0).astype(bf16)
            o_ref[j0:j0 + _BLK, i0:i0 + _BLK] = o

    supp_ref[...] = jnp.zeros((1, _N_PAD), f32)
    tri_t = (jax.lax.broadcasted_iota(jnp.int32, (_TILE, _TILE), 0)
             < jax.lax.broadcasted_iota(jnp.int32, (_TILE, _TILE), 1)
             ).astype(bf16)
    kept_before = jnp.float32(0.0)
    for t in range(_N_PAD // _TILE):
        c0 = t * _TILE
        cand = jnp.where(supp_ref[:, c0:c0 + _TILE] == 0.0, 1.0, 0.0)
        o_tile = o_ref[c0:c0 + _TILE, c0:c0 + _TILE]

        def cond(c):
            return c[1]

        def body(c):
            k = c[0]
            s = _dot(k, o_tile)
            kn = jnp.where((s == 0.0) & (cand > 0.0), 1.0, 0.0).astype(bf16)
            changed = jnp.sum(jnp.abs(kn.astype(f32) - k.astype(f32))) > 0.0
            return kn, changed

        kt, _ = jax.lax.while_loop(cond, body, (cand.astype(bf16), True))
        keep_ref[:, c0:c0 + _TILE] = kt.astype(f32)
        ktv = kt * (col_i[:, c0:c0 + _TILE] < _K_PRE).astype(bf16)
        kr_t = _dot(ktv, tri_t) + kept_before
        kept_before = kept_before + jnp.sum(ktv.astype(f32))
        supp_ref[:, c0:c0 + _TILE] = kr_t
        if t + 1 < _N_PAD // _TILE:
            s_all = _dot(kt, o_ref[c0:c0 + _TILE, c0 + _TILE:])
            rest = supp_ref[:, c0 + _TILE:]
            supp_ref[:, c0 + _TILE:] = rest + s_all

    k = keep_ref[...]
    kept_rank = supp_ref[...]

    valid = (col_i < _K_PRE).astype(f32)
    nk = jnp.sum(k * valid)
    sup_rank = col_i.astype(f32) - kept_rank
    pos = jnp.where(k > 0.0, kept_rank, nk + sup_rank)
    pos = jnp.where(valid > 0.0, pos, 3000.0)

    p_iota = jax.lax.broadcasted_iota(jnp.int32, (_K_POST, _N_PAD), 0)
    P = (p_iota.astype(f32) == pos).astype(f32)

    cx1, cy1, cx2, cy2 = _decode_cols(rows_ref[:, 0:4], rows_ref[:, 4:8])
    sc_full = jnp.concatenate(
        [sc_ref[...], jnp.zeros((_N_PAD - _K_PRE, 1), f32)], axis=0)
    payload = jnp.concatenate([cx1, cy1, cx2, cy2, sc_full], axis=1)
    sel = _dot(P, payload)
    boxes_out_ref[...] = sel[:, 0:4]
    p_col = jax.lax.broadcasted_iota(jnp.int32, (_K_POST, 1), 0).astype(f32)
    scores_out_ref[...] = jnp.where(p_col < nk, sel[:, 4:5], -jnp.inf)


def kernel(boxes, deltas, scores):
    top_scores, top_idx = jax.lax.top_k(scores, _K_PRE)
    pad = _N_PAD - _K_PRE
    idx_p = jnp.concatenate(
        [top_idx, jnp.zeros((pad,), top_idx.dtype)], axis=0).astype(jnp.int32)
    table = jnp.concatenate(
        [boxes, deltas, jnp.zeros((boxes.shape[0], 8), jnp.float32)], axis=1)
    rows = _sc_gather_rows(table, idx_p)

    boxes_o, scores_o = pl.pallas_call(
        _rpn_body,
        out_shape=[
            jax.ShapeDtypeStruct((_K_POST, 4), jnp.float32),
            jax.ShapeDtypeStruct((_K_POST, 1), jnp.float32),
        ],
        scratch_shapes=[
            pltpu.VMEM((_N_PAD, _N_PAD), jnp.bfloat16),
            pltpu.VMEM((1, _N_PAD), jnp.float32),
            pltpu.VMEM((1, _N_PAD), jnp.float32),
        ],
    )(rows, top_scores[:, None])
    return boxes_o, scores_o[:, 0]

# --- scband reference (transcript-rebuilt; emitter-appended) ---
"""Pipeline reference for scband-rpn-47725676593504 (READ-ONLY COPY).

The authoritative reference and input builder live on the scoring server;
editing this copy changes nothing except your own understanding.
"""

import math
import jax, jax.numpy as jnp
import numpy as np

PRE_NMS_TOPK = 2000
POST_NMS_TOPK = 1000
NMS_THRESH = 0.7


def setup_inputs(seed: int = 0) -> dict:
    key = jax.random.key(seed)
    k1, k2, k3, k4 = jax.random.split(key, 4)
    N = 20000
    # valid XYXY anchor boxes inside an ~800x800 image
    ctr = jax.random.uniform(k1, (N, 2), minval=0.0, maxval=800.0)
    wh = jax.random.uniform(k2, (N, 2), minval=16.0, maxval=128.0)
    boxes = jnp.concatenate([ctr - wh / 2.0, ctr + wh / 2.0], axis=1).astype(jnp.float32)
    deltas = (jax.random.normal(k3, (N, 4)) * 0.1).astype(jnp.float32)
    scores = jax.random.normal(k4, (N,)).astype(jnp.float32)
    return {"boxes": boxes, "deltas": deltas, "scores": scores}


def _apply_deltas_to_anchors(deltas, anchors):
    # faithful port of rcnn_apply_deltas_to_anchors
    scale_clamp = math.log(224.0 / 8.0)
    tx = deltas[:, 0]
    ty = deltas[:, 1]
    tw = jnp.minimum(deltas[:, 2], scale_clamp)
    th = jnp.minimum(deltas[:, 3], scale_clamp)
    pw = anchors[:, 2] - anchors[:, 0]
    ph = anchors[:, 3] - anchors[:, 1]
    px = anchors[:, 0] + pw / 2.0
    py = anchors[:, 1] + ph / 2.0
    bx = px + pw * tx
    by = py + ph * ty
    bw = pw * jnp.exp(tw)
    bh = ph * jnp.exp(th)
    return jnp.stack([bx - bw / 2.0, by - bh / 2.0, bx + bw / 2.0, by + bh / 2.0], axis=1)


def _pairwise_iou(boxes1, boxes2):
    # faithful port of iou()
    b1x1, b1y1, b1x2, b1y2 = jnp.split(boxes1, 4, axis=1)
    b2x1, b2y1, b2x2, b2y2 = jnp.split(boxes2, 4, axis=1)
    xA = jnp.maximum(b1x1, b2x1.T)
    yA = jnp.maximum(b1y1, b2y1.T)
    xB = jnp.minimum(b1x2, b2x2.T)
    yB = jnp.minimum(b1y2, b2y2.T)
    b1Area = (b1x2 - b1x1) * (b1y2 - b1y1)
    b2Area = (b2x2 - b2x1) * (b2y2 - b2y1)
    interW = jnp.clip(xB - xA, 0.0, None)
    interH = jnp.clip(yB - yA, 0.0, None)
    interArea = interW * interH
    return interArea / (b1Area + b2Area.T - interArea)


def _nms_keep(sorted_boxes, nms_thresh):
    # exact greedy NMS on score-sorted boxes via suppression loop
    n = sorted_boxes.shape[0]
    iou_mat = _pairwise_iou(sorted_boxes, sorted_boxes)
    idxs = jnp.arange(n)

    def body(i, keep):
        suppress = (iou_mat[i] > nms_thresh) & keep[i]
        mask = idxs > i
        return jnp.where(mask & suppress, False, keep)

    keep = jax.lax.fori_loop(0, n, body, jnp.ones((n,), dtype=bool))
    return keep


def reference(boxes, deltas, scores):
    # RPN proposal path: apply regression deltas to anchors, pre-NMS top-k,
    # greedy NMS, post-NMS top-k.
    proposals = _apply_deltas_to_anchors(deltas, boxes)
    top_scores, top_idx = jax.lax.top_k(scores, PRE_NMS_TOPK)
    top_boxes = proposals[top_idx]
    keep = _nms_keep(top_boxes, NMS_THRESH)
    final_scores = jnp.where(keep, top_scores, -jnp.inf)
    sel_scores, sel = jax.lax.top_k(final_scores, POST_NMS_TOPK)
    sel_boxes = top_boxes[sel]
    return sel_boxes, sel_scores

if __name__ == "__main__":
    import jax
    _d = setup_inputs()
    print(jax.jit(kernel)(*tuple(_d.values())))

</pallas_src>

<mosaic_0001>
#map = affine_map<(d0, d1) -> (0, 0)>
#map1 = affine_map<(d0, d1) -> (0)>
module attributes {stable_mosaic.version = 14 : i64} {
  func.func @gather_kernel(%arg0: i32, %arg1: i32, %arg2: memref<20000x16xf32, #tpu.memory_space<hbm>>, %arg3: memref<2048xi32, #tpu.memory_space<hbm>>, %arg4: memref<2048x16xf32, #tpu.memory_space<hbm>>, %arg5: memref<64xi32, #tpu.memory_space<vmem>>, %arg6: memref<64x16xf32, #tpu.memory_space<vmem>>, %arg7: memref<!tpu.dma_semaphore, #tpu.memory_space<semaphore_mem>>) attributes {dimension_semantics = [#tpu.dimension_semantics<core_parallel>, #tpu.dimension_semantics<subcore_parallel>], iteration_bounds = array<i64: 2, 16>, scalar_prefetch = 0 : i64, scratch_operands = 3 : i64, tpu.core_type = #tpu.core_type<sc_vector_subcore>, window_params = [{transform_indices = #map}, {transform_indices = #map1}, {transform_indices = #map}]} {
    %mul3A = arith.constant 2 : i32
    %mul3A_0 = arith.muli %arg1, %mul3A : i32
    %add3A = arith.addi %mul3A_0, %arg0 : i32
    %mul3A_1 = arith.constant 64 : i32
    %mul3A_2 = arith.muli %add3A, %mul3A_1 : i32
    "tpu.region"() ({
      %run_scoped3A = tpu.sem_alloc : memref<!tpu.dma_semaphore, #tpu.memory_space<semaphore_mem>>
      %dma_start3A_7 = tpu.memref_slice %arg3[%mul3A_2] : memref<2048xi32, #tpu.memory_space<hbm>> -> memref<64xi32, #tpu.memory_space<hbm>>
      %dma_start3A_8 = tpu.memref_slice %arg3[%mul3A_2] : memref<2048xi32, #tpu.memory_space<hbm>> -> memref<64xi32, #tpu.memory_space<hbm>>
      tpu.enqueue_dma source(%dma_start3A_8 : memref<64xi32, #tpu.memory_space<hbm>>) target(%arg5 : memref<64xi32, #tpu.memory_space<vmem>>) target_semaphore(%run_scoped3A : memref<!tpu.dma_semaphore, #tpu.memory_space<semaphore_mem>>)
      %dma_wait3A_9 = tpu.memref_slice %arg3[%mul3A_2] : memref<2048xi32, #tpu.memory_space<hbm>> -> memref<64xi32, #tpu.memory_space<hbm>>
      %dma_wait3A_10 = tpu.memref_slice %arg3[%mul3A_2] : memref<2048xi32, #tpu.memory_space<hbm>> -> memref<64xi32, #tpu.memory_space<hbm>>
      tpu.wait_dma2 semaphore(%run_scoped3A : memref<!tpu.dma_semaphore, #tpu.memory_space<semaphore_mem>>) src(%dma_wait3A_10 : memref<64xi32, #tpu.memory_space<hbm>>) dst(%arg5 : memref<64xi32, #tpu.memory_space<vmem>>)
      tpu.yield
    }) : () -> ()
    %dma_start3A = arith.constant 0 : i32
    %dma_start3A_3 = arith.constant 0 : i32
    %dma_start3A_4 = tpu.memref_slice %arg2[%dma_start3A, %dma_start3A_3] : memref<20000x16xf32, #tpu.memory_space<hbm>> -> memref<20000x16xf32, #tpu.memory_space<hbm>>
    tpu.enqueue_indirect_dma source(%dma_start3A_4 : memref<20000x16xf32, #tpu.memory_space<hbm>>) target(%arg6 : memref<64x16xf32, #tpu.memory_space<vmem>>) offsets(%arg5 : memref<64xi32, #tpu.memory_space<vmem>>) semaphore(%arg7 : memref<!tpu.dma_semaphore, #tpu.memory_space<semaphore_mem>>)
    %dma_wait3A = arith.constant 0 : i32
    %dma_wait3A_5 = arith.constant 0 : i32
    %dma_wait3A_6 = tpu.memref_slice %arg2[%dma_wait3A, %dma_wait3A_5] : memref<20000x16xf32, #tpu.memory_space<hbm>> -> memref<20000x16xf32, #tpu.memory_space<hbm>>
    tpu.wait_indirect_dma semaphore(%arg7 : memref<!tpu.dma_semaphore, #tpu.memory_space<semaphore_mem>>) src(%dma_wait3A_6 : memref<20000x16xf32, #tpu.memory_space<hbm>>) dst(%arg6 : memref<64x16xf32, #tpu.memory_space<vmem>>)
    "tpu.region"() ({
      %run_scoped3A = tpu.sem_alloc : memref<!tpu.dma_semaphore, #tpu.memory_space<semaphore_mem>>
      %dma_start3A_7 = arith.constant 0 : i32
      %dma_start3A_8 = tpu.memref_slice %arg4[%mul3A_2, %dma_start3A_7] : memref<2048x16xf32, #tpu.memory_space<hbm>> -> memref<64x16xf32, #tpu.memory_space<hbm>>
      %dma_start3A_9 = arith.constant 0 : i32
      %dma_start3A_10 = tpu.memref_slice %arg4[%mul3A_2, %dma_start3A_9] : memref<2048x16xf32, #tpu.memory_space<hbm>> -> memref<64x16xf32, #tpu.memory_space<hbm>>
      tpu.enqueue_dma source(%arg6 : memref<64x16xf32, #tpu.memory_space<vmem>>) target(%dma_start3A_10 : memref<64x16xf32, #tpu.memory_space<hbm>>) target_semaphore(%run_scoped3A : memref<!tpu.dma_semaphore, #tpu.memory_space<semaphore_mem>>)
      %dma_wait3A_11 = arith.constant 0 : i32
      %dma_wait3A_12 = tpu.memref_slice %arg4[%mul3A_2, %dma_wait3A_11] : memref<2048x16xf32, #tpu.memory_space<hbm>> -> memref<64x16xf32, #tpu.memory_space<hbm>>
      %dma_wait3A_13 = arith.constant 0 : i32
      %dma_wait3A_14 = tpu.memref_slice %arg4[%mul3A_2, %dma_wait3A_13] : memref<2048x16xf32, #tpu.memory_space<hbm>> -> memref<64x16xf32, #tpu.memory_space<hbm>>
      tpu.wait_dma2 semaphore(%run_scoped3A : memref<!tpu.dma_semaphore, #tpu.memory_space<semaphore_mem>>) src(%arg6 : memref<64x16xf32, #tpu.memory_space<vmem>>) dst(%dma_wait3A_14 : memref<64x16xf32, #tpu.memory_space<hbm>>)
      tpu.yield
    }) : () -> ()
    return
  }
}

module attributes {stable_mosaic.version = 14 : i64} {
  func.func @_rpn_body(%arg0: memref<2048x16xf32, #tpu.memory_space<vmem>>, %arg1: memref<2000x1xf32, #tpu.memory_space<vmem>>, %arg2: memref<1000x4xf32, #tpu.memory_space<vmem>>, %arg3: memref<1000x1xf32, #tpu.memory_space<vmem>>, %arg4: memref<2048x2048xbf16, #tpu.memory_space<vmem>>, %arg5: memref<1x2048xf32, #tpu.memory_space<vmem>>, %arg6: memref<1x2048xf32, #tpu.memory_space<vmem>>) attributes {dimension_semantics = [], scalar_prefetch = 0 : i64, scratch_operands = 3 : i64, tpu.core_type = #tpu.core_type<tc>} {
    %get3A = arith.constant 0 : index
    %get3A_0 = arith.constant 0 : index
    %get3A_1 = vector.load %arg0[%get3A, %get3A_0] : memref<2048x16xf32, #tpu.memory_space<vmem>>, vector<2048x8xf32>
    %transpose3A = tpu.transpose %get3A_1, [1, 0] : vector<2048x8xf32> -> vector<8x2048xf32>
    %slice3A = vector.extract_strided_slice %transpose3A {offsets = [0, 0], sizes = [4, 2048], strides = [1, 1]} : vector<8x2048xf32> to vector<4x2048xf32>
    %slice3A_2 = vector.extract_strided_slice %transpose3A {offsets = [4, 0], sizes = [4, 2048], strides = [1, 1]} : vector<8x2048xf32> to vector<4x2048xf32>
    %slice3A_3 = vector.extract_strided_slice %slice3A_2 {offsets = [0, 0], sizes = [1, 2048], strides = [1, 1]} : vector<4x2048xf32> to vector<1x2048xf32>
    %slice3A_4 = vector.extract_strided_slice %slice3A_2 {offsets = [1, 0], sizes = [1, 2048], strides = [1, 1]} : vector<4x2048xf32> to vector<1x2048xf32>
    %slice3A_5 = vector.extract_strided_slice %slice3A_2 {offsets = [2, 0], sizes = [1, 2048], strides = [1, 1]} : vector<4x2048xf32> to vector<1x2048xf32>
    %min3A = arith.constant 3.33220458 : f32
    %min3A_6 = vector.broadcast %min3A : f32 to vector<1x2048xf32>
    %min3A_7 = arith.minimumf %slice3A_5, %min3A_6 : vector<1x2048xf32>
    %slice3A_8 = vector.extract_strided_slice %slice3A_2 {offsets = [3, 0], sizes = [1, 2048], strides = [1, 1]} : vector<4x2048xf32> to vector<1x2048xf32>
    %min3A_9 = arith.constant 3.33220458 : f32
    %min3A_10 = vector.broadcast %min3A_9 : f32 to vector<1x2048xf32>
    %min3A_11 = arith.minimumf %slice3A_8, %min3A_10 : vector<1x2048xf32>
    %slice3A_12 = vector.extract_strided_slice %slice3A {offsets = [0, 0], sizes = [1, 2048], strides = [1, 1]} : vector<4x2048xf32> to vector<1x2048xf32>
    %slice3A_13 = vector.extract_strided_slice %slice3A {offsets = [1, 0], sizes = [1, 2048], strides = [1, 1]} : vector<4x2048xf32> to vector<1x2048xf32>
    %slice3A_14 = vector.extract_strided_slice %slice3A {offsets = [2, 0], sizes = [1, 2048], strides = [1, 1]} : vector<4x2048xf32> to vector<1x2048xf32>
    %slice3A_15 = vector.extract_strided_slice %slice3A {offsets = [3, 0], sizes = [1, 2048], strides = [1, 1]} : vector<4x2048xf32> to vector<1x2048xf32>
    %sub3A = arith.subf %slice3A_14, %slice3A_12 : vector<1x2048xf32>
    %sub3A_16 = arith.subf %slice3A_15, %slice3A_13 : vector<1x2048xf32>
    %div3A = arith.constant 2.000000e+00 : f32
    %div3A_17 = vector.broadcast %div3A : f32 to vector<1x2048xf32>
    %div3A_18 = arith.divf %sub3A, %div3A_17 : vector<1x2048xf32>
    %add3A = arith.addf %slice3A_12, %div3A_18 : vector<1x2048xf32>
    %div3A_19 = arith.constant 2.000000e+00 : f32
    %div3A_20 = vector.broadcast %div3A_19 : f32 to vector<1x2048xf32>
    %div3A_21 = arith.divf %sub3A_16, %div3A_20 : vector<1x2048xf32>
    %add3A_22 = arith.addf %slice3A_13, %div3A_21 : vector<1x2048xf32>
    %mul3A = arith.mulf %sub3A, %slice3A_3 : vector<1x2048xf32>
    %add3A_23 = arith.addf %add3A, %mul3A : vector<1x2048xf32>
    %mul3A_24 = arith.mulf %sub3A_16, %slice3A_4 : vector<1x2048xf32>
    %add3A_25 = arith.addf %add3A_22, %mul3A_24 : vector<1x2048xf32>
    %exp3A = math.exp %min3A_7 : vector<1x2048xf32>
    %mul3A_26 = arith.mulf %sub3A, %exp3A : vector<1x2048xf32>
    %exp3A_27 = math.exp %min3A_11 : vector<1x2048xf32>
    %mul3A_28 = arith.mulf %sub3A_16, %exp3A_27 : vector<1x2048xf32>
    %div3A_29 = arith.constant 2.000000e+00 : f32
    %div3A_30 = vector.broadcast %div3A_29 : f32 to vector<1x2048xf32>
    %div3A_31 = arith.divf %mul3A_26, %div3A_30 : vector<1x2048xf32>
    %sub3A_32 = arith.subf %add3A_23, %div3A_31 : vector<1x2048xf32>
    %div3A_33 = arith.constant 2.000000e+00 : f32
    %div3A_34 = vector.broadcast %div3A_33 : f32 to vector<1x2048xf32>
    %div3A_35 = arith.divf %mul3A_28, %div3A_34 : vector<1x2048xf32>
    %sub3A_36 = arith.subf %add3A_25, %div3A_35 : vector<1x2048xf32>
    %div3A_37 = arith.constant 2.000000e+00 : f32
    %div3A_38 = vector.broadcast %div3A_37 : f32 to vector<1x2048xf32>
    %div3A_39 = arith.divf %mul3A_26, %div3A_38 : vector<1x2048xf32>
    %add3A_40 = arith.addf %add3A_23, %div3A_39 : vector<1x2048xf32>
    %div3A_41 = arith.constant 2.000000e+00 : f32
    %div3A_42 = vector.broadcast %div3A_41 : f32 to vector<1x2048xf32>
    %div3A_43 = arith.divf %mul3A_28, %div3A_42 : vector<1x2048xf32>
    %add3A_44 = arith.addf %add3A_25, %div3A_43 : vector<1x2048xf32>
    %sub3A_45 = arith.subf %add3A_40, %sub3A_32 : vector<1x2048xf32>
    %sub3A_46 = arith.subf %add3A_44, %sub3A_36 : vector<1x2048xf32>
    %mul3A_47 = arith.mulf %sub3A_45, %sub3A_46 : vector<1x2048xf32>
    %iota3A = tpu.iota {dimensions = array<i32: 1>} : vector<1x2048xi32>
    %broadcast_in_dim3A = arith.constant 0.000000e+00 : bf16
    %broadcast_in_dim3A_48 = vector.broadcast %broadcast_in_dim3A : bf16 to vector<256x256xbf16>
    %get3A_49 = arith.constant 0 : index
    %get3A_50 = arith.constant 0 : index
    %get3A_51 = vector.load %arg0[%get3A_49, %get3A_50] : memref<2048x16xf32, #tpu.memory_space<vmem>>, vector<256x4xf32>
    %get3A_52 = arith.constant 0 : index
    %get3A_53 = arith.constant 4 : index
    %get3A_54 = vector.load %arg0[%get3A_52, %get3A_53] : memref<2048x16xf32, #tpu.memory_space<vmem>>, vector<256x4xf32>
    %slice3A_55 = vector.extract_strided_slice %get3A_54 {offsets = [0, 0], sizes = [256, 1], strides = [1, 1]} : vector<256x4xf32> to vector<256x1xf32>
    %slice3A_56 = vector.extract_strided_slice %get3A_54 {offsets = [0, 1], sizes = [256, 1], strides = [1, 1]} : vector<256x4xf32> to vector<256x1xf32>
    %slice3A_57 = vector.extract_strided_slice %get3A_54 {offsets = [0, 2], sizes = [256, 1], strides = [1, 1]} : vector<256x4xf32> to vector<256x1xf32>
    %min3A_58 = arith.constant 3.33220458 : f32
    %min3A_59 = vector.broadcast %min3A_58 : f32 to vector<256x1xf32>
    %min3A_60 = arith.minimumf %slice3A_57, %min3A_59 : vector<256x1xf32>
    %slice3A_61 = vector.extract_strided_slice %get3A_54 {offsets = [0, 3], sizes = [256, 1], strides = [1, 1]} : vector<256x4xf32> to vector<256x1xf32>
    %min3A_62 = arith.constant 3.33220458 : f32
    %min3A_63 = vector.broadcast %min3A_62 : f32 to vector<256x1xf32>
    %min3A_64 = arith.minimumf %slice3A_61, %min3A_63 : vector<256x1xf32>
    %slice3A_65 = vector.extract_strided_slice %get3A_51 {offsets = [0, 0], sizes = [256, 1], strides = [1, 1]} : vector<256x4xf32> to vector<256x1xf32>
    %slice3A_66 = vector.extract_strided_slice %get3A_51 {offsets = [0, 1], sizes = [256, 1], strides = [1, 1]} : vector<256x4xf32> to vector<256x1xf32>
    %slice3A_67 = vector.extract_strided_slice %get3A_51 {offsets = [0, 2], sizes = [256, 1], strides = [1, 1]} : vector<256x4xf32> to vector<256x1xf32>
    %slice3A_68 = vector.extract_strided_slice %get3A_51 {offsets = [0, 3], sizes = [256, 1], strides = [1, 1]} : vector<256x4xf32> to vector<256x1xf32>
    %sub3A_69 = arith.subf %slice3A_67, %slice3A_65 : vector<256x1xf32>
    %sub3A_70 = arith.subf %slice3A_68, %slice3A_66 : vector<256x1xf32>
    %div3A_71 = arith.constant 2.000000e+00 : f32
    %div3A_72 = vector.broadcast %div3A_71 : f32 to vector<256x1xf32>
    %div3A_73 = arith.divf %sub3A_69, %div3A_72 : vector<256x1xf32>
    %add3A_74 = arith.addf %slice3A_65, %div3A_73 : vector<256x1xf32>
    %div3A_75 = arith.constant 2.000000e+00 : f32
    %div3A_76 = vector.broadcast %div3A_75 : f32 to vector<256x1xf32>
    %div3A_77 = arith.divf %sub3A_70, %div3A_76 : vector<256x1xf32>
    %add3A_78 = arith.addf %slice3A_66, %div3A_77 : vector<256x1xf32>
    %mul3A_79 = arith.mulf %sub3A_69, %slice3A_55 : vector<256x1xf32>
    %add3A_80 = arith.addf %add3A_74, %mul3A_79 : vector<256x1xf32>
    %mul3A_81 = arith.mulf %sub3A_70, %slice3A_56 : vector<256x1xf32>
    %add3A_82 = arith.addf %add3A_78, %mul3A_81 : vector<256x1xf32>
    %exp3A_83 = math.exp %min3A_60 : vector<256x1xf32>
    %mul3A_84 = arith.mulf %sub3A_69, %exp3A_83 : vector<256x1xf32>
    %exp3A_85 = math.exp %min3A_64 : vector<256x1xf32>
    %mul3A_86 = arith.mulf %sub3A_70, %exp3A_85 : vector<256x1xf32>
    %div3A_87 = arith.constant 2.000000e+00 : f32
    %div3A_88 = vector.broadcast %div3A_87 : f32 to vector<256x1xf32>
    %div3A_89 = arith.divf %mul3A_84, %div3A_88 : vector<256x1xf32>
    %sub3A_90 = arith.subf %add3A_80, %div3A_89 : vector<256x1xf32>
    %div3A_91 = arith.constant 2.000000e+00 : f32
    %div3A_92 = vector.broadcast %div3A_91 : f32 to vector<256x1xf32>
    %div3A_93 = arith.divf %mul3A_86, %div3A_92 : vector<256x1xf32>
    %sub3A_94 = arith.subf %add3A_82, %div3A_93 : vector<256x1xf32>
    %div3A_95 = arith.constant 2.000000e+00 : f32
    %div3A_96 = vector.broadcast %div3A_95 : f32 to vector<256x1xf32>
    %div3A_97 = arith.divf %mul3A_84, %div3A_96 : vector<256x1xf32>
    %add3A_98 = arith.addf %add3A_80, %div3A_97 : vector<256x1xf32>
    %div3A_99 = arith.constant 2.000000e+00 : f32
    %div3A_100 = vector.broadcast %div3A_99 : f32 to vector<256x1xf32>
    %div3A_101 = arith.divf %mul3A_86, %div3A_100 : vector<256x1xf32>
    %add3A_102 = arith.addf %add3A_82, %div3A_101 : vector<256x1xf32>
    %sub3A_103 = arith.subf %add3A_98, %sub3A_90 : vector<256x1xf32>
    %sub3A_104 = arith.subf %add3A_102, %sub3A_94 : vector<256x1xf32>
    %mul3A_105 = arith.mulf %sub3A_103, %sub3A_104 : vector<256x1xf32>
    %iota3A_106 = tpu.iota {dimensions = array<i32: 0>} : vector<256x1xi32>
    %add3A_107 = arith.constant 0 : i32
    %add3A_108 = vector.broadcast %add3A_107 : i32 to vector<256x1xi32>
    %add3A_109 = arith.addi %add3A_108, %iota3A_106 : vector<256x1xi32>
    %slice3A_110 = vector.extract_strided_slice %sub3A_32 {offsets = [0, 0], sizes = [1, 256], strides = [1, 1]} : vector<1x2048xf32> to vector<1x256xf32>
    %max3A = vector.broadcast %sub3A_90 : vector<256x1xf32> to vector<256x256xf32>
    %max3A_111 = vector.broadcast %slice3A_110 : vector<1x256xf32> to vector<256x256xf32>
    %max3A_112 = arith.maximumf %max3A, %max3A_111 : vector<256x256xf32>
    %slice3A_113 = vector.extract_strided_slice %sub3A_36 {offsets = [0, 0], sizes = [1, 256], strides = [1, 1]} : vector<1x2048xf32> to vector<1x256xf32>
    %max3A_114 = vector.broadcast %sub3A_94 : vector<256x1xf32> to vector<256x256xf32>
    %max3A_115 = vector.broadcast %slice3A_113 : vector<1x256xf32> to vector<256x256xf32>
    %max3A_116 = arith.maximumf %max3A_114, %max3A_115 : vector<256x256xf32>
    %slice3A_117 = vector.extract_strided_slice %add3A_40 {offsets = [0, 0], sizes = [1, 256], strides = [1, 1]} : vector<1x2048xf32> to vector<1x256xf32>
    %min3A_118 = vector.broadcast %add3A_98 : vector<256x1xf32> to vector<256x256xf32>
    %min3A_119 = vector.broadcast %slice3A_117 : vector<1x256xf32> to vector<256x256xf32>
    %min3A_120 = arith.minimumf %min3A_118, %min3A_119 : vector<256x256xf32>
    %slice3A_121 = vector.extract_strided_slice %add3A_44 {offsets = [0, 0], sizes = [1, 256], strides = [1, 1]} : vector<1x2048xf32> to vector<1x256xf32>
    %min3A_122 = vector.broadcast %add3A_102 : vector<256x1xf32> to vector<256x256xf32>
    %min3A_123 = vector.broadcast %slice3A_121 : vector<1x256xf32> to vector<256x256xf32>
    %min3A_124 = arith.minimumf %min3A_122, %min3A_123 : vector<256x256xf32>
    %sub3A_125 = arith.subf %min3A_120, %max3A_112 : vector<256x256xf32>
    %jit3A = arith.constant 0.000000e+00 : f32
    %max3A_126 = vector.broadcast %jit3A : f32 to vector<256x256xf32>
    %max3A_127 = arith.maximumf %max3A_126, %sub3A_125 : vector<256x256xf32>
    %sub3A_128 = arith.subf %min3A_124, %max3A_116 : vector<256x256xf32>
    %jit3A_129 = arith.constant 0.000000e+00 : f32
    %max3A_130 = vector.broadcast %jit3A_129 : f32 to vector<256x256xf32>
    %max3A_131 = arith.maximumf %max3A_130, %sub3A_128 : vector<256x256xf32>
    %mul3A_132 = arith.mulf %max3A_127, %max3A_131 : vector<256x256xf32>
    %slice3A_133 = vector.extract_strided_slice %mul3A_47 {offsets = [0, 0], sizes = [1, 256], strides = [1, 1]} : vector<1x2048xf32> to vector<1x256xf32>
    %add3A_134 = vector.broadcast %mul3A_105 : vector<256x1xf32> to vector<256x256xf32>
    %add3A_135 = vector.broadcast %slice3A_133 : vector<1x256xf32> to vector<256x256xf32>
    %add3A_136 = arith.addf %add3A_134, %add3A_135 : vector<256x256xf32>
    %sub3A_137 = arith.subf %add3A_136, %mul3A_132 : vector<256x256xf32>
    %div3A_138 = arith.divf %mul3A_132, %sub3A_137 : vector<256x256xf32>
    %iota3A_139 = tpu.iota {dimensions = array<i32: 1>} : vector<1x256xi32>
    %add3A_140 = arith.constant 0 : i32
    %add3A_141 = vector.broadcast %add3A_140 : i32 to vector<1x256xi32>
    %add3A_142 = arith.addi %add3A_141, %iota3A_139 : vector<1x256xi32>
    %lt3A = vector.broadcast %add3A_109 : vector<256x1xi32> to vector<256x256xi32>
    %lt3A_143 = vector.broadcast %add3A_142 : vector<1x256xi32> to vector<256x256xi32>
    %lt3A_144 = arith.cmpi slt, %lt3A, %lt3A_143 : vector<256x256xi32>
    %gt3A = arith.constant 0.699999988 : f32
    %gt3A_145 = vector.broadcast %gt3A : f32 to vector<256x256xf32>
    %gt3A_146 = arith.cmpf ogt, %div3A_138, %gt3A_145 : vector<256x256xf32>
    %and3A = arith.andi %gt3A_146, %lt3A_144 : vector<256x256xi1>
    %jit3A_147 = arith.constant 1.000000e+00 : f32
    %jit3A_148 = arith.constant 0.000000e+00 : f32
    %broadcast_in_dim3A_149 = vector.broadcast %jit3A_147 : f32 to vector<256x256xf32>
    %broadcast_in_dim3A_150 = vector.broadcast %jit3A_148 : f32 to vector<256x256xf32>
    %select_n3A = arith.select %and3A, %broadcast_in_dim3A_149, %broadcast_in_dim3A_150 : vector<256x256xi1>, vector<256x256xf32>
    %convert_element_type3A = arith.truncf %select_n3A : vector<256x256xf32> to vector<256x256xbf16>
    %swap3A = arith.constant 0 : index
    %swap3A_151 = arith.constant 0 : index
    %swap3A_152 = vector.load %arg4[%swap3A, %swap3A_151] : memref<2048x2048xbf16, #tpu.memory_space<vmem>>, vector<256x256xbf16>
    tpu.vector_store %arg4[%swap3A, %swap3A_151], %convert_element_type3A {strides = array<i32>} : memref<2048x2048xbf16, #tpu.memory_space<vmem>>, vector<256x256xbf16>,
    %slice3A_153 = vector.extract_strided_slice %sub3A_32 {offsets = [0, 256], sizes = [1, 256], strides = [1, 1]} : vector<1x2048xf32> to vector<1x256xf32>
    %max3A_154 = vector.broadcast %sub3A_90 : vector<256x1xf32> to vector<256x256xf32>
    %max3A_155 = vector.broadcast %slice3A_153 : vector<1x256xf32> to vector<256x256xf32>
    %max3A_156 = arith.maximumf %max3A_154, %max3A_155 : vector<256x256xf32>
    %slice3A_157 = vector.extract_strided_slice %sub3A_36 {offsets = [0, 256], sizes = [1, 256], strides = [1, 1]} : vector<1x2048xf32> to vector<1x256xf32>
    %max3A_158 = vector.broadcast %sub3A_94 : vector<256x1xf32> to vector<256x256xf32>
    %max3A_159 = vector.broadcast %slice3A_157 : vector<1x256xf32> to vector<256x256xf32>
    %max3A_160 = arith.maximumf %max3A_158, %max3A_159 : vector<256x256xf32>
    %slice3A_161 = vector.extract_strided_slice %add3A_40 {offsets = [0, 256], sizes = [1, 256], strides = [1, 1]} : vector<1x2048xf32> to vector<1x256xf32>
    %min3A_162 = vector.broadcast %add3A_98 : vector<256x1xf32> to vector<256x256xf32>
    %min3A_163 = vector.broadcast %slice3A_161 : vector<1x256xf32> to vector<256x256xf32>
    %min3A_164 = arith.minimumf %min3A_162, %min3A_163 : vector<256x256xf32>
    %slice3A_165 = vector.extract_strided_slice %add3A_44 {offsets = [0, 256], sizes = [1, 256], strides = [1, 1]} : vector<1x2048xf32> to vector<1x256xf32>
    %min3A_166 = vector.broadcast %add3A_102 : vector<256x1xf32> to vector<256x256xf32>
    %min3A_167 = vector.broadcast %slice3A_165 : vector<1x256xf32> to vector<256x256xf32>
    %min3A_168 = arith.minimumf %min3A_166, %min3A_167 : vector<256x256xf32>
    %sub3A_169 = arith.subf %min3A_164, %max3A_156 : vector<256x256xf32>
    %jit3A_170 = arith.constant 0.000000e+00 : f32
    %max3A_171 = vector.broadcast %jit3A_170 : f32 to vector<256x256xf32>
    %max3A_172 = arith.maximumf %max3A_171, %sub3A_169 : vector<256x256xf32>
    %sub3A_173 = arith.subf %min3A_168, %max3A_160 : vector<256x256xf32>
    %jit3A_174 = arith.constant 0.000000e+00 : f32
    %max3A_175 = vector.broadcast %jit3A_174 : f32 to vector<256x256xf32>
    %max3A_176 = arith.maximumf %max3A_175, %sub3A_173 : vector<256x256xf32>
    %mul3A_177 = arith.mulf %max3A_172, %max3A_176 : vector<256x256xf32>
    %slice3A_178 = vector.extract_strided_slice %mul3A_47 {offsets = [0, 256], sizes = [1, 256], strides = [1, 1]} : vector<1x2048xf32> to vector<1x256xf32>
    %add3A_179 = vector.broadcast %mul3A_105 : vector<256x1xf32> to vector<256x256xf32>
    %add3A_180 = vector.broadcast %slice3A_178 : vector<1x256xf32> to vector<256x256xf32>
    %add3A_181 = arith.addf %add3A_179, %add3A_180 : vector<256x256xf32>
    %sub3A_182 = arith.subf %add3A_181, %mul3A_177 : vector<256x256xf32>
    %div3A_183 = arith.divf %mul3A_177, %sub3A_182 : vector<256x256xf32>
    %gt3A_184 = arith.constant 0.699999988 : f32
    %gt3A_185 = vector.broadcast %gt3A_184 : f32 to vector<256x256xf32>
    %gt3A_186 = arith.cmpf ogt, %div3A_183, %gt3A_185 : vector<256x256xf32>
    %jit3A_187 = arith.constant 1.000000e+00 : f32
    %jit3A_188 = arith.constant 0.000000e+00 : f32
    %broadcast_in_dim3A_189 = vector.broadcast %jit3A_187 : f32 to vector<256x256xf32>
    %broadcast_in_dim3A_190 = vector.broadcast %jit3A_188 : f32 to vector<256x256xf32>
    %select_n3A_191 = arith.select %gt3A_186, %broadcast_in_dim3A_189, %broadcast_in_dim3A_190 : vector<256x256xi1>, vector<256x256xf32>
    %convert_element_type3A_192 = arith.truncf %select_n3A_191 : vector<256x256xf32> to vector<256x256xbf16>
    %swap3A_193 = arith.constant 0 : index
    %swap3A_194 = arith.constant 256 : index
    %swap3A_195 = vector.load %arg4[%swap3A_193, %swap3A_194] : memref<2048x2048xbf16, #tpu.memory_space<vmem>>, vector<256x256xbf16>
    tpu.vector_store %arg4[%swap3A_193, %swap3A_194], %convert_element_type3A_192 {strides = array<i32>} : memref<2048x2048xbf16, #tpu.memory_space<vmem>>, vector<256x256xbf16>,
    %slice3A_196 = vector.extract_strided_slice %sub3A_32 {offsets = [0, 512], sizes = [1, 256], strides = [1, 1]} : vector<1x2048xf32> to vector<1x256xf32>
    %max3A_197 = vector.broadcast %sub3A_90 : vector<256x1xf32> to vector<256x256xf32>
    %max3A_198 = vector.broadcast %slice3A_196 : vector<1x256xf32> to vector<256x256xf32>
    %max3A_199 = arith.maximumf %max3A_197, %max3A_198 : vector<256x256xf32>
    %slice3A_200 = vector.extract_strided_slice %sub3A_36 {offsets = [0, 512], sizes = [1, 256], strides = [1, 1]} : vector<1x2048xf32> to vector<1x256xf32>
    %max3A_201 = vector.broadcast %sub3A_94 : vector<256x1xf32> to vector<256x256xf32>
    %max3A_202 = vector.broadcast %slice3A_200 : vector<1x256xf32> to vector<256x256xf32>
    %max3A_203 = arith.maximumf %max3A_201, %max3A_202 : vector<256x256xf32>
    %slice3A_204 = vector.extract_strided_slice %add3A_40 {offsets = [0, 512], sizes = [1, 256], strides = [1, 1]} : vector<1x2048xf32> to vector<1x256xf32>
    %min3A_205 = vector.broadcast %add3A_98 : vector<256x1xf32> to vector<256x256xf32>
    %min3A_206 = vector.broadcast %slice3A_204 : vector<1x256xf32> to vector<256x256xf32>
    %min3A_207 = arith.minimumf %min3A_205, %min3A_206 : vector<256x256xf32>
    %slice3A_208 = vector.extract_strided_slice %add3A_44 {offsets = [0, 512], sizes = [1, 256], strides = [1, 1]} : vector<1x2048xf32> to vector<1x256xf32>
    %min3A_209 = vector.broadcast %add3A_102 : vector<256x1xf32> to vector<256x256xf32>
    %min3A_210 = vector.broadcast %slice3A_208 : vector<1x256xf32> to vector<256x256xf32>
    %min3A_211 = arith.minimumf %min3A_209, %min3A_210 : vector<256x256xf32>
    %sub3A_212 = arith.subf %min3A_207, %max3A_199 : vector<256x256xf32>
    %jit3A_213 = arith.constant 0.000000e+00 : f32
    %max3A_214 = vector.broadcast %jit3A_213 : f32 to vector<256x256xf32>
    %max3A_215 = arith.maximumf %max3A_214, %sub3A_212 : vector<256x256xf32>
    %sub3A_216 = arith.subf %min3A_211, %max3A_203 : vector<256x256xf32>
    %jit3A_217 = arith.constant 0.000000e+00 : f32
    %max3A_218 = vector.broadcast %jit3A_217 : f32 to vector<256x256xf32>
    %max3A_219 = arith.maximumf %max3A_218, %sub3A_216 : vector<256x256xf32>
    %mul3A_220 = arith.mulf %max3A_215, %max3A_219 : vector<256x256xf32>
    %slice3A_221 = vector.extract_strided_slice %mul3A_47 {offsets = [0, 512], sizes = [1, 256], strides = [1, 1]} : vector<1x2048xf32> to vector<1x256xf32>
    %add3A_222 = vector.broadcast %mul3A_105 : vector<256x1xf32> to vector<256x256xf32>
    %add3A_223 = vector.broadcast %slice3A_221 : vector<1x256xf32> to vector<256x256xf32>
    %add3A_224 = arith.addf %add3A_222, %add3A_223 : vector<256x256xf32>
    %sub3A_225 = arith.subf %add3A_224, %mul3A_220 : vector<256x256xf32>
    %div3A_226 = arith.divf %mul3A_220, %sub3A_225 : vector<256x256xf32>
    %gt3A_227 = arith.constant 0.699999988 : f32
    %gt3A_228 = vector.broadcast %gt3A_227 : f32 to vector<256x256xf32>
    %gt3A_229 = arith.cmpf ogt, %div3A_226, %gt3A_228 : vector<256x256xf32>
    %jit3A_230 = arith.constant 1.000000e+00 : f32
    %jit3A_231 = arith.constant 0.000000e+00 : f32
    %broadcast_in_dim3A_232 = vector.broadcast %jit3A_230 : f32 to vector<256x256xf32>
    %broadcast_in_dim3A_233 = vector.broadcast %jit3A_231 : f32 to vector<256x256xf32>
    %select_n3A_234 = arith.select %gt3A_229, %broadcast_in_dim3A_232, %broadcast_in_dim3A_233 : vector<256x256xi1>, vector<256x256xf32>
    %convert_element_type3A_235 = arith.truncf %select_n3A_234 : vector<256x256xf32> to vector<256x256xbf16>
    %swap3A_236 = arith.constant 0 : index
    %swap3A_237 = arith.constant 512 : index
    %swap3A_238 = vector.load %arg4[%swap3A_236, %swap3A_237] : memref<2048x2048xbf16, #tpu.memory_space<vmem>>, vector<256x256xbf16>
    tpu.vector_store %arg4[%swap3A_236, %swap3A_237], %convert_element_type3A_235 {strides = array<i32>} : memref<2048x2048xbf16, #tpu.memory_space<vmem>>, vector<256x256xbf16>,
    %slice3A_239 = vector.extract_strided_slice %sub3A_32 {offsets = [0, 768], sizes = [1, 256], strides = [1, 1]} : vector<1x2048xf32> to vector<1x256xf32>
    %max3A_240 = vector.broadcast %sub3A_90 : vector<256x1xf32> to vector<256x256xf32>
    %max3A_241 = vector.broadcast %slice3A_239 : vector<1x256xf32> to vector<256x256xf32>
    %max3A_242 = arith.maximumf %max3A_240, %max3A_241 : vector<256x256xf32>
    %slice3A_243 = vector.extract_strided_slice %sub3A_36 {offsets = [0, 768], sizes = [1, 256], strides = [1, 1]} : vector<1x2048xf32> to vector<1x256xf32>
    %max3A_244 = vector.broadcast %sub3A_94 : vector<256x1xf32> to vector<256x256xf32>
    %max3A_245 = vector.broadcast %slice3A_243 : vector<1x256xf32> to vector<256x256xf32>
    %max3A_246 = arith.maximumf %max3A_244, %max3A_245 : vector<256x256xf32>
    %slice3A_247 = vector.extract_strided_slice %add3A_40 {offsets = [0, 768], sizes = [1, 256], strides = [1, 1]} : vector<1x2048xf32> to vector<1x256xf32>
    %min3A_248 = vector.broadcast %add3A_98 : vector<256x1xf32> to vector<256x256xf32>
    %min3A_249 = vector.broadcast %slice3A_247 : vector<1x256xf32> to vector<256x256xf32>
    %min3A_250 = arith.minimumf %min3A_248, %min3A_249 : vector<256x256xf32>
    %slice3A_251 = vector.extract_strided_slice %add3A_44 {offsets = [0, 768], sizes = [1, 256], strides = [1, 1]} : vector<1x2048xf32> to vector<1x256xf32>
    %min3A_252 = vector.broadcast %add3A_102 : vector<256x1xf32> to vector<256x256xf32>
    %min3A_253 = vector.broadcast %slice3A_251 : vector<1x256xf32> to vector<256x256xf32>
    %min3A_254 = arith.minimumf %min3A_252, %min3A_253 : vector<256x256xf32>
    %sub3A_255 = arith.subf %min3A_250, %max3A_242 : vector<256x256xf32>
    %jit3A_256 = arith.constant 0.000000e+00 : f32
    %max3A_257 = vector.broadcast %jit3A_256 : f32 to vector<256x256xf32>
    %max3A_258 = arith.maximumf %max3A_257, %sub3A_255 : vector<256x256xf32>
    %sub3A_259 = arith.subf %min3A_254, %max3A_246 : vector<256x256xf32>
    %jit3A_260 = arith.constant 0.000000e+00 : f32
    %max3A_261 = vector.broadcast %jit3A_260 : f32 to vector<256x256xf32>
    %max3A_262 = arith.maximumf %max3A_261, %sub3A_259 : vector<256x256xf32>
    %mul3A_263 = arith.mulf %max3A_258, %max3A_262 : vector<256x256xf32>
    %slice3A_264 = vector.extract_strided_slice %mul3A_47 {offsets = [0, 768], sizes = [1, 256], strides = [1, 1]} : vector<1x2048xf32> to vector<1x256xf32>
    %add3A_265 = vector.broadcast %mul3A_105 : vector<256x1xf32> to vector<256x256xf32>
    %add3A_266 = vector.broadcast %slice3A_264 : vector<1x256xf32> to vector<256x256xf32>
    %add3A_267 = arith.addf %add3A_265, %add3A_266 : vector<256x256xf32>
    %sub3A_268 = arith.subf %add3A_267, %mul3A_263 : vector<256x256xf32>
    %div3A_269 = arith.divf %mul3A_263, %sub3A_268 : vector<256x256xf32>
    %gt3A_270 = arith.constant 0.699999988 : f32
    %gt3A_271 = vector.broadcast %gt3A_270 : f32 to vector<256x256xf32>
    %gt3A_272 = arith.cmpf ogt, %div3A_269, %gt3A_271 : vector<256x256xf32>
    %jit3A_273 = arith.constant 1.000000e+00 : f32
    %jit3A_274 = arith.constant 0.000000e+00 : f32
    %broadcast_in_dim3A_275 = vector.broadcast %jit3A_273 : f32 to vector<256x256xf32>
    %broadcast_in_dim3A_276 = vector.broadcast %jit3A_274 : f32 to vector<256x256xf32>
    %select_n3A_277 = arith.select %gt3A_272, %broadcast_in_dim3A_275, %broadcast_in_dim3A_276 : vector<256x256xi1>, vector<256x256xf32>
    %convert_element_type3A_278 = arith.truncf %select_n3A_277 : vector<256x256xf32> to vector<256x256xbf16>
    %swap3A_279 = arith.constant 0 : index
    %swap3A_280 = arith.constant 768 : index
    %swap3A_281 = vector.load %arg4[%swap3A_279, %swap3A_280] : memref<2048x2048xbf16, #tpu.memory_space<vmem>>, vector<256x256xbf16>
    tpu.vector_store %arg4[%swap3A_279, %swap3A_280], %convert_element_type3A_278 {strides = array<i32>} : memref<2048x2048xbf16, #tpu.memory_space<vmem>>, vector<256x256xbf16>,
    %slice3A_282 = vector.extract_strided_slice %sub3A_32 {offsets = [0, 1024], sizes = [1, 256], strides = [1, 1]} : vector<1x2048xf32> to vector<1x256xf32>
    %max3A_283 = vector.broadcast %sub3A_90 : vector<256x1xf32> to vector<256x256xf32>
    %max3A_284 = vector.broadcast %slice3A_282 : vector<1x256xf32> to vector<256x256xf32>
    %max3A_285 = arith.maximumf %max3A_283, %max3A_284 : vector<256x256xf32>
    %slice3A_286 = vector.extract_strided_slice %sub3A_36 {offsets = [0, 1024], sizes = [1, 256], strides = [1, 1]} : vector<1x2048xf32> to vector<1x256xf32>
    %max3A_287 = vector.broadcast %sub3A_94 : vector<256x1xf32> to vector<256x256xf32>
    %max3A_288 = vector.broadcast %slice3A_286 : vector<1x256xf32> to vector<256x256xf32>
    %max3A_289 = arith.maximumf %max3A_287, %max3A_288 : vector<256x256xf32>
    %slice3A_290 = vector.extract_strided_slice %add3A_40 {offsets = [0, 1024], sizes = [1, 256], strides = [1, 1]} : vector<1x2048xf32> to vector<1x256xf32>
    %min3A_291 = vector.broadcast %add3A_98 : vector<256x1xf32> to vector<256x256xf32>
    %min3A_292 = vector.broadcast %slice3A_290 : vector<1x256xf32> to vector<256x256xf32>
    %min3A_293 = arith.minimumf %min3A_291, %min3A_292 : vector<256x256xf32>
    %slice3A_294 = vector.extract_strided_slice %add3A_44 {offsets = [0, 1024], sizes = [1, 256], strides = [1, 1]} : vector<1x2048xf32> to vector<1x256xf32>
    %min3A_295 = vector.broadcast %add3A_102 : vector<256x1xf32> to vector<256x256xf32>
    %min3A_296 = vector.broadcast %slice3A_294 : vector<1x256xf32> to vector<256x256xf32>
    %min3A_297 = arith.minimumf %min3A_295, %min3A_296 : vector<256x256xf32>
    %sub3A_298 = arith.subf %min3A_293, %max3A_285 : vector<256x256xf32>
    %jit3A_299 = arith.constant 0.000000e+00 : f32
    %max3A_300 = vector.broadcast %jit3A_299 : f32 to vector<256x256xf32>
    %max3A_301 = arith.maximumf %max3A_300, %sub3A_298 : vector<256x256xf32>
    %sub3A_302 = arith.subf %min3A_297, %max3A_289 : vector<256x256xf32>
    %jit3A_303 = arith.constant 0.000000e+00 : f32
    %max3A_304 = vector.broadcast %jit3A_303 : f32 to vector<256x256xf32>
    %max3A_305 = arith.maximumf %max3A_304, %sub3A_302 : vector<256x256xf32>
    %mul3A_306 = arith.mulf %max3A_301, %max3A_305 : vector<256x256xf32>
    %slice3A_307 = vector.extract_strided_slice %mul3A_47 {offsets = [0, 1024], sizes = [1, 256], strides = [1, 1]} : vector<1x2048xf32> to vector<1x256xf32>
    %add3A_308 = vector.broadcast %mul3A_105 : vector<256x1xf32> to vector<256x256xf32>
    %add3A_309 = vector.broadcast %slice3A_307 : vector<1x256xf32> to vector<256x256xf32>
    %add3A_310 = arith.addf %add3A_308, %add3A_309 : vector<256x256xf32>
    %sub3A_311 = arith.subf %add3A_310, %mul3A_306 : vector<256x256xf32>
    %div3A_312 = arith.divf %mul3A_306, %sub3A_311 : vector<256x256xf32>
    %gt3A_313 = arith.constant 0.699999988 : f32
    %gt3A_314 = vector.broadcast %gt3A_313 : f32 to vector<256x256xf32>
    %gt3A_315 = arith.cmpf ogt, %div3A_312, %gt3A_314 : vector<256x256xf32>
    %jit3A_316 = arith.constant 1.000000e+00 : f32
    %jit3A_317 = arith.constant 0.000000e+00 : f32
    %broadcast_in_dim3A_318 = vector.broadcast %jit3A_316 : f32 to vector<256x256xf32>
    %broadcast_in_dim3A_319 = vector.broadcast %jit3A_317 : f32 to vector<256x256xf32>
    %select_n3A_320 = arith.select %gt3A_315, %broadcast_in_dim3A_318, %broadcast_in_dim3A_319 : vector<256x256xi1>, vector<256x256xf32>
    %convert_element_type3A_321 = arith.truncf %select_n3A_320 : vector<256x256xf32> to vector<256x256xbf16>
    %swap3A_322 = arith.constant 0 : index
    %swap3A_323 = arith.constant 1024 : index
    %swap3A_324 = vector.load %arg4[%swap3A_322, %swap3A_323] : memref<2048x2048xbf16, #tpu.memory_space<vmem>>, vector<256x256xbf16>
    tpu.vector_store %arg4[%swap3A_322, %swap3A_323], %convert_element_type3A_321 {strides = array<i32>} : memref<2048x2048xbf16, #tpu.memory_space<vmem>>, vector<256x256xbf16>,
    %slice3A_325 = vector.extract_strided_slice %sub3A_32 {offsets = [0, 1280], sizes = [1, 256], strides = [1, 1]} : vector<1x2048xf32> to vector<1x256xf32>
    %max3A_326 = vector.broadcast %sub3A_90 : vector<256x1xf32> to vector<256x256xf32>
    %max3A_327 = vector.broadcast %slice3A_325 : vector<1x256xf32> to vector<256x256xf32>
    %max3A_328 = arith.maximumf %max3A_326, %max3A_327 : vector<256x256xf32>
    %slice3A_329 = vector.extract_strided_slice %sub3A_36 {offsets = [0, 1280], sizes = [1, 256], strides = [1, 1]} : vector<1x2048xf32> to vector<1x256xf32>
    %max3A_330 = vector.broadcast %sub3A_94 : vector<256x1xf32> to vector<256x256xf32>
    %max3A_331 = vector.broadcast %slice3A_329 : vector<1x256xf32> to vector<256x256xf32>
    %max3A_332 = arith.maximumf %max3A_330, %max3A_331 : vector<256x256xf32>
    %slice3A_333 = vector.extract_strided_slice %add3A_40 {offsets = [0, 1280], sizes = [1, 256], strides = [1, 1]} : vector<1x2048xf32> to vector<1x256xf32>
    %min3A_334 = vector.broadcast %add3A_98 : vector<256x1xf32> to vector<256x256xf32>
    %min3A_335 = vector.broadcast %slice3A_333 : vector<1x256xf32> to vector<256x256xf32>
    %min3A_336 = arith.minimumf %min3A_334, %min3A_335 : vector<256x256xf32>
    %slice3A_337 = vector.extract_strided_slice %add3A_44 {offsets = [0, 1280], sizes = [1, 256], strides = [1, 1]} : vector<1x2048xf32> to vector<1x256xf32>
    %min3A_338 = vector.broadcast %add3A_102 : vector<256x1xf32> to vector<256x256xf32>
    %min3A_339 = vector.broadcast %slice3A_337 : vector<1x256xf32> to vector<256x256xf32>
    %min3A_340 = arith.minimumf %min3A_338, %min3A_339 : vector<256x256xf32>
    %sub3A_341 = arith.subf %min3A_336, %max3A_328 : vector<256x256xf32>
    %jit3A_342 = arith.constant 0.000000e+00 : f32
    %max3A_343 = vector.broadcast %jit3A_342 : f32 to vector<256x256xf32>
    %max3A_344 = arith.maximumf %max3A_343, %sub3A_341 : vector<256x256xf32>
    %sub3A_345 = arith.subf %min3A_340, %max3A_332 : vector<256x256xf32>
    %jit3A_346 = arith.constant 0.000000e+00 : f32
    %max3A_347 = vector.broadcast %jit3A_346 : f32 to vector<256x256xf32>
    %max3A_348 = arith.maximumf %max3A_347, %sub3A_345 : vector<256x256xf32>
    %mul3A_349 = arith.mulf %max3A_344, %max3A_348 : vector<256x256xf32>
    %slice3A_350 = vector.extract_strided_slice %mul3A_47 {offsets = [0, 1280], sizes = [1, 256], strides = [1, 1]} : vector<1x2048xf32> to vector<1x256xf32>
    %add3A_351 = vector.broadcast %mul3A_105 : vector<256x1xf32> to vector<256x256xf32>
    %add3A_352 = vector.broadcast %slice3A_350 : vector<1x256xf32> to vector<256x256xf32>
    %add3A_353 = arith.addf %add3A_351, %add3A_352 : vector<256x256xf32>
    %sub3A_354 = arith.subf %add3A_353, %mul3A_349 : vector<256x256xf32>
    %div3A_355 = arith.divf %mul3A_349, %sub3A_354 : vector<256x256xf32>
    %gt3A_356 = arith.constant 0.699999988 : f32
    %gt3A_357 = vector.broadcast %gt3A_356 : f32 to vector<256x256xf32>
    %gt3A_358 = arith.cmpf ogt, %div3A_355, %gt3A_357 : vector<256x256xf32>
    %jit3A_359 = arith.constant 1.000000e+00 : f32
    %jit3A_360 = arith.constant 0.000000e+00 : f32
    %broadcast_in_dim3A_361 = vector.broadcast %jit3A_359 : f32 to vector<256x256xf32>
    %broadcast_in_dim3A_362 = vector.broadcast %jit3A_360 : f32 to vector<256x256xf32>
    %select_n3A_363 = arith.select %gt3A_358, %broadcast_in_dim3A_361, %broadcast_in_dim3A_362 : vector<256x256xi1>, vector<256x256xf32>
    %convert_element_type3A_364 = arith.truncf %select_n3A_363 : vector<256x256xf32> to vector<256x256xbf16>
    %swap3A_365 = arith.constant 0 : index
    %swap3A_366 = arith.constant 1280 : index
    %swap3A_367 = vector.load %arg4[%swap3A_365, %swap3A_366] : memref<2048x2048xbf16, #tpu.memory_space<vmem>>, vector<256x256xbf16>
    tpu.vector_store %arg4[%swap3A_365, %swap3A_366], %convert_element_type3A_364 {strides = array<i32>} : memref<2048x2048xbf16, #tpu.memory_space<vmem>>, vector<256x256xbf16>,
    %slice3A_368 = vector.extract_strided_slice %sub3A_32 {offsets = [0, 1536], sizes = [1, 256], strides = [1, 1]} : vector<1x2048xf32> to vector<1x256xf32>
    %max3A_369 = vector.broadcast %sub3A_90 : vector<256x1xf32> to vector<256x256xf32>
    %max3A_370 = vector.broadcast %slice3A_368 : vector<1x256xf32> to vector<256x256xf32>
    %max3A_371 = arith.maximumf %max3A_369, %max3A_370 : vector<256x256xf32>
    %slice3A_372 = vector.extract_strided_slice %sub3A_36 {offsets = [0, 1536], sizes = [1, 256], strides = [1, 1]} : vector<1x2048xf32> to vector<1x256xf32>
    %max3A_373 = vector.broadcast %sub3A_94 : vector<256x1xf32> to vector<256x256xf32>
    %max3A_374 = vector.broadcast %slice3A_372 : vector<1x256xf32> to vector<256x256xf32>
    %max3A_375 = arith.maximumf %max3A_373, %max3A_374 : vector<256x256xf32>
    %slice3A_376 = vector.extract_strided_slice %add3A_40 {offsets = [0, 1536], sizes = [1, 256], strides = [1, 1]} : vector<1x2048xf32> to vector<1x256xf32>
    %min3A_377 = vector.broadcast %add3A_98 : vector<256x1xf32> to vector<256x256xf32>
    %min3A_378 = vector.broadcast %slice3A_376 : vector<1x256xf32> to vector<256x256xf32>
    %min3A_379 = arith.minimumf %min3A_377, %min3A_378 : vector<256x256xf32>
    %slice3A_380 = vector.extract_strided_slice %add3A_44 {offsets = [0, 1536], sizes = [1, 256], strides = [1, 1]} : vector<1x2048xf32> to vector<1x256xf32>
    %min3A_381 = vector.broadcast %add3A_102 : vector<256x1xf32> to vector<256x256xf32>
    %min3A_382 = vector.broadcast %slice3A_380 : vector<1x256xf32> to vector<256x256xf32>
    %min3A_383 = arith.minimumf %min3A_381, %min3A_382 : vector<256x256xf32>
    %sub3A_384 = arith.subf %min3A_379, %max3A_371 : vector<256x256xf32>
    %jit3A_385 = arith.constant 0.000000e+00 : f32
    %max3A_386 = vector.broadcast %jit3A_385 : f32 to vector<256x256xf32>
    %max3A_387 = arith.maximumf %max3A_386, %sub3A_384 : vector<256x256xf32>
    %sub3A_388 = arith.subf %min3A_383, %max3A_375 : vector<256x256xf32>
    %jit3A_389 = arith.constant 0.000000e+00 : f32
    %max3A_390 = vector.broadcast %jit3A_389 : f32 to vector<256x256xf32>
    %max3A_391 = arith.maximumf %max3A_390, %sub3A_388 : vector<256x256xf32>
    %mul3A_392 = arith.mulf %max3A_387, %max3A_391 : vector<256x256xf32>
    %slice3A_393 = vector.extract_strided_slice %mul3A_47 {offsets = [0, 1536], sizes = [1, 256], strides = [1, 1]} : vector<1x2048xf32> to vector<1x256xf32>
    %add3A_394 = vector.broadcast %mul3A_105 : vector<256x1xf32> to vector<256x256xf32>
    %add3A_395 = vector.broadcast %slice3A_393 : vector<1x256xf32> to vector<256x256xf32>
    %add3A_396 = arith.addf %add3A_394, %add3A_395 : vector<256x256xf32>
    %sub3A_397 = arith.subf %add3A_396, %mul3A_392 : vector<256x256xf32>
    %div3A_398 = arith.divf %mul3A_392, %sub3A_397 : vector<256x256xf32>
    %gt3A_399 = arith.constant 0.699999988 : f32
    %gt3A_400 = vector.broadcast %gt3A_399 : f32 to vector<256x256xf32>
    %gt3A_401 = arith.cmpf ogt, %div3A_398, %gt3A_400 : vector<256x256xf32>
    %jit3A_402 = arith.constant 1.000000e+00 : f32
    %jit3A_403 = arith.constant 0.000000e+00 : f32
    %broadcast_in_dim3A_404 = vector.broadcast %jit3A_402 : f32 to vector<256x256xf32>
    %broadcast_in_dim3A_405 = vector.broadcast %jit3A_403 : f32 to vector<256x256xf32>
    %select_n3A_406 = arith.select %gt3A_401, %broadcast_in_dim3A_404, %broadcast_in_dim3A_405 : vector<256x256xi1>, vector<256x256xf32>
    %convert_element_type3A_407 = arith.truncf %select_n3A_406 : vector<256x256xf32> to vector<256x256xbf16>
    %swap3A_408 = arith.constant 0 : index
    %swap3A_409 = arith.constant 1536 : index
    %swap3A_410 = vector.load %arg4[%swap3A_408, %swap3A_409] : memref<2048x2048xbf16, #tpu.memory_space<vmem>>, vector<256x256xbf16>
    tpu.vector_store %arg4[%swap3A_408, %swap3A_409], %convert_element_type3A_407 {strides = array<i32>} : memref<2048x2048xbf16, #tpu.memory_space<vmem>>, vector<256x256xbf16>,
    %slice3A_411 = vector.extract_strided_slice %sub3A_32 {offsets = [0, 1792], sizes = [1, 256], strides = [1, 1]} : vector<1x2048xf32> to vector<1x256xf32>
    %max3A_412 = vector.broadcast %sub3A_90 : vector<256x1xf32> to vector<256x256xf32>
    %max3A_413 = vector.broadcast %slice3A_411 : vector<1x256xf32> to vector<256x256xf32>
    %max3A_414 = arith.maximumf %max3A_412, %max3A_413 : vector<256x256xf32>
    %slice3A_415 = vector.extract_strided_slice %sub3A_36 {offsets = [0, 1792], sizes = [1, 256], strides = [1, 1]} : vector<1x2048xf32> to vector<1x256xf32>
    %max3A_416 = vector.broadcast %sub3A_94 : vector<256x1xf32> to vector<256x256xf32>
    %max3A_417 = vector.broadcast %slice3A_415 : vector<1x256xf32> to vector<256x256xf32>
    %max3A_418 = arith.maximumf %max3A_416, %max3A_417 : vector<256x256xf32>
    %slice3A_419 = vector.extract_strided_slice %add3A_40 {offsets = [0, 1792], sizes = [1, 256], strides = [1, 1]} : vector<1x2048xf32> to vector<1x256xf32>
    %min3A_420 = vector.broadcast %add3A_98 : vector<256x1xf32> to vector<256x256xf32>
    %min3A_421 = vector.broadcast %slice3A_419 : vector<1x256xf32> to vector<256x256xf32>
    %min3A_422 = arith.minimumf %min3A_420, %min3A_421 : vector<256x256xf32>
    %slice3A_423 = vector.extract_strided_slice %add3A_44 {offsets = [0, 1792], sizes = [1, 256], strides = [1, 1]} : vector<1x2048xf32> to vector<1x256xf32>
    %min3A_424 = vector.broadcast %add3A_102 : vector<256x1xf32> to vector<256x256xf32>
    %min3A_425 = vector.broadcast %slice3A_423 : vector<1x256xf32> to vector<256x256xf32>
    %min3A_426 = arith.minimumf %min3A_424, %min3A_425 : vector<256x256xf32>
    %sub3A_427 = arith.subf %min3A_422, %max3A_414 : vector<256x256xf32>
    %jit3A_428 = arith.constant 0.000000e+00 : f32
    %max3A_429 = vector.broadcast %jit3A_428 : f32 to vector<256x256xf32>
    %max3A_430 = arith.maximumf %max3A_429, %sub3A_427 : vector<256x256xf32>
    %sub3A_431 = arith.subf %min3A_426, %max3A_418 : vector<256x256xf32>
    %jit3A_432 = arith.constant 0.000000e+00 : f32
    %max3A_433 = vector.broadcast %jit3A_432 : f32 to vector<256x256xf32>
    %max3A_434 = arith.maximumf %max3A_433, %sub3A_431 : vector<256x256xf32>
    %mul3A_435 = arith.mulf %max3A_430, %max3A_434 : vector<256x256xf32>
    %slice3A_436 = vector.extract_strided_slice %mul3A_47 {offsets = [0, 1792], sizes = [1, 256], strides = [1, 1]} : vector<1x2048xf32> to vector<1x256xf32>
    %add3A_437 = vector.broadcast %mul3A_105 : vector<256x1xf32> to vector<256x256xf32>
    %add3A_438 = vector.broadcast %slice3A_436 : vector<1x256xf32> to vector<256x256xf32>
    %add3A_439 = arith.addf %add3A_437, %add3A_438 : vector<256x256xf32>
    %sub3A_440 = arith.subf %add3A_439, %mul3A_435 : vector<256x256xf32>
    %div3A_441 = arith.divf %mul3A_435, %sub3A_440 : vector<256x256xf32>
    %gt3A_442 = arith.constant 0.699999988 : f32
    %gt3A_443 = vector.broadcast %gt3A_442 : f32 to vector<256x256xf32>
    %gt3A_444 = arith.cmpf ogt, %div3A_441, %gt3A_443 : vector<256x256xf32>
    %jit3A_445 = arith.constant 1.000000e+00 : f32
    %jit3A_446 = arith.constant 0.000000e+00 : f32
    %broadcast_in_dim3A_447 = vector.broadcast %jit3A_445 : f32 to vector<256x256xf32>
    %broadcast_in_dim3A_448 = vector.broadcast %jit3A_446 : f32 to vector<256x256xf32>
    %select_n3A_449 = arith.select %gt3A_444, %broadcast_in_dim3A_447, %broadcast_in_dim3A_448 : vector<256x256xi1>, vector<256x256xf32>
    %convert_element_type3A_450 = arith.truncf %select_n3A_449 : vector<256x256xf32> to vector<256x256xbf16>
    %swap3A_451 = arith.constant 0 : index
    %swap3A_452 = arith.constant 1792 : index
    %swap3A_453 = vector.load %arg4[%swap3A_451, %swap3A_452] : memref<2048x2048xbf16, #tpu.memory_space<vmem>>, vector<256x256xbf16>
    tpu.vector_store %arg4[%swap3A_451, %swap3A_452], %convert_element_type3A_450 {strides = array<i32>} : memref<2048x2048xbf16, #tpu.memory_space<vmem>>, vector<256x256xbf16>,
    %get3A_454 = arith.constant 256 : index
    %get3A_455 = arith.constant 0 : index
    %get3A_456 = vector.load %arg0[%get3A_454, %get3A_455] : memref<2048x16xf32, #tpu.memory_space<vmem>>, vector<256x4xf32>
    %get3A_457 = arith.constant 256 : index
    %get3A_458 = arith.constant 4 : index
    %get3A_459 = vector.load %arg0[%get3A_457, %get3A_458] : memref<2048x16xf32, #tpu.memory_space<vmem>>, vector<256x4xf32>
    %slice3A_460 = vector.extract_strided_slice %get3A_459 {offsets = [0, 0], sizes = [256, 1], strides = [1, 1]} : vector<256x4xf32> to vector<256x1xf32>
    %slice3A_461 = vector.extract_strided_slice %get3A_459 {offsets = [0, 1], sizes = [256, 1], strides = [1, 1]} : vector<256x4xf32> to vector<256x1xf32>
    %slice3A_462 = vector.extract_strided_slice %get3A_459 {offsets = [0, 2], sizes = [256, 1], strides = [1, 1]} : vector<256x4xf32> to vector<256x1xf32>
    %min3A_463 = arith.constant 3.33220458 : f32
    %min3A_464 = vector.broadcast %min3A_463 : f32 to vector<256x1xf32>
    %min3A_465 = arith.minimumf %slice3A_462, %min3A_464 : vector<256x1xf32>
    %slice3A_466 = vector.extract_strided_slice %get3A_459 {offsets = [0, 3], sizes = [256, 1], strides = [1, 1]} : vector<256x4xf32> to vector<256x1xf32>
    %min3A_467 = arith.constant 3.33220458 : f32
    %min3A_468 = vector.broadcast %min3A_467 : f32 to vector<256x1xf32>
    %min3A_469 = arith.minimumf %slice3A_466, %min3A_468 : vector<256x1xf32>
    %slice3A_470 = vector.extract_strided_slice %get3A_456 {offsets = [0, 0], sizes = [256, 1], strides = [1, 1]} : vector<256x4xf32> to vector<256x1xf32>
    %slice3A_471 = vector.extract_strided_slice %get3A_456 {offsets = [0, 1], sizes = [256, 1], strides = [1, 1]} : vector<256x4xf32> to vector<256x1xf32>
    %slice3A_472 = vector.extract_strided_slice %get3A_456 {offsets = [0, 2], sizes = [256, 1], strides = [1, 1]} : vector<256x4xf32> to vector<256x1xf32>
    %slice3A_473 = vector.extract_strided_slice %get3A_456 {offsets = [0, 3], sizes = [256, 1], strides = [1, 1]} : vector<256x4xf32> to vector<256x1xf32>
    %sub3A_474 = arith.subf %slice3A_472, %slice3A_470 : vector<256x1xf32>
    %sub3A_475 = arith.subf %slice3A_473, %slice3A_471 : vector<256x1xf32>
    %div3A_476 = arith.constant 2.000000e+00 : f32
    %div3A_477 = vector.broadcast %div3A_476 : f32 to vector<256x1xf32>
    %div3A_478 = arith.divf %sub3A_474, %div3A_477 : vector<256x1xf32>
    %add3A_479 = arith.addf %slice3A_470, %div3A_478 : vector<256x1xf32>
    %div3A_480 = arith.constant 2.000000e+00 : f32
    %div3A_481 = vector.broadcast %div3A_480 : f32 to vector<256x1xf32>
    %div3A_482 = arith.divf %sub3A_475, %div3A_481 : vector<256x1xf32>
    %add3A_483 = arith.addf %slice3A_471, %div3A_482 : vector<256x1xf32>
    %mul3A_484 = arith.mulf %sub3A_474, %slice3A_460 : vector<256x1xf32>
    %add3A_485 = arith.addf %add3A_479, %mul3A_484 : vector<256x1xf32>
    %mul3A_486 = arith.mulf %sub3A_475, %slice3A_461 : vector<256x1xf32>
    %add3A_487 = arith.addf %add3A_483, %mul3A_486 : vector<256x1xf32>
    %exp3A_488 = math.exp %min3A_465 : vector<256x1xf32>
    %mul3A_489 = arith.mulf %sub3A_474, %exp3A_488 : vector<256x1xf32>
    %exp3A_490 = math.exp %min3A_469 : vector<256x1xf32>
    %mul3A_491 = arith.mulf %sub3A_475, %exp3A_490 : vector<256x1xf32>
    %div3A_492 = arith.constant 2.000000e+00 : f32
    %div3A_493 = vector.broadcast %div3A_492 : f32 to vector<256x1xf32>
    %div3A_494 = arith.divf %mul3A_489, %div3A_493 : vector<256x1xf32>
    %sub3A_495 = arith.subf %add3A_485, %div3A_494 : vector<256x1xf32>
    %div3A_496 = arith.constant 2.000000e+00 : f32
    %div3A_497 = vector.broadcast %div3A_496 : f32 to vector<256x1xf32>
    %div3A_498 = arith.divf %mul3A_491, %div3A_497 : vector<256x1xf32>
    %sub3A_499 = arith.subf %add3A_487, %div3A_498 : vector<256x1xf32>
    %div3A_500 = arith.constant 2.000000e+00 : f32
    %div3A_501 = vector.broadcast %div3A_500 : f32 to vector<256x1xf32>
    %div3A_502 = arith.divf %mul3A_489, %div3A_501 : vector<256x1xf32>
    %add3A_503 = arith.addf %add3A_485, %div3A_502 : vector<256x1xf32>
    %div3A_504 = arith.constant 2.000000e+00 : f32
    %div3A_505 = vector.broadcast %div3A_504 : f32 to vector<256x1xf32>
    %div3A_506 = arith.divf %mul3A_491, %div3A_505 : vector<256x1xf32>
    %add3A_507 = arith.addf %add3A_487, %div3A_506 : vector<256x1xf32>
    %sub3A_508 = arith.subf %add3A_503, %sub3A_495 : vector<256x1xf32>
    %sub3A_509 = arith.subf %add3A_507, %sub3A_499 : vector<256x1xf32>
    %mul3A_510 = arith.mulf %sub3A_508, %sub3A_509 : vector<256x1xf32>
    %iota3A_511 = tpu.iota {dimensions = array<i32: 0>} : vector<256x1xi32>
    %add3A_512 = arith.constant 256 : i32
    %add3A_513 = vector.broadcast %add3A_512 : i32 to vector<256x1xi32>
    %add3A_514 = arith.addi %add3A_513, %iota3A_511 : vector<256x1xi32>
    %swap3A_515 = arith.constant 256 : index
    %swap3A_516 = arith.constant 0 : index
    %swap3A_517 = vector.load %arg4[%swap3A_515, %swap3A_516] : memref<2048x2048xbf16, #tpu.memory_space<vmem>>, vector<256x256xbf16>
    tpu.vector_store %arg4[%swap3A_515, %swap3A_516], %broadcast_in_dim3A_48 {strides = array<i32>} : memref<2048x2048xbf16, #tpu.memory_space<vmem>>, vector<256x256xbf16>,
    %slice3A_518 = vector.extract_strided_slice %sub3A_32 {offsets = [0, 256], sizes = [1, 256], strides = [1, 1]} : vector<1x2048xf32> to vector<1x256xf32>
    %max3A_519 = vector.broadcast %sub3A_495 : vector<256x1xf32> to vector<256x256xf32>
    %max3A_520 = vector.broadcast %slice3A_518 : vector<1x256xf32> to vector<256x256xf32>
    %max3A_521 = arith.maximumf %max3A_519, %max3A_520 : vector<256x256xf32>
    %slice3A_522 = vector.extract_strided_slice %sub3A_36 {offsets = [0, 256], sizes = [1, 256], strides = [1, 1]} : vector<1x2048xf32> to vector<1x256xf32>
    %max3A_523 = vector.broadcast %sub3A_499 : vector<256x1xf32> to vector<256x256xf32>
    %max3A_524 = vector.broadcast %slice3A_522 : vector<1x256xf32> to vector<256x256xf32>
    %max3A_525 = arith.maximumf %max3A_523, %max3A_524 : vector<256x256xf32>
    %slice3A_526 = vector.extract_strided_slice %add3A_40 {offsets = [0, 256], sizes = [1, 256], strides = [1, 1]} : vector<1x2048xf32> to vector<1x256xf32>
    %min3A_527 = vector.broadcast %add3A_503 : vector<256x1xf32> to vector<256x256xf32>
    %min3A_528 = vector.broadcast %slice3A_526 : vector<1x256xf32> to vector<256x256xf32>
    %min3A_529 = arith.minimumf %min3A_527, %min3A_528 : vector<256x256xf32>
    %slice3A_530 = vector.extract_strided_slice %add3A_44 {offsets = [0, 256], sizes = [1, 256], strides = [1, 1]} : vector<1x2048xf32> to vector<1x256xf32>
    %min3A_531 = vector.broadcast %add3A_507 : vector<256x1xf32> to vector<256x256xf32>
    %min3A_532 = vector.broadcast %slice3A_530 : vector<1x256xf32> to vector<256x256xf32>
    %min3A_533 = arith.minimumf %min3A_531, %min3A_532 : vector<256x256xf32>
    %sub3A_534 = arith.subf %min3A_529, %max3A_521 : vector<256x256xf32>
    %jit3A_535 = arith.constant 0.000000e+00 : f32
    %max3A_536 = vector.broadcast %jit3A_535 : f32 to vector<256x256xf32>
    %max3A_537 = arith.maximumf %max3A_536, %sub3A_534 : vector<256x256xf32>
    %sub3A_538 = arith.subf %min3A_533, %max3A_525 : vector<256x256xf32>
    %jit3A_539 = arith.constant 0.000000e+00 : f32
    %max3A_540 = vector.broadcast %jit3A_539 : f32 to vector<256x256xf32>
    %max3A_541 = arith.maximumf %max3A_540, %sub3A_538 : vector<256x256xf32>
    %mul3A_542 = arith.mulf %max3A_537, %max3A_541 : vector<256x256xf32>
    %slice3A_543 = vector.extract_strided_slice %mul3A_47 {offsets = [0, 256], sizes = [1, 256], strides = [1, 1]} : vector<1x2048xf32> to vector<1x256xf32>
    %add3A_544 = vector.broadcast %mul3A_510 : vector<256x1xf32> to vector<256x256xf32>
    %add3A_545 = vector.broadcast %slice3A_543 : vector<1x256xf32> to vector<256x256xf32>
    %add3A_546 = arith.addf %add3A_544, %add3A_545 : vector<256x256xf32>
    %sub3A_547 = arith.subf %add3A_546, %mul3A_542 : vector<256x256xf32>
    %div3A_548 = arith.divf %mul3A_542, %sub3A_547 : vector<256x256xf32>
    %iota3A_549 = tpu.iota {dimensions = array<i32: 1>} : vector<1x256xi32>
    %add3A_550 = arith.constant 256 : i32
    %add3A_551 = vector.broadcast %add3A_550 : i32 to vector<1x256xi32>
    %add3A_552 = arith.addi %add3A_551, %iota3A_549 : vector<1x256xi32>
    %lt3A_553 = vector.broadcast %add3A_514 : vector<256x1xi32> to vector<256x256xi32>
    %lt3A_554 = vector.broadcast %add3A_552 : vector<1x256xi32> to vector<256x256xi32>
    %lt3A_555 = arith.cmpi slt, %lt3A_553, %lt3A_554 : vector<256x256xi32>
    %gt3A_556 = arith.constant 0.699999988 : f32
    %gt3A_557 = vector.broadcast %gt3A_556 : f32 to vector<256x256xf32>
    %gt3A_558 = arith.cmpf ogt, %div3A_548, %gt3A_557 : vector<256x256xf32>
    %and3A_559 = arith.andi %gt3A_558, %lt3A_555 : vector<256x256xi1>
    %jit3A_560 = arith.constant 1.000000e+00 : f32
    %jit3A_561 = arith.constant 0.000000e+00 : f32
    %broadcast_in_dim3A_562 = vector.broadcast %jit3A_560 : f32 to vector<256x256xf32>
    %broadcast_in_dim3A_563 = vector.broadcast %jit3A_561 : f32 to vector<256x256xf32>
    %select_n3A_564 = arith.select %and3A_559, %broadcast_in_dim3A_562, %broadcast_in_dim3A_563 : vector<256x256xi1>, vector<256x256xf32>
    %convert_element_type3A_565 = arith.truncf %select_n3A_564 : vector<256x256xf32> to vector<256x256xbf16>
    %swap3A_566 = arith.constant 256 : index
    %swap3A_567 = arith.constant 256 : index
    %swap3A_568 = vector.load %arg4[%swap3A_566, %swap3A_567] : memref<2048x2048xbf16, #tpu.memory_space<vmem>>, vector<256x256xbf16>
    tpu.vector_store %arg4[%swap3A_566, %swap3A_567], %convert_element_type3A_565 {strides = array<i32>} : memref<2048x2048xbf16, #tpu.memory_space<vmem>>, vector<256x256xbf16>,
    %slice3A_569 = vector.extract_strided_slice %sub3A_32 {offsets = [0, 512], sizes = [1, 256], strides = [1, 1]} : vector<1x2048xf32> to vector<1x256xf32>
    %max3A_570 = vector.broadcast %sub3A_495 : vector<256x1xf32> to vector<256x256xf32>
    %max3A_571 = vector.broadcast %slice3A_569 : vector<1x256xf32> to vector<256x256xf32>
    %max3A_572 = arith.maximumf %max3A_570, %max3A_571 : vector<256x256xf32>
    %slice3A_573 = vector.extract_strided_slice %sub3A_36 {offsets = [0, 512], sizes = [1, 256], strides = [1, 1]} : vector<1x2048xf32> to vector<1x256xf32>
    %max3A_574 = vector.broadcast %sub3A_499 : vector<256x1xf32> to vector<256x256xf32>
    %max3A_575 = vector.broadcast %slice3A_573 : vector<1x256xf32> to vector<256x256xf32>
    %max3A_576 = arith.maximumf %max3A_574, %max3A_575 : vector<256x256xf32>
    %slice3A_577 = vector.extract_strided_slice %add3A_40 {offsets = [0, 512], sizes = [1, 256], strides = [1, 1]} : vector<1x2048xf32> to vector<1x256xf32>
    %min3A_578 = vector.broadcast %add3A_503 : vector<256x1xf32> to vector<256x256xf32>
    %min3A_579 = vector.broadcast %slice3A_577 : vector<1x256xf32> to vector<256x256xf32>
    %min3A_580 = arith.minimumf %min3A_578, %min3A_579 : vector<256x256xf32>
    %slice3A_581 = vector.extract_strided_slice %add3A_44 {offsets = [0, 512], sizes = [1, 256], strides = [1, 1]} : vector<1x2048xf32> to vector<1x256xf32>
    %min3A_582 = vector.broadcast %add3A_507 : vector<256x1xf32> to vector<256x256xf32>
    %min3A_583 = vector.broadcast %slice3A_581 : vector<1x256xf32> to vector<256x256xf32>
    %min3A_584 = arith.minimumf %min3A_582, %min3A_583 : vector<256x256xf32>
    %sub3A_585 = arith.subf %min3A_580, %max3A_572 : vector<256x256xf32>
    %jit3A_586 = arith.constant 0.000000e+00 : f32
    %max3A_587 = vector.broadcast %jit3A_586 : f32 to vector<256x256xf32>
    %max3A_588 = arith.maximumf %max3A_587, %sub3A_585 : vector<256x256xf32>
    %sub3A_589 = arith.subf %min3A_584, %max3A_576 : vector<256x256xf32>
    %jit3A_590 = arith.constant 0.000000e+00 : f32
    %max3A_591 = vector.broadcast %jit3A_590 : f32 to vector<256x256xf32>
    %max3A_592 = arith.maximumf %max3A_591, %sub3A_589 : vector<256x256xf32>
    %mul3A_593 = arith.mulf %max3A_588, %max3A_592 : vector<256x256xf32>
    %slice3A_594 = vector.extract_strided_slice %mul3A_47 {offsets = [0, 512], sizes = [1, 256], strides = [1, 1]} : vector<1x2048xf32> to vector<1x256xf32>
    %add3A_595 = vector.broadcast %mul3A_510 : vector<256x1xf32> to vector<256x256xf32>
    %add3A_596 = vector.broadcast %slice3A_594 : vector<1x256xf32> to vector<256x256xf32>
    %add3A_597 = arith.addf %add3A_595, %add3A_596 : vector<256x256xf32>
    %sub3A_598 = arith.subf %add3A_597, %mul3A_593 : vector<256x256xf32>
    %div3A_599 = arith.divf %mul3A_593, %sub3A_598 : vector<256x256xf32>
    %gt3A_600 = arith.constant 0.699999988 : f32
    %gt3A_601 = vector.broadcast %gt3A_600 : f32 to vector<256x256xf32>
    %gt3A_602 = arith.cmpf ogt, %div3A_599, %gt3A_601 : vector<256x256xf32>
    %jit3A_603 = arith.constant 1.000000e+00 : f32
    %jit3A_604 = arith.constant 0.000000e+00 : f32
    %broadcast_in_dim3A_605 = vector.broadcast %jit3A_603 : f32 to vector<256x256xf32>
    %broadcast_in_dim3A_606 = vector.broadcast %jit3A_604 : f32 to vector<256x256xf32>
    %select_n3A_607 = arith.select %gt3A_602, %broadcast_in_dim3A_605, %broadcast_in_dim3A_606 : vector<256x256xi1>, vector<256x256xf32>
    %convert_element_type3A_608 = arith.truncf %select_n3A_607 : vector<256x256xf32> to vector<256x256xbf16>
    %swap3A_609 = arith.constant 256 : index
    %swap3A_610 = arith.constant 512 : index
    %swap3A_611 = vector.load %arg4[%swap3A_609, %swap3A_610] : memref<2048x2048xbf16, #tpu.memory_space<vmem>>, vector<256x256xbf16>
    tpu.vector_store %arg4[%swap3A_609, %swap3A_610], %convert_element_type3A_608 {strides = array<i32>} : memref<2048x2048xbf16, #tpu.memory_space<vmem>>, vector<256x256xbf16>,
    %slice3A_612 = vector.extract_strided_slice %sub3A_32 {offsets = [0, 768], sizes = [1, 256], strides = [1, 1]} : vector<1x2048xf32> to vector<1x256xf32>
    %max3A_613 = vector.broadcast %sub3A_495 : vector<256x1xf32> to vector<256x256xf32>
    %max3A_614 = vector.broadcast %slice3A_612 : vector<1x256xf32> to vector<256x256xf32>
    %max3A_615 = arith.maximumf %max3A_613, %max3A_614 : vector<256x256xf32>
    %slice3A_616 = vector.extract_strided_slice %sub3A_36 {offsets = [0, 768], sizes = [1, 256], strides = [1, 1]} : vector<1x2048xf32> to vector<1x256xf32>
    %max3A_617 = vector.broadcast %sub3A_499 : vector<256x1xf32> to vector<256x256xf32>
    %max3A_618 = vector.broadcast %slice3A_616 : vector<1x256xf32> to vector<256x256xf32>
    %max3A_619 = arith.maximumf %max3A_617, %max3A_618 : vector<256x256xf32>
    %slice3A_620 = vector.extract_strided_slice %add3A_40 {offsets = [0, 768], sizes = [1, 256], strides = [1, 1]} : vector<1x2048xf32> to vector<1x256xf32>
    %min3A_621 = vector.broadcast %add3A_503 : vector<256x1xf32> to vector<256x256xf32>
    %min3A_622 = vector.broadcast %slice3A_620 : vector<1x256xf32> to vector<256x256xf32>
    %min3A_623 = arith.minimumf %min3A_621, %min3A_622 : vector<256x256xf32>
    %slice3A_624 = vector.extract_strided_slice %add3A_44 {offsets = [0, 768], sizes = [1, 256], strides = [1, 1]} : vector<1x2048xf32> to vector<1x256xf32>
    %min3A_625 = vector.broadcast %add3A_507 : vector<256x1xf32> to vector<256x256xf32>
    %min3A_626 = vector.broadcast %slice3A_624 : vector<1x256xf32> to vector<256x256xf32>
    %min3A_627 = arith.minimumf %min3A_625, %min3A_626 : vector<256x256xf32>
    %sub3A_628 = arith.subf %min3A_623, %max3A_615 : vector<256x256xf32>
    %jit3A_629 = arith.constant 0.000000e+00 : f32
    %max3A_630 = vector.broadcast %jit3A_629 : f32 to vector<256x256xf32>
    %max3A_631 = arith.maximumf %max3A_630, %sub3A_628 : vector<256x256xf32>
    %sub3A_632 = arith.subf %min3A_627, %max3A_619 : vector<256x256xf32>
    %jit3A_633 = arith.constant 0.000000e+00 : f32
    %max3A_634 = vector.broadcast %jit3A_633 : f32 to vector<256x256xf32>
    %max3A_635 = arith.maximumf %max3A_634, %sub3A_632 : vector<256x256xf32>
    %mul3A_636 = arith.mulf %max3A_631, %max3A_635 : vector<256x256xf32>
    %slice3A_637 = vector.extract_strided_slice %mul3A_47 {offsets = [0, 768], sizes = [1, 256], strides = [1, 1]} : vector<1x2048xf32> to vector<1x256xf32>
    %add3A_638 = vector.broadcast %mul3A_510 : vector<256x1xf32> to vector<256x256xf32>
    %add3A_639 = vector.broadcast %slice3A_637 : vector<1x256xf32> to vector<256x256xf32>
    %add3A_640 = arith.addf %add3A_638, %add3A_639 : vector<256x256xf32>
    %sub3A_641 = arith.subf %add3A_640, %mul3A_636 : vector<256x256xf32>
    %div3A_642 = arith.divf %mul3A_636, %sub3A_641 : vector<256x256xf32>
    %gt3A_643 = arith.constant 0.699999988 : f32
    %gt3A_644 = vector.broadcast %gt3A_643 : f32 to vector<256x256xf32>
    %gt3A_645 = arith.cmpf ogt, %div3A_642, %gt3A_644 : vector<256x256xf32>
    %jit3A_646 = arith.constant 1.000000e+00 : f32
    %jit3A_647 = arith.constant 0.000000e+00 : f32
    %broadcast_in_dim3A_648 = vector.broadcast %jit3A_646 : f32 to vector<256x256xf32>
    %broadcast_in_dim3A_649 = vector.broadcast %jit3A_647 : f32 to vector<256x256xf32>
    %select_n3A_650 = arith.select %gt3A_645, %broadcast_in_dim3A_648, %broadcast_in_dim3A_649 : vector<256x256xi1>, vector<256x256xf32>
    %convert_element_type3A_651 = arith.truncf %select_n3A_650 : vector<256x256xf32> to vector<256x256xbf16>
    %swap3A_652 = arith.constant 256 : index
    %swap3A_653 = arith.constant 768 : index
    %swap3A_654 = vector.load %arg4[%swap3A_652, %swap3A_653] : memref<2048x2048xbf16, #tpu.memory_space<vmem>>, vector<256x256xbf16>
    tpu.vector_store %arg4[%swap3A_652, %swap3A_653], %convert_element_type3A_651 {strides = array<i32>} : memref<2048x2048xbf16, #tpu.memory_space<vmem>>, vector<256x256xbf16>,
    %slice3A_655 = vector.extract_strided_slice %sub3A_32 {offsets = [0, 1024], sizes = [1, 256], strides = [1, 1]} : vector<1x2048xf32> to vector<1x256xf32>
    %max3A_656 = vector.broadcast %sub3A_495 : vector<256x1xf32> to vector<256x256xf32>
    %max3A_657 = vector.broadcast %slice3A_655 : vector<1x256xf32> to vector<256x256xf32>
    %max3A_658 = arith.maximumf %max3A_656, %max3A_657 : vector<256x256xf32>
    %slice3A_659 = vector.extract_strided_slice %sub3A_36 {offsets = [0, 1024], sizes = [1, 256], strides = [1, 1]} : vector<1x2048xf32> to vector<1x256xf32>
    %max3A_660 = vector.broadcast %sub3A_499 : vector<256x1xf32> to vector<256x256xf32>
    %max3A_661 = vector.broadcast %slice3A_659 : vector<1x256xf32> to vector<256x256xf32>
    %max3A_662 = arith.maximumf %max3A_660, %max3A_661 : vector<256x256xf32>
    %slice3A_663 = vector.extract_strided_slice %add3A_40 {offsets = [0, 1024], sizes = [1, 256], strides = [1, 1]} : vector<1x2048xf32> to vector<1x256xf32>
    %min3A_664 = vector.broadcast %add3A_503 : vector<256x1xf32> to vector<256x256xf32>
    %min3A_665 = vector.broadcast %slice3A_663 : vector<1x256xf32> to vector<256x256xf32>
    %min3A_666 = arith.minimumf %min3A_664, %min3A_665 : vector<256x256xf32>
    %slice3A_667 = vector.extract_strided_slice %add3A_44 {offsets = [0, 1024], sizes = [1, 256], strides = [1, 1]} : vector<1x2048xf32> to vector<1x256xf32>
    %min3A_668 = vector.broadcast %add3A_507 : vector<256x1xf32> to vector<256x256xf32>
    %min3A_669 = vector.broadcast %slice3A_667 : vector<1x256xf32> to vector<256x256xf32>
    %min3A_670 = arith.minimumf %min3A_668, %min3A_669 : vector<256x256xf32>
    %sub3A_671 = arith.subf %min3A_666, %max3A_658 : vector<256x256xf32>
    %jit3A_672 = arith.constant 0.000000e+00 : f32
    %max3A_673 = vector.broadcast %jit3A_672 : f32 to vector<256x256xf32>
    %max3A_674 = arith.maximumf %max3A_673, %sub3A_671 : vector<256x256xf32>
    %sub3A_675 = arith.subf %min3A_670, %max3A_662 : vector<256x256xf32>
    %jit3A_676 = arith.constant 0.000000e+00 : f32
    %max3A_677 = vector.broadcast %jit3A_676 : f32 to vector<256x256xf32>
    %max3A_678 = arith.maximumf %max3A_677, %sub3A_675 : vector<256x256xf32>
    %mul3A_679 = arith.mulf %max3A_674, %max3A_678 : vector<256x256xf32>
    %slice3A_680 = vector.extract_strided_slice %mul3A_47 {offsets = [0, 1024], sizes = [1, 256], strides = [1, 1]} : vector<1x2048xf32> to vector<1x256xf32>
    %add3A_681 = vector.broadcast %mul3A_510 : vector<256x1xf32> to vector<256x256xf32>
    %add3A_682 = vector.broadcast %slice3A_680 : vector<1x256xf32> to vector<256x256xf32>
    %add3A_683 = arith.addf %add3A_681, %add3A_682 : vector<256x256xf32>
    %sub3A_684 = arith.subf %add3A_683, %mul3A_679 : vector<256x256xf32>
    %div3A_685 = arith.divf %mul3A_679, %sub3A_684 : vector<256x256xf32>
    %gt3A_686 = arith.constant 0.699999988 : f32
    %gt3A_687 = vector.broadcast %gt3A_686 : f32 to vector<256x256xf32>
    %gt3A_688 = arith.cmpf ogt, %div3A_685, %gt3A_687 : vector<256x256xf32>
    %jit3A_689 = arith.constant 1.000000e+00 : f32
    %jit3A_690 = arith.constant 0.000000e+00 : f32
    %broadcast_in_dim3A_691 = vector.broadcast %jit3A_689 : f32 to vector<256x256xf32>
    %broadcast_in_dim3A_692 = vector.broadcast %jit3A_690 : f32 to vector<256x256xf32>
    %select_n3A_693 = arith.select %gt3A_688, %broadcast_in_dim3A_691, %broadcast_in_dim3A_692 : vector<256x256xi1>, vector<256x256xf32>
    %convert_element_type3A_694 = arith.truncf %select_n3A_693 : vector<256x256xf32> to vector<256x256xbf16>
    %swap3A_695 = arith.constant 256 : index
    %swap3A_696 = arith.constant 1024 : index
    %swap3A_697 = vector.load %arg4[%swap3A_695, %swap3A_696] : memref<2048x2048xbf16, #tpu.memory_space<vmem>>, vector<256x256xbf16>
    tpu.vector_store %arg4[%swap3A_695, %swap3A_696], %convert_element_type3A_694 {strides = array<i32>} : memref<2048x2048xbf16, #tpu.memory_space<vmem>>, vector<256x256xbf16>,
    %slice3A_698 = vector.extract_strided_slice %sub3A_32 {offsets = [0, 1280], sizes = [1, 256], strides = [1, 1]} : vector<1x2048xf32> to vector<1x256xf32>
    %max3A_699 = vector.broadcast %sub3A_495 : vector<256x1xf32> to vector<256x256xf32>
    %max3A_700 = vector.broadcast %slice3A_698 : vector<1x256xf32> to vector<256x256xf32>
    %max3A_701 = arith.maximumf %max3A_699, %max3A_700 : vector<256x256xf32>
    %slice3A_702 = vector.extract_strided_slice %sub3A_36 {offsets = [0, 1280], sizes = [1, 256], strides = [1, 1]} : vector<1x2048xf32> to vector<1x256xf32>
    %max3A_703 = vector.broadcast %sub3A_499 : vector<256x1xf32> to vector<256x256xf32>
    %max3A_704 = vector.broadcast %slice3A_702 : vector<1x256xf32> to vector<256x256xf32>
    %max3A_705 = arith.maximumf %max3A_703, %max3A_704 : vector<256x256xf32>
    %slice3A_706 = vector.extract_strided_slice %add3A_40 {offsets = [0, 1280], sizes = [1, 256], strides = [1, 1]} : vector<1x2048xf32> to vector<1x256xf32>
    %min3A_707 = vector.broadcast %add3A_503 : vector<256x1xf32> to vector<256x256xf32>
    %min3A_708 = vector.broadcast %slice3A_706 : vector<1x256xf32> to vector<256x256xf32>
    %min3A_709 = arith.minimumf %min3A_707, %min3A_708 : vector<256x256xf32>
    %slice3A_710 = vector.extract_strided_slice %add3A_44 {offsets = [0, 1280], sizes = [1, 256], strides = [1, 1]} : vector<1x2048xf32> to vector<1x256xf32>
    %min3A_711 = vector.broadcast %add3A_507 : vector<256x1xf32> to vector<256x256xf32>
    %min3A_712 = vector.broadcast %slice3A_710 : vector<1x256xf32> to vector<256x256xf32>
    %min3A_713 = arith.minimumf %min3A_711, %min3A_712 : vector<256x256xf32>
    %sub3A_714 = arith.subf %min3A_709, %max3A_701 : vector<256x256xf32>
    %jit3A_715 = arith.constant 0.000000e+00 : f32
    %max3A_716 = vector.broadcast %jit3A_715 : f32 to vector<256x256xf32>
    %max3A_717 = arith.maximumf %max3A_716, %sub3A_714 : vector<256x256xf32>
    %sub3A_718 = arith.subf %min3A_713, %max3A_705 : vector<256x256xf32>
    %jit3A_719 = arith.constant 0.000000e+00 : f32
    %max3A_720 = vector.broadcast %jit3A_719 : f32 to vector<256x256xf32>
    %max3A_721 = arith.maximumf %max3A_720, %sub3A_718 : vector<256x256xf32>
    %mul3A_722 = arith.mulf %max3A_717, %max3A_721 : vector<256x256xf32>
    %slice3A_723 = vector.extract_strided_slice %mul3A_47 {offsets = [0, 1280], sizes = [1, 256], strides = [1, 1]} : vector<1x2048xf32> to vector<1x256xf32>
    %add3A_724 = vector.broadcast %mul3A_510 : vector<256x1xf32> to vector<256x256xf32>
    %add3A_725 = vector.broadcast %slice3A_723 : vector<1x256xf32> to vector<256x256xf32>
    %add3A_726 = arith.addf %add3A_724, %add3A_725 : vector<256x256xf32>
    %sub3A_727 = arith.subf %add3A_726, %mul3A_722 : vector<256x256xf32>
    %div3A_728 = arith.divf %mul3A_722, %sub3A_727 : vector<256x256xf32>
    %gt3A_729 = arith.constant 0.699999988 : f32
    %gt3A_730 = vector.broadcast %gt3A_729 : f32 to vector<256x256xf32>
    %gt3A_731 = arith.cmpf ogt, %div3A_728, %gt3A_730 : vector<256x256xf32>
    %jit3A_732 = arith.constant 1.000000e+00 : f32
    %jit3A_733 = arith.constant 0.000000e+00 : f32
    %broadcast_in_dim3A_734 = vector.broadcast %jit3A_732 : f32 to vector<256x256xf32>
    %broadcast_in_dim3A_735 = vector.broadcast %jit3A_733 : f32 to vector<256x256xf32>
    %select_n3A_736 = arith.select %gt3A_731, %broadcast_in_dim3A_734, %broadcast_in_dim3A_735 : vector<256x256xi1>, vector<256x256xf32>
    %convert_element_type3A_737 = arith.truncf %select_n3A_736 : vector<256x256xf32> to vector<256x256xbf16>
    %swap3A_738 = arith.constant 256 : index
    %swap3A_739 = arith.constant 1280 : index
    %swap3A_740 = vector.load %arg4[%swap3A_738, %swap3A_739] : memref<2048x2048xbf16, #tpu.memory_space<vmem>>, vector<256x256xbf16>
    tpu.vector_store %arg4[%swap3A_738, %swap3A_739], %convert_element_type3A_737 {strides = array<i32>} : memref<2048x2048xbf16, #tpu.memory_space<vmem>>, vector<256x256xbf16>,
    %slice3A_741 = vector.extract_strided_slice %sub3A_32 {offsets = [0, 1536], sizes = [1, 256], strides = [1, 1]} : vector<1x2048xf32> to vector<1x256xf32>
    %max3A_742 = vector.broadcast %sub3A_495 : vector<256x1xf32> to vector<256x256xf32>
    %max3A_743 = vector.broadcast %slice3A_741 : vector<1x256xf32> to vector<256x256xf32>
    %max3A_744 = arith.maximumf %max3A_742, %max3A_743 : vector<256x256xf32>
    %slice3A_745 = vector.extract_strided_slice %sub3A_36 {offsets = [0, 1536], sizes = [1, 256], strides = [1, 1]} : vector<1x2048xf32> to vector<1x256xf32>
    %max3A_746 = vector.broadcast %sub3A_499 : vector<256x1xf32> to vector<256x256xf32>
    %max3A_747 = vector.broadcast %slice3A_745 : vector<1x256xf32> to vector<256x256xf32>
    %max3A_748 = arith.maximumf %max3A_746, %max3A_747 : vector<256x256xf32>
    %slice3A_749 = vector.extract_strided_slice %add3A_40 {offsets = [0, 1536], sizes = [1, 256], strides = [1, 1]} : vector<1x2048xf32> to vector<1x256xf32>
    %min3A_750 = vector.broadcast %add3A_503 : vector<256x1xf32> to vector<256x256xf32>
    %min3A_751 = vector.broadcast %slice3A_749 : vector<1x256xf32> to vector<256x256xf32>
    %min3A_752 = arith.minimumf %min3A_750, %min3A_751 : vector<256x256xf32>
    %slice3A_753 = vector.extract_strided_slice %add3A_44 {offsets = [0, 1536], sizes = [1, 256], strides = [1, 1]} : vector<1x2048xf32> to vector<1x256xf32>
    %min3A_754 = vector.broadcast %add3A_507 : vector<256x1xf32> to vector<256x256xf32>
    %min3A_755 = vector.broadcast %slice3A_753 : vector<1x256xf32> to vector<256x256xf32>
    %min3A_756 = arith.minimumf %min3A_754, %min3A_755 : vector<256x256xf32>
    %sub3A_757 = arith.subf %min3A_752, %max3A_744 : vector<256x256xf32>
    %jit3A_758 = arith.constant 0.000000e+00 : f32
    %max3A_759 = vector.broadcast %jit3A_758 : f32 to vector<256x256xf32>
    %max3A_760 = arith.maximumf %max3A_759, %sub3A_757 : vector<256x256xf32>
    %sub3A_761 = arith.subf %min3A_756, %max3A_748 : vector<256x256xf32>
    %jit3A_762 = arith.constant 0.000000e+00 : f32
    %max3A_763 = vector.broadcast %jit3A_762 : f32 to vector<256x256xf32>
    %max3A_764 = arith.maximumf %max3A_763, %sub3A_761 : vector<256x256xf32>
    %mul3A_765 = arith.mulf %max3A_760, %max3A_764 : vector<256x256xf32>
    %slice3A_766 = vector.extract_strided_slice %mul3A_47 {offsets = [0, 1536], sizes = [1, 256], strides = [1, 1]} : vector<1x2048xf32> to vector<1x256xf32>
    %add3A_767 = vector.broadcast %mul3A_510 : vector<256x1xf32> to vector<256x256xf32>
    %add3A_768 = vector.broadcast %slice3A_766 : vector<1x256xf32> to vector<256x256xf32>
    %add3A_769 = arith.addf %add3A_767, %add3A_768 : vector<256x256xf32>
    %sub3A_770 = arith.subf %add3A_769, %mul3A_765 : vector<256x256xf32>
    %div3A_771 = arith.divf %mul3A_765, %sub3A_770 : vector<256x256xf32>
    %gt3A_772 = arith.constant 0.699999988 : f32
    %gt3A_773 = vector.broadcast %gt3A_772 : f32 to vector<256x256xf32>
    %gt3A_774 = arith.cmpf ogt, %div3A_771, %gt3A_773 : vector<256x256xf32>
    %jit3A_775 = arith.constant 1.000000e+00 : f32
    %jit3A_776 = arith.constant 0.000000e+00 : f32
    %broadcast_in_dim3A_777 = vector.broadcast %jit3A_775 : f32 to vector<256x256xf32>
    %broadcast_in_dim3A_778 = vector.broadcast %jit3A_776 : f32 to vector<256x256xf32>
    %select_n3A_779 = arith.select %gt3A_774, %broadcast_in_dim3A_777, %broadcast_in_dim3A_778 : vector<256x256xi1>, vector<256x256xf32>
    %convert_element_type3A_780 = arith.truncf %select_n3A_779 : vector<256x256xf32> to vector<256x256xbf16>
    %swap3A_781 = arith.constant 256 : index
    %swap3A_782 = arith.constant 1536 : index
    %swap3A_783 = vector.load %arg4[%swap3A_781, %swap3A_782] : memref<2048x2048xbf16, #tpu.memory_space<vmem>>, vector<256x256xbf16>
    tpu.vector_store %arg4[%swap3A_781, %swap3A_782], %convert_element_type3A_780 {strides = array<i32>} : memref<2048x2048xbf16, #tpu.memory_space<vmem>>, vector<256x256xbf16>,
    %slice3A_784 = vector.extract_strided_slice %sub3A_32 {offsets = [0, 1792], sizes = [1, 256], strides = [1, 1]} : vector<1x2048xf32> to vector<1x256xf32>
    %max3A_785 = vector.broadcast %sub3A_495 : vector<256x1xf32> to vector<256x256xf32>
    %max3A_786 = vector.broadcast %slice3A_784 : vector<1x256xf32> to vector<256x256xf32>
    %max3A_787 = arith.maximumf %max3A_785, %max3A_786 : vector<256x256xf32>
    %slice3A_788 = vector.extract_strided_slice %sub3A_36 {offsets = [0, 1792], sizes = [1, 256], strides = [1, 1]} : vector<1x2048xf32> to vector<1x256xf32>
    %max3A_789 = vector.broadcast %sub3A_499 : vector<256x1xf32> to vector<256x256xf32>
    %max3A_790 = vector.broadcast %slice3A_788 : vector<1x256xf32> to vector<256x256xf32>
    %max3A_791 = arith.maximumf %max3A_789, %max3A_790 : vector<256x256xf32>
    %slice3A_792 = vector.extract_strided_slice %add3A_40 {offsets = [0, 1792], sizes = [1, 256], strides = [1, 1]} : vector<1x2048xf32> to vector<1x256xf32>
    %min3A_793 = vector.broadcast %add3A_503 : vector<256x1xf32> to vector<256x256xf32>
    %min3A_794 = vector.broadcast %slice3A_792 : vector<1x256xf32> to vector<256x256xf32>
    %min3A_795 = arith.minimumf %min3A_793, %min3A_794 : vector<256x256xf32>
    %slice3A_796 = vector.extract_strided_slice %add3A_44 {offsets = [0, 1792], sizes = [1, 256], strides = [1, 1]} : vector<1x2048xf32> to vector<1x256xf32>
    %min3A_797 = vector.broadcast %add3A_507 : vector<256x1xf32> to vector<256x256xf32>
    %min3A_798 = vector.broadcast %slice3A_796 : vector<1x256xf32> to vector<256x256xf32>
    %min3A_799 = arith.minimumf %min3A_797, %min3A_798 : vector<256x256xf32>
    %sub3A_800 = arith.subf %min3A_795, %max3A_787 : vector<256x256xf32>
    %jit3A_801 = arith.constant 0.000000e+00 : f32
    %max3A_802 = vector.broadcast %jit3A_801 : f32 to vector<256x256xf32>
    %max3A_803 = arith.maximumf %max3A_802, %sub3A_800 : vector<256x256xf32>
    %sub3A_804 = arith.subf %min3A_799, %max3A_791 : vector<256x256xf32>
    %jit3A_805 = arith.constant 0.000000e+00 : f32
    %max3A_806 = vector.broadcast %jit3A_805 : f32 to vector<256x256xf32>
    %max3A_807 = arith.maximumf %max3A_806, %sub3A_804 : vector<256x256xf32>
    %mul3A_808 = arith.mulf %max3A_803, %max3A_807 : vector<256x256xf32>
    %slice3A_809 = vector.extract_strided_slice %mul3A_47 {offsets = [0, 1792], sizes = [1, 256], strides = [1, 1]} : vector<1x2048xf32> to vector<1x256xf32>
    %add3A_810 = vector.broadcast %mul3A_510 : vector<256x1xf32> to vector<256x256xf32>
    %add3A_811 = vector.broadcast %slice3A_809 : vector<1x256xf32> to vector<256x256xf32>
    %add3A_812 = arith.addf %add3A_810, %add3A_811 : vector<256x256xf32>
    %sub3A_813 = arith.subf %add3A_812, %mul3A_808 : vector<256x256xf32>
    %div3A_814 = arith.divf %mul3A_808, %sub3A_813 : vector<256x256xf32>
    %gt3A_815 = arith.constant 0.699999988 : f32
    %gt3A_816 = vector.broadcast %gt3A_815 : f32 to vector<256x256xf32>
    %gt3A_817 = arith.cmpf ogt, %div3A_814, %gt3A_816 : vector<256x256xf32>
    %jit3A_818 = arith.constant 1.000000e+00 : f32
    %jit3A_819 = arith.constant 0.000000e+00 : f32
    %broadcast_in_dim3A_820 = vector.broadcast %jit3A_818 : f32 to vector<256x256xf32>
    %broadcast_in_dim3A_821 = vector.broadcast %jit3A_819 : f32 to vector<256x256xf32>
    %select_n3A_822 = arith.select %gt3A_817, %broadcast_in_dim3A_820, %broadcast_in_dim3A_821 : vector<256x256xi1>, vector<256x256xf32>
    %convert_element_type3A_823 = arith.truncf %select_n3A_822 : vector<256x256xf32> to vector<256x256xbf16>
    %swap3A_824 = arith.constant 256 : index
    %swap3A_825 = arith.constant 1792 : index
    %swap3A_826 = vector.load %arg4[%swap3A_824, %swap3A_825] : memref<2048x2048xbf16, #tpu.memory_space<vmem>>, vector<256x256xbf16>
    tpu.vector_store %arg4[%swap3A_824, %swap3A_825], %convert_element_type3A_823 {strides = array<i32>} : memref<2048x2048xbf16, #tpu.memory_space<vmem>>, vector<256x256xbf16>,
    %get3A_827 = arith.constant 512 : index
    %get3A_828 = arith.constant 0 : index
    %get3A_829 = vector.load %arg0[%get3A_827, %get3A_828] : memref<2048x16xf32, #tpu.memory_space<vmem>>, vector<256x4xf32>
    %get3A_830 = arith.constant 512 : index
    %get3A_831 = arith.constant 4 : index
    %get3A_832 = vector.load %arg0[%get3A_830, %get3A_831] : memref<2048x16xf32, #tpu.memory_space<vmem>>, vector<256x4xf32>
    %slice3A_833 = vector.extract_strided_slice %get3A_832 {offsets = [0, 0], sizes = [256, 1], strides = [1, 1]} : vector<256x4xf32> to vector<256x1xf32>
    %slice3A_834 = vector.extract_strided_slice %get3A_832 {offsets = [0, 1], sizes = [256, 1], strides = [1, 1]} : vector<256x4xf32> to vector<256x1xf32>
    %slice3A_835 = vector.extract_strided_slice %get3A_832 {offsets = [0, 2], sizes = [256, 1], strides = [1, 1]} : vector<256x4xf32> to vector<256x1xf32>
    %min3A_836 = arith.constant 3.33220458 : f32
    %min3A_837 = vector.broadcast %min3A_836 : f32 to vector<256x1xf32>
    %min3A_838 = arith.minimumf %slice3A_835, %min3A_837 : vector<256x1xf32>
    %slice3A_839 = vector.extract_strided_slice %get3A_832 {offsets = [0, 3], sizes = [256, 1], strides = [1, 1]} : vector<256x4xf32> to vector<256x1xf32>
    %min3A_840 = arith.constant 3.33220458 : f32
    %min3A_841 = vector.broadcast %min3A_840 : f32 to vector<256x1xf32>
    %min3A_842 = arith.minimumf %slice3A_839, %min3A_841 : vector<256x1xf32>
    %slice3A_843 = vector.extract_strided_slice %get3A_829 {offsets = [0, 0], sizes = [256, 1], strides = [1, 1]} : vector<256x4xf32> to vector<256x1xf32>
    %slice3A_844 = vector.extract_strided_slice %get3A_829 {offsets = [0, 1], sizes = [256, 1], strides = [1, 1]} : vector<256x4xf32> to vector<256x1xf32>
    %slice3A_845 = vector.extract_strided_slice %get3A_829 {offsets = [0, 2], sizes = [256, 1], strides = [1, 1]} : vector<256x4xf32> to vector<256x1xf32>
    %slice3A_846 = vector.extract_strided_slice %get3A_829 {offsets = [0, 3], sizes = [256, 1], strides = [1, 1]} : vector<256x4xf32> to vector<256x1xf32>
    %sub3A_847 = arith.subf %slice3A_845, %slice3A_843 : vector<256x1xf32>
    %sub3A_848 = arith.subf %slice3A_846, %slice3A_844 : vector<256x1xf32>
    %div3A_849 = arith.constant 2.000000e+00 : f32
    %div3A_850 = vector.broadcast %div3A_849 : f32 to vector<256x1xf32>
    %div3A_851 = arith.divf %sub3A_847, %div3A_850 : vector<256x1xf32>
    %add3A_852 = arith.addf %slice3A_843, %div3A_851 : vector<256x1xf32>
    %div3A_853 = arith.constant 2.000000e+00 : f32
    %div3A_854 = vector.broadcast %div3A_853 : f32 to vector<256x1xf32>
    %div3A_855 = arith.divf %sub3A_848, %div3A_854 : vector<256x1xf32>
    %add3A_856 = arith.addf %slice3A_844, %div3A_855 : vector<256x1xf32>
    %mul3A_857 = arith.mulf %sub3A_847, %slice3A_833 : vector<256x1xf32>
    %add3A_858 = arith.addf %add3A_852, %mul3A_857 : vector<256x1xf32>
    %mul3A_859 = arith.mulf %sub3A_848, %slice3A_834 : vector<256x1xf32>
    %add3A_860 = arith.addf %add3A_856, %mul3A_859 : vector<256x1xf32>
    %exp3A_861 = math.exp %min3A_838 : vector<256x1xf32>
    %mul3A_862 = arith.mulf %sub3A_847, %exp3A_861 : vector<256x1xf32>
    %exp3A_863 = math.exp %min3A_842 : vector<256x1xf32>
    %mul3A_864 = arith.mulf %sub3A_848, %exp3A_863 : vector<256x1xf32>
    %div3A_865 = arith.constant 2.000000e+00 : f32
    %div3A_866 = vector.broadcast %div3A_865 : f32 to vector<256x1xf32>
    %div3A_867 = arith.divf %mul3A_862, %div3A_866 : vector<256x1xf32>
    %sub3A_868 = arith.subf %add3A_858, %div3A_867 : vector<256x1xf32>
    %div3A_869 = arith.constant 2.000000e+00 : f32
    %div3A_870 = vector.broadcast %div3A_869 : f32 to vector<256x1xf32>
    %div3A_871 = arith.divf %mul3A_864, %div3A_870 : vector<256x1xf32>
    %sub3A_872 = arith.subf %add3A_860, %div3A_871 : vector<256x1xf32>
    %div3A_873 = arith.constant 2.000000e+00 : f32
    %div3A_874 = vector.broadcast %div3A_873 : f32 to vector<256x1xf32>
    %div3A_875 = arith.divf %mul3A_862, %div3A_874 : vector<256x1xf32>
    %add3A_876 = arith.addf %add3A_858, %div3A_875 : vector<256x1xf32>
    %div3A_877 = arith.constant 2.000000e+00 : f32
    %div3A_878 = vector.broadcast %div3A_877 : f32 to vector<256x1xf32>
    %div3A_879 = arith.divf %mul3A_864, %div3A_878 : vector<256x1xf32>
    %add3A_880 = arith.addf %add3A_860, %div3A_879 : vector<256x1xf32>
    %sub3A_881 = arith.subf %add3A_876, %sub3A_868 : vector<256x1xf32>
    %sub3A_882 = arith.subf %add3A_880, %sub3A_872 : vector<256x1xf32>
    %mul3A_883 = arith.mulf %sub3A_881, %sub3A_882 : vector<256x1xf32>
    %iota3A_884 = tpu.iota {dimensions = array<i32: 0>} : vector<256x1xi32>
    %add3A_885 = arith.constant 512 : i32
    %add3A_886 = vector.broadcast %add3A_885 : i32 to vector<256x1xi32>
    %add3A_887 = arith.addi %add3A_886, %iota3A_884 : vector<256x1xi32>
    %swap3A_888 = arith.constant 512 : index
    %swap3A_889 = arith.constant 0 : index
    %swap3A_890 = vector.load %arg4[%swap3A_888, %swap3A_889] : memref<2048x2048xbf16, #tpu.memory_space<vmem>>, vector<256x256xbf16>
    tpu.vector_store %arg4[%swap3A_888, %swap3A_889], %broadcast_in_dim3A_48 {strides = array<i32>} : memref<2048x2048xbf16, #tpu.memory_space<vmem>>, vector<256x256xbf16>,
    %swap3A_891 = arith.constant 512 : index
    %swap3A_892 = arith.constant 256 : index
    %swap3A_893 = vector.load %arg4[%swap3A_891, %swap3A_892] : memref<2048x2048xbf16, #tpu.memory_space<vmem>>, vector<256x256xbf16>
    tpu.vector_store %arg4[%swap3A_891, %swap3A_892], %broadcast_in_dim3A_48 {strides = array<i32>} : memref<2048x2048xbf16, #tpu.memory_space<vmem>>, vector<256x256xbf16>,
    %slice3A_894 = vector.extract_strided_slice %sub3A_32 {offsets = [0, 512], sizes = [1, 256], strides = [1, 1]} : vector<1x2048xf32> to vector<1x256xf32>
    %max3A_895 = vector.broadcast %sub3A_868 : vector<256x1xf32> to vector<256x256xf32>
    %max3A_896 = vector.broadcast %slice3A_894 : vector<1x256xf32> to vector<256x256xf32>
    %max3A_897 = arith.maximumf %max3A_895, %max3A_896 : vector<256x256xf32>
    %slice3A_898 = vector.extract_strided_slice %sub3A_36 {offsets = [0, 512], sizes = [1, 256], strides = [1, 1]} : vector<1x2048xf32> to vector<1x256xf32>
    %max3A_899 = vector.broadcast %sub3A_872 : vector<256x1xf32> to vector<256x256xf32>
    %max3A_900 = vector.broadcast %slice3A_898 : vector<1x256xf32> to vector<256x256xf32>
    %max3A_901 = arith.maximumf %max3A_899, %max3A_900 : vector<256x256xf32>
    %slice3A_902 = vector.extract_strided_slice %add3A_40 {offsets = [0, 512], sizes = [1, 256], strides = [1, 1]} : vector<1x2048xf32> to vector<1x256xf32>
    %min3A_903 = vector.broadcast %add3A_876 : vector<256x1xf32> to vector<256x256xf32>
    %min3A_904 = vector.broadcast %slice3A_902 : vector<1x256xf32> to vector<256x256xf32>
    %min3A_905 = arith.minimumf %min3A_903, %min3A_904 : vector<256x256xf32>
    %slice3A_906 = vector.extract_strided_slice %add3A_44 {offsets = [0, 512], sizes = [1, 256], strides = [1, 1]} : vector<1x2048xf32> to vector<1x256xf32>
    %min3A_907 = vector.broadcast %add3A_880 : vector<256x1xf32> to vector<256x256xf32>
    %min3A_908 = vector.broadcast %slice3A_906 : vector<1x256xf32> to vector<256x256xf32>
    %min3A_909 = arith.minimumf %min3A_907, %min3A_908 : vector<256x256xf32>
    %sub3A_910 = arith.subf %min3A_905, %max3A_897 : vector<256x256xf32>
    %jit3A_911 = arith.constant 0.000000e+00 : f32
    %max3A_912 = vector.broadcast %jit3A_911 : f32 to vector<256x256xf32>
    %max3A_913 = arith.maximumf %max3A_912, %sub3A_910 : vector<256x256xf32>
    %sub3A_914 = arith.subf %min3A_909, %max3A_901 : vector<256x256xf32>
    %jit3A_915 = arith.constant 0.000000e+00 : f32
    %max3A_916 = vector.broadcast %jit3A_915 : f32 to vector<256x256xf32>
    %max3A_917 = arith.maximumf %max3A_916, %sub3A_914 : vector<256x256xf32>
    %mul3A_918 = arith.mulf %max3A_913, %max3A_917 : vector<256x256xf32>
    %slice3A_919 = vector.extract_strided_slice %mul3A_47 {offsets = [0, 512], sizes = [1, 256], strides = [1, 1]} : vector<1x2048xf32> to vector<1x256xf32>
    %add3A_920 = vector.broadcast %mul3A_883 : vector<256x1xf32> to vector<256x256xf32>
    %add3A_921 = vector.broadcast %slice3A_919 : vector<1x256xf32> to vector<256x256xf32>
    %add3A_922 = arith.addf %add3A_920, %add3A_921 : vector<256x256xf32>
    %sub3A_923 = arith.subf %add3A_922, %mul3A_918 : vector<256x256xf32>
    %div3A_924 = arith.divf %mul3A_918, %sub3A_923 : vector<256x256xf32>
    %iota3A_925 = tpu.iota {dimensions = array<i32: 1>} : vector<1x256xi32>
    %add3A_926 = arith.constant 512 : i32
    %add3A_927 = vector.broadcast %add3A_926 : i32 to vector<1x256xi32>
    %add3A_928 = arith.addi %add3A_927, %iota3A_925 : vector<1x256xi32>
    %lt3A_929 = vector.broadcast %add3A_887 : vector<256x1xi32> to vector<256x256xi32>
    %lt3A_930 = vector.broadcast %add3A_928 : vector<1x256xi32> to vector<256x256xi32>
    %lt3A_931 = arith.cmpi slt, %lt3A_929, %lt3A_930 : vector<256x256xi32>
    %gt3A_932 = arith.constant 0.699999988 : f32
    %gt3A_933 = vector.broadcast %gt3A_932 : f32 to vector<256x256xf32>
    %gt3A_934 = arith.cmpf ogt, %div3A_924, %gt3A_933 : vector<256x256xf32>
    %and3A_935 = arith.andi %gt3A_934, %lt3A_931 : vector<256x256xi1>
    %jit3A_936 = arith.constant 1.000000e+00 : f32
    %jit3A_937 = arith.constant 0.000000e+00 : f32
    %broadcast_in_dim3A_938 = vector.broadcast %jit3A_936 : f32 to vector<256x256xf32>
    %broadcast_in_dim3A_939 = vector.broadcast %jit3A_937 : f32 to vector<256x256xf32>
    %select_n3A_940 = arith.select %and3A_935, %broadcast_in_dim3A_938, %broadcast_in_dim3A_939 : vector<256x256xi1>, vector<256x256xf32>
    %convert_element_type3A_941 = arith.truncf %select_n3A_940 : vector<256x256xf32> to vector<256x256xbf16>
    %swap3A_942 = arith.constant 512 : index
    %swap3A_943 = arith.constant 512 : index
    %swap3A_944 = vector.load %arg4[%swap3A_942, %swap3A_943] : memref<2048x2048xbf16, #tpu.memory_space<vmem>>, vector<256x256xbf16>
    tpu.vector_store %arg4[%swap3A_942, %swap3A_943], %convert_element_type3A_941 {strides = array<i32>} : memref<2048x2048xbf16, #tpu.memory_space<vmem>>, vector<256x256xbf16>,
    %slice3A_945 = vector.extract_strided_slice %sub3A_32 {offsets = [0, 768], sizes = [1, 256], strides = [1, 1]} : vector<1x2048xf32> to vector<1x256xf32>
    %max3A_946 = vector.broadcast %sub3A_868 : vector<256x1xf32> to vector<256x256xf32>
    %max3A_947 = vector.broadcast %slice3A_945 : vector<1x256xf32> to vector<256x256xf32>
    %max3A_948 = arith.maximumf %max3A_946, %max3A_947 : vector<256x256xf32>
    %slice3A_949 = vector.extract_strided_slice %sub3A_36 {offsets = [0, 768], sizes = [1, 256], strides = [1, 1]} : vector<1x2048xf32> to vector<1x256xf32>
    %max3A_950 = vector.broadcast %sub3A_872 : vector<256x1xf32> to vector<256x256xf32>
    %max3A_951 = vector.broadcast %slice3A_949 : vector<1x256xf32> to vector<256x256xf32>
    %max3A_952 = arith.maximumf %max3A_950, %max3A_951 : vector<256x256xf32>
    %slice3A_953 = vector.extract_strided_slice %add3A_40 {offsets = [0, 768], sizes = [1, 256], strides = [1, 1]} : vector<1x2048xf32> to vector<1x256xf32>
    %min3A_954 = vector.broadcast %add3A_876 : vector<256x1xf32> to vector<256x256xf32>
    %min3A_955 = vector.broadcast %slice3A_953 : vector<1x256xf32> to vector<256x256xf32>
    %min3A_956 = arith.minimumf %min3A_954, %min3A_955 : vector<256x256xf32>
    %slice3A_957 = vector.extract_strided_slice %add3A_44 {offsets = [0, 768], sizes = [1, 256], strides = [1, 1]} : vector<1x2048xf32> to vector<1x256xf32>
    %min3A_958 = vector.broadcast %add3A_880 : vector<256x1xf32> to vector<256x256xf32>
    %min3A_959 = vector.broadcast %slice3A_957 : vector<1x256xf32> to vector<256x256xf32>
    %min3A_960 = arith.minimumf %min3A_958, %min3A_959 : vector<256x256xf32>
    %sub3A_961 = arith.subf %min3A_956, %max3A_948 : vector<256x256xf32>
    %jit3A_962 = arith.constant 0.000000e+00 : f32
    %max3A_963 = vector.broadcast %jit3A_962 : f32 to vector<256x256xf32>
    %max3A_964 = arith.maximumf %max3A_963, %sub3A_961 : vector<256x256xf32>
    %sub3A_965 = arith.subf %min3A_960, %max3A_952 : vector<256x256xf32>
    %jit3A_966 = arith.constant 0.000000e+00 : f32
    %max3A_967 = vector.broadcast %jit3A_966 : f32 to vector<256x256xf32>
    %max3A_968 = arith.maximumf %max3A_967, %sub3A_965 : vector<256x256xf32>
    %mul3A_969 = arith.mulf %max3A_964, %max3A_968 : vector<256x256xf32>
    %slice3A_970 = vector.extract_strided_slice %mul3A_47 {offsets = [0, 768], sizes = [1, 256], strides = [1, 1]} : vector<1x2048xf32> to vector<1x256xf32>
    %add3A_971 = vector.broadcast %mul3A_883 : vector<256x1xf32> to vector<256x256xf32>
    %add3A_972 = vector.broadcast %slice3A_970 : vector<1x256xf32> to vector<256x256xf32>
    %add3A_973 = arith.addf %add3A_971, %add3A_972 : vector<256x256xf32>
    %sub3A_974 = arith.subf %add3A_973, %mul3A_969 : vector<256x256xf32>
    %div3A_975 = arith.divf %mul3A_969, %sub3A_974 : vector<256x256xf32>
    %gt3A_976 = arith.constant 0.699999988 : f32
    %gt3A_977 = vector.broadcast %gt3A_976 : f32 to vector<256x256xf32>
    %gt3A_978 = arith.cmpf ogt, %div3A_975, %gt3A_977 : vector<256x256xf32>
    %jit3A_979 = arith.constant 1.000000e+00 : f32
    %jit3A_980 = arith.constant 0.000000e+00 : f32
    %broadcast_in_dim3A_981 = vector.broadcast %jit3A_979 : f32 to vector<256x256xf32>
    %broadcast_in_dim3A_982 = vector.broadcast %jit3A_980 : f32 to vector<256x256xf32>
    %select_n3A_983 = arith.select %gt3A_978, %broadcast_in_dim3A_981, %broadcast_in_dim3A_982 : vector<256x256xi1>, vector<256x256xf32>
    %convert_element_type3A_984 = arith.truncf %select_n3A_983 : vector<256x256xf32> to vector<256x256xbf16>
    %swap3A_985 = arith.constant 512 : index
    %swap3A_986 = arith.constant 768 : index
    %swap3A_987 = vector.load %arg4[%swap3A_985, %swap3A_986] : memref<2048x2048xbf16, #tpu.memory_space<vmem>>, vector<256x256xbf16>
    tpu.vector_store %arg4[%swap3A_985, %swap3A_986], %convert_element_type3A_984 {strides = array<i32>} : memref<2048x2048xbf16, #tpu.memory_space<vmem>>, vector<256x256xbf16>,
    %slice3A_988 = vector.extract_strided_slice %sub3A_32 {offsets = [0, 1024], sizes = [1, 256], strides = [1, 1]} : vector<1x2048xf32> to vector<1x256xf32>
    %max3A_989 = vector.broadcast %sub3A_868 : vector<256x1xf32> to vector<256x256xf32>
    %max3A_990 = vector.broadcast %slice3A_988 : vector<1x256xf32> to vector<256x256xf32>
    %max3A_991 = arith.maximumf %max3A_989, %max3A_990 : vector<256x256xf32>
    %slice3A_992 = vector.extract_strided_slice %sub3A_36 {offsets = [0, 1024], sizes = [1, 256], strides = [1, 1]} : vector<1x2048xf32> to vector<1x256xf32>
    %max3A_993 = vector.broadcast %sub3A_872 : vector<256x1xf32> to vector<256x256xf32>
    %max3A_994 = vector.broadcast %slice3A_992 : vector<1x256xf32> to vector<256x256xf32>
    %max3A_995 = arith.maximumf %max3A_993, %max3A_994 : vector<256x256xf32>
    %slice3A_996 = vector.extract_strided_slice %add3A_40 {offsets = [0, 1024], sizes = [1, 256], strides = [1, 1]} : vector<1x2048xf32> to vector<1x256xf32>
    %min3A_997 = vector.broadcast %add3A_876 : vector<256x1xf32> to vector<256x256xf32>
    %min3A_998 = vector.broadcast %slice3A_996 : vector<1x256xf32> to vector<256x256xf32>
    %min3A_999 = arith.minimumf %min3A_997, %min3A_998 : vector<256x256xf32>
    %slice3A_1000 = vector.extract_strided_slice %add3A_44 {offsets = [0, 1024], sizes = [1, 256], strides = [1, 1]} : vector<1x2048xf32> to vector<1x256xf32>
    %min3A_1001 = vector.broadcast %add3A_880 : vector<256x1xf32> to vector<256x256xf32>
    %min3A_1002 = vector.broadcast %slice3A_1000 : vector<1x256xf32> to vector<256x256xf32>
    %min3A_1003 = arith.minimumf %min3A_1001, %min3A_1002 : vector<256x256xf32>
    %sub3A_1004 = arith.subf %min3A_999, %max3A_991 : vector<256x256xf32>
    %jit3A_1005 = arith.constant 0.000000e+00 : f32
    %max3A_1006 = vector.broadcast %jit3A_1005 : f32 to vector<256x256xf32>
    %max3A_1007 = arith.maximumf %max3A_1006, %sub3A_1004 : vector<256x256xf32>
    %sub3A_1008 = arith.subf %min3A_1003, %max3A_995 : vector<256x256xf32>
    %jit3A_1009 = arith.constant 0.000000e+00 : f32
    %max3A_1010 = vector.broadcast %jit3A_1009 : f32 to vector<256x256xf32>
    %max3A_1011 = arith.maximumf %max3A_1010, %sub3A_1008 : vector<256x256xf32>
    %mul3A_1012 = arith.mulf %max3A_1007, %max3A_1011 : vector<256x256xf32>
    %slice3A_1013 = vector.extract_strided_slice %mul3A_47 {offsets = [0, 1024], sizes = [1, 256], strides = [1, 1]} : vector<1x2048xf32> to vector<1x256xf32>
    %add3A_1014 = vector.broadcast %mul3A_883 : vector<256x1xf32> to vector<256x256xf32>
    %add3A_1015 = vector.broadcast %slice3A_1013 : vector<1x256xf32> to vector<256x256xf32>
    %add3A_1016 = arith.addf %add3A_1014, %add3A_1015 : vector<256x256xf32>
    %sub3A_1017 = arith.subf %add3A_1016, %mul3A_1012 : vector<256x256xf32>
    %div3A_1018 = arith.divf %mul3A_1012, %sub3A_1017 : vector<256x256xf32>
    %gt3A_1019 = arith.constant 0.699999988 : f32
    %gt3A_1020 = vector.broadcast %gt3A_1019 : f32 to vector<256x256xf32>
    %gt3A_1021 = arith.cmpf ogt, %div3A_1018, %gt3A_1020 : vector<256x256xf32>
    %jit3A_1022 = arith.constant 1.000000e+00 : f32
    %jit3A_1023 = arith.constant 0.000000e+00 : f32
    %broadcast_in_dim3A_1024 = vector.broadcast %jit3A_1022 : f32 to vector<256x256xf32>
    %broadcast_in_dim3A_1025 = vector.broadcast %jit3A_1023 : f32 to vector<256x256xf32>
    %select_n3A_1026 = arith.select %gt3A_1021, %broadcast_in_dim3A_1024, %broadcast_in_dim3A_1025 : vector<256x256xi1>, vector<256x256xf32>
    %convert_element_type3A_1027 = arith.truncf %select_n3A_1026 : vector<256x256xf32> to vector<256x256xbf16>
    %swap3A_1028 = arith.constant 512 : index
    %swap3A_1029 = arith.constant 1024 : index
    %swap3A_1030 = vector.load %arg4[%swap3A_1028, %swap3A_1029] : memref<2048x2048xbf16, #tpu.memory_space<vmem>>, vector<256x256xbf16>
    tpu.vector_store %arg4[%swap3A_1028, %swap3A_1029], %convert_element_type3A_1027 {strides = array<i32>} : memref<2048x2048xbf16, #tpu.memory_space<vmem>>, vector<256x256xbf16>,
    %slice3A_1031 = vector.extract_strided_slice %sub3A_32 {offsets = [0, 1280], sizes = [1, 256], strides = [1, 1]} : vector<1x2048xf32> to vector<1x256xf32>
    %max3A_1032 = vector.broadcast %sub3A_868 : vector<256x1xf32> to vector<256x256xf32>
    %max3A_1033 = vector.broadcast %slice3A_1031 : vector<1x256xf32> to vector<256x256xf32>
    %max3A_1034 = arith.maximumf %max3A_1032, %max3A_1033 : vector<256x256xf32>
    %slice3A_1035 = vector.extract_strided_slice %sub3A_36 {offsets = [0, 1280], sizes = [1, 256], strides = [1, 1]} : vector<1x2048xf32> to vector<1x256xf32>
    %max3A_1036 = vector.broadcast %sub3A_872 : vector<256x1xf32> to vector<256x256xf32>
    %max3A_1037 = vector.broadcast %slice3A_1035 : vector<1x256xf32> to vector<256x256xf32>
    %max3A_1038 = arith.maximumf %max3A_1036, %max3A_1037 : vector<256x256xf32>
    %slice3A_1039 = vector.extract_strided_slice %add3A_40 {offsets = [0, 1280], sizes = [1, 256], strides = [1, 1]} : vector<1x2048xf32> to vector<1x256xf32>
    %min3A_1040 = vector.broadcast %add3A_876 : vector<256x1xf32> to vector<256x256xf32>
    %min3A_1041 = vector.broadcast %slice3A_1039 : vector<1x256xf32> to vector<256x256xf32>
    %min3A_1042 = arith.minimumf %min3A_1040, %min3A_1041 : vector<256x256xf32>
    %slice3A_1043 = vector.extract_strided_slice %add3A_44 {offsets = [0, 1280], sizes = [1, 256], strides = [1, 1]} : vector<1x2048xf32> to vector<1x256xf32>
    %min3A_1044 = vector.broadcast %add3A_880 : vector<256x1xf32> to vector<256x256xf32>
    %min3A_1045 = vector.broadcast %slice3A_1043 : vector<1x256xf32> to vector<256x256xf32>
    %min3A_1046 = arith.minimumf %min3A_1044, %min3A_1045 : vector<256x256xf32>
    %sub3A_1047 = arith.subf %min3A_1042, %max3A_1034 : vector<256x256xf32>
    %jit3A_1048 = arith.constant 0.000000e+00 : f32
    %max3A_1049 = vector.broadcast %jit3A_1048 : f32 to vector<256x256xf32>
    %max3A_1050 = arith.maximumf %max3A_1049, %sub3A_1047 : vector<256x256xf32>
    %sub3A_1051 = arith.subf %min3A_1046, %max3A_1038 : vector<256x256xf32>
    %jit3A_1052 = arith.constant 0.000000e+00 : f32
    %max3A_1053 = vector.broadcast %jit3A_1052 : f32 to vector<256x256xf32>
    %max3A_1054 = arith.maximumf %max3A_1053, %sub3A_1051 : vector<256x256xf32>
    %mul3A_1055 = arith.mulf %max3A_1050, %max3A_1054 : vector<256x256xf32>
    %slice3A_1056 = vector.extract_strided_slice %mul3A_47 {offsets = [0, 1280], sizes = [1, 256], strides = [1, 1]} : vector<1x2048xf32> to vector<1x256xf32>
    %add3A_1057 = vector.broadcast %mul3A_883 : vector<256x1xf32> to vector<256x256xf32>
    %add3A_1058 = vector.broadcast %slice3A_1056 : vector<1x256xf32> to vector<256x256xf32>
    %add3A_1059 = arith.addf %add3A_1057, %add3A_1058 : vector<256x256xf32>
    %sub3A_1060 = arith.subf %add3A_1059, %mul3A_1055 : vector<256x256xf32>
    %div3A_1061 = arith.divf %mul3A_1055, %sub3A_1060 : vector<256x256xf32>
    %gt3A_1062 = arith.constant 0.699999988 : f32
    %gt3A_1063 = vector.broadcast %gt3A_1062 : f32 to vector<256x256xf32>
    %gt3A_1064 = arith.cmpf ogt, %div3A_1061, %gt3A_1063 : vector<256x256xf32>
    %jit3A_1065 = arith.constant 1.000000e+00 : f32
    %jit3A_1066 = arith.constant 0.000000e+00 : f32
    %broadcast_in_dim3A_1067 = vector.broadcast %jit3A_1065 : f32 to vector<256x256xf32>
    %broadcast_in_dim3A_1068 = vector.broadcast %jit3A_1066 : f32 to vector<256x256xf32>
    %select_n3A_1069 = arith.select %gt3A_1064, %broadcast_in_dim3A_1067, %broadcast_in_dim3A_1068 : vector<256x256xi1>, vector<256x256xf32>
    %convert_element_type3A_1070 = arith.truncf %select_n3A_1069 : vector<256x256xf32> to vector<256x256xbf16>
    %swap3A_1071 = arith.constant 512 : index
    %swap3A_1072 = arith.constant 1280 : index
    %swap3A_1073 = vector.load %arg4[%swap3A_1071, %swap3A_1072] : memref<2048x2048xbf16, #tpu.memory_space<vmem>>, vector<256x256xbf16>
    tpu.vector_store %arg4[%swap3A_1071, %swap3A_1072], %convert_element_type3A_1070 {strides = array<i32>} : memref<2048x2048xbf16, #tpu.memory_space<vmem>>, vector<256x256xbf16>,
    %slice3A_1074 = vector.extract_strided_slice %sub3A_32 {offsets = [0, 1536], sizes = [1, 256], strides = [1, 1]} : vector<1x2048xf32> to vector<1x256xf32>
    %max3A_1075 = vector.broadcast %sub3A_868 : vector<256x1xf32> to vector<256x256xf32>
    %max3A_1076 = vector.broadcast %slice3A_1074 : vector<1x256xf32> to vector<256x256xf32>
    %max3A_1077 = arith.maximumf %max3A_1075, %max3A_1076 : vector<256x256xf32>
    %slice3A_1078 = vector.extract_strided_slice %sub3A_36 {offsets = [0, 1536], sizes = [1, 256], strides = [1, 1]} : vector<1x2048xf32> to vector<1x256xf32>
    %max3A_1079 = vector.broadcast %sub3A_872 : vector<256x1xf32> to vector<256x256xf32>
    %max3A_1080 = vector.broadcast %slice3A_1078 : vector<1x256xf32> to vector<256x256xf32>
    %max3A_1081 = arith.maximumf %max3A_1079, %max3A_1080 : vector<256x256xf32>
    %slice3A_1082 = vector.extract_strided_slice %add3A_40 {offsets = [0, 1536], sizes = [1, 256], strides = [1, 1]} : vector<1x2048xf32> to vector<1x256xf32>
    %min3A_1083 = vector.broadcast %add3A_876 : vector<256x1xf32> to vector<256x256xf32>
    %min3A_1084 = vector.broadcast %slice3A_1082 : vector<1x256xf32> to vector<256x256xf32>
    %min3A_1085 = arith.minimumf %min3A_1083, %min3A_1084 : vector<256x256xf32>
    %slice3A_1086 = vector.extract_strided_slice %add3A_44 {offsets = [0, 1536], sizes = [1, 256], strides = [1, 1]} : vector<1x2048xf32> to vector<1x256xf32>
    %min3A_1087 = vector.broadcast %add3A_880 : vector<256x1xf32> to vector<256x256xf32>
    %min3A_1088 = vector.broadcast %slice3A_1086 : vector<1x256xf32> to vector<256x256xf32>
    %min3A_1089 = arith.minimumf %min3A_1087, %min3A_1088 : vector<256x256xf32>
    %sub3A_1090 = arith.subf %min3A_1085, %max3A_1077 : vector<256x256xf32>
    %jit3A_1091 = arith.constant 0.000000e+00 : f32
    %max3A_1092 = vector.broadcast %jit3A_1091 : f32 to vector<256x256xf32>
    %max3A_1093 = arith.maximumf %max3A_1092, %sub3A_1090 : vector<256x256xf32>
    %sub3A_1094 = arith.subf %min3A_1089, %max3A_1081 : vector<256x256xf32>
    %jit3A_1095 = arith.constant 0.000000e+00 : f32
    %max3A_1096 = vector.broadcast %jit3A_1095 : f32 to vector<256x256xf32>
    %max3A_1097 = arith.maximumf %max3A_1096, %sub3A_1094 : vector<256x256xf32>
    %mul3A_1098 = arith.mulf %max3A_1093, %max3A_1097 : vector<256x256xf32>
    %slice3A_1099 = vector.extract_strided_slice %mul3A_47 {offsets = [0, 1536], sizes = [1, 256], strides = [1, 1]} : vector<1x2048xf32> to vector<1x256xf32>
    %add3A_1100 = vector.broadcast %mul3A_883 : vector<256x1xf32> to vector<256x256xf32>
    %add3A_1101 = vector.broadcast %slice3A_1099 : vector<1x256xf32> to vector<256x256xf32>
    %add3A_1102 = arith.addf %add3A_1100, %add3A_1101 : vector<256x256xf32>
    %sub3A_1103 = arith.subf %add3A_1102, %mul3A_1098 : vector<256x256xf32>
    %div3A_1104 = arith.divf %mul3A_1098, %sub3A_1103 : vector<256x256xf32>
    %gt3A_1105 = arith.constant 0.699999988 : f32
    %gt3A_1106 = vector.broadcast %gt3A_1105 : f32 to vector<256x256xf32>
    %gt3A_1107 = arith.cmpf ogt, %div3A_1104, %gt3A_1106 : vector<256x256xf32>
    %jit3A_1108 = arith.constant 1.000000e+00 : f32
    %jit3A_1109 = arith.constant 0.000000e+00 : f32
    %broadcast_in_dim3A_1110 = vector.broadcast %jit3A_1108 : f32 to vector<256x256xf32>
    %broadcast_in_dim3A_1111 = vector.broadcast %jit3A_1109 : f32 to vector<256x256xf32>
    %select_n3A_1112 = arith.select %gt3A_1107, %broadcast_in_dim3A_1110, %broadcast_in_dim3A_1111 : vector<256x256xi1>, vector<256x256xf32>
    %convert_element_type3A_1113 = arith.truncf %select_n3A_1112 : vector<256x256xf32> to vector<256x256xbf16>
    %swap3A_1114 = arith.constant 512 : index
    %swap3A_1115 = arith.constant 1536 : index
    %swap3A_1116 = vector.load %arg4[%swap3A_1114, %swap3A_1115] : memref<2048x2048xbf16, #tpu.memory_space<vmem>>, vector<256x256xbf16>
    tpu.vector_store %arg4[%swap3A_1114, %swap3A_1115], %convert_element_type3A_1113 {strides = array<i32>} : memref<2048x2048xbf16, #tpu.memory_space<vmem>>, vector<256x256xbf16>,
    %slice3A_1117 = vector.extract_strided_slice %sub3A_32 {offsets = [0, 1792], sizes = [1, 256], strides = [1, 1]} : vector<1x2048xf32> to vector<1x256xf32>
    %max3A_1118 = vector.broadcast %sub3A_868 : vector<256x1xf32> to vector<256x256xf32>
    %max3A_1119 = vector.broadcast %slice3A_1117 : vector<1x256xf32> to vector<256x256xf32>
    %max3A_1120 = arith.maximumf %max3A_1118, %max3A_1119 : vector<256x256xf32>
    %slice3A_1121 = vector.extract_strided_slice %sub3A_36 {offsets = [0, 1792], sizes = [1, 256], strides = [1, 1]} : vector<1x2048xf32> to vector<1x256xf32>
    %max3A_1122 = vector.broadcast %sub3A_872 : vector<256x1xf32> to vector<256x256xf32>
    %max3A_1123 = vector.broadcast %slice3A_1121 : vector<1x256xf32> to vector<256x256xf32>
    %max3A_1124 = arith.maximumf %max3A_1122, %max3A_1123 : vector<256x256xf32>
    %slice3A_1125 = vector.extract_strided_slice %add3A_40 {offsets = [0, 1792], sizes = [1, 256], strides = [1, 1]} : vector<1x2048xf32> to vector<1x256xf32>
    %min3A_1126 = vector.broadcast %add3A_876 : vector<256x1xf32> to vector<256x256xf32>
    %min3A_1127 = vector.broadcast %slice3A_1125 : vector<1x256xf32> to vector<256x256xf32>
    %min3A_1128 = arith.minimumf %min3A_1126, %min3A_1127 : vector<256x256xf32>
    %slice3A_1129 = vector.extract_strided_slice %add3A_44 {offsets = [0, 1792], sizes = [1, 256], strides = [1, 1]} : vector<1x2048xf32> to vector<1x256xf32>
    %min3A_1130 = vector.broadcast %add3A_880 : vector<256x1xf32> to vector<256x256xf32>
    %min3A_1131 = vector.broadcast %slice3A_1129 : vector<1x256xf32> to vector<256x256xf32>
    %min3A_1132 = arith.minimumf %min3A_1130, %min3A_1131 : vector<256x256xf32>
    %sub3A_1133 = arith.subf %min3A_1128, %max3A_1120 : vector<256x256xf32>
    %jit3A_1134 = arith.constant 0.000000e+00 : f32
    %max3A_1135 = vector.broadcast %jit3A_1134 : f32 to vector<256x256xf32>
    %max3A_1136 = arith.maximumf %max3A_1135, %sub3A_1133 : vector<256x256xf32>
    %sub3A_1137 = arith.subf %min3A_1132, %max3A_1124 : vector<256x256xf32>
    %jit3A_1138 = arith.constant 0.000000e+00 : f32
    %max3A_1139 = vector.broadcast %jit3A_1138 : f32 to vector<256x256xf32>
    %max3A_1140 = arith.maximumf %max3A_1139, %sub3A_1137 : vector<256x256xf32>
    %mul3A_1141 = arith.mulf %max3A_1136, %max3A_1140 : vector<256x256xf32>
    %slice3A_1142 = vector.extract_strided_slice %mul3A_47 {offsets = [0, 1792], sizes = [1, 256], strides = [1, 1]} : vector<1x2048xf32> to vector<1x256xf32>
    %add3A_1143 = vector.broadcast %mul3A_883 : vector<256x1xf32> to vector<256x256xf32>
    %add3A_1144 = vector.broadcast %slice3A_1142 : vector<1x256xf32> to vector<256x256xf32>
    %add3A_1145 = arith.addf %add3A_1143, %add3A_1144 : vector<256x256xf32>
    %sub3A_1146 = arith.subf %add3A_1145, %mul3A_1141 : vector<256x256xf32>
    %div3A_1147 = arith.divf %mul3A_1141, %sub3A_1146 : vector<256x256xf32>
    %gt3A_1148 = arith.constant 0.699999988 : f32
    %gt3A_1149 = vector.broadcast %gt3A_1148 : f32 to vector<256x256xf32>
    %gt3A_1150 = arith.cmpf ogt, %div3A_1147, %gt3A_1149 : vector<256x256xf32>
    %jit3A_1151 = arith.constant 1.000000e+00 : f32
    %jit3A_1152 = arith.constant 0.000000e+00 : f32
    %broadcast_in_dim3A_1153 = vector.broadcast %jit3A_1151 : f32 to vector<256x256xf32>
    %broadcast_in_dim3A_1154 = vector.broadcast %jit3A_1152 : f32 to vector<256x256xf32>
    %select_n3A_1155 = arith.select %gt3A_1150, %broadcast_in_dim3A_1153, %broadcast_in_dim3A_1154 : vector<256x256xi1>, vector<256x256xf32>
    %convert_element_type3A_1156 = arith.truncf %select_n3A_1155 : vector<256x256xf32> to vector<256x256xbf16>
    %swap3A_1157 = arith.constant 512 : index
    %swap3A_1158 = arith.constant 1792 : index
    %swap3A_1159 = vector.load %arg4[%swap3A_1157, %swap3A_1158] : memref<2048x2048xbf16, #tpu.memory_space<vmem>>, vector<256x256xbf16>
    tpu.vector_store %arg4[%swap3A_1157, %swap3A_1158], %convert_element_type3A_1156 {strides = array<i32>} : memref<2048x2048xbf16, #tpu.memory_space<vmem>>, vector<256x256xbf16>,
    %get3A_1160 = arith.constant 768 : index
    %get3A_1161 = arith.constant 0 : index
    %get3A_1162 = vector.load %arg0[%get3A_1160, %get3A_1161] : memref<2048x16xf32, #tpu.memory_space<vmem>>, vector<256x4xf32>
    %get3A_1163 = arith.constant 768 : index
    %get3A_1164 = arith.constant 4 : index
    %get3A_1165 = vector.load %arg0[%get3A_1163, %get3A_1164] : memref<2048x16xf32, #tpu.memory_space<vmem>>, vector<256x4xf32>
    %slice3A_1166 = vector.extract_strided_slice %get3A_1165 {offsets = [0, 0], sizes = [256, 1], strides = [1, 1]} : vector<256x4xf32> to vector<256x1xf32>
    %slice3A_1167 = vector.extract_strided_slice %get3A_1165 {offsets = [0, 1], sizes = [256, 1], strides = [1, 1]} : vector<256x4xf32> to vector<256x1xf32>
    %slice3A_1168 = vector.extract_strided_slice %get3A_1165 {offsets = [0, 2], sizes = [256, 1], strides = [1, 1]} : vector<256x4xf32> to vector<256x1xf32>
    %min3A_1169 = arith.constant 3.33220458 : f32
    %min3A_1170 = vector.broadcast %min3A_1169 : f32 to vector<256x1xf32>
    %min3A_1171 = arith.minimumf %slice3A_1168, %min3A_1170 : vector<256x1xf32>
    %slice3A_1172 = vector.extract_strided_slice %get3A_1165 {offsets = [0, 3], sizes = [256, 1], strides = [1, 1]} : vector<256x4xf32> to vector<256x1xf32>
    %min3A_1173 = arith.constant 3.33220458 : f32
    %min3A_1174 = vector.broadcast %min3A_1173 : f32 to vector<256x1xf32>
    %min3A_1175 = arith.minimumf %slice3A_1172, %min3A_1174 : vector<256x1xf32>
    %slice3A_1176 = vector.extract_strided_slice %get3A_1162 {offsets = [0, 0], sizes = [256, 1], strides = [1, 1]} : vector<256x4xf32> to vector<256x1xf32>
    %slice3A_1177 = vector.extract_strided_slice %get3A_1162 {offsets = [0, 1], sizes = [256, 1], strides = [1, 1]} : vector<256x4xf32> to vector<256x1xf32>
    %slice3A_1178 = vector.extract_strided_slice %get3A_1162 {offsets = [0, 2], sizes = [256, 1], strides = [1, 1]} : vector<256x4xf32> to vector<256x1xf32>
    %slice3A_1179 = vector.extract_strided_slice %get3A_1162 {offsets = [0, 3], sizes = [256, 1], strides = [1, 1]} : vector<256x4xf32> to vector<256x1xf32>
    %sub3A_1180 = arith.subf %slice3A_1178, %slice3A_1176 : vector<256x1xf32>
    %sub3A_1181 = arith.subf %slice3A_1179, %slice3A_1177 : vector<256x1xf32>
    %div3A_1182 = arith.constant 2.000000e+00 : f32
    %div3A_1183 = vector.broadcast %div3A_1182 : f32 to vector<256x1xf32>
    %div3A_1184 = arith.divf %sub3A_1180, %div3A_1183 : vector<256x1xf32>
    %add3A_1185 = arith.addf %slice3A_1176, %div3A_1184 : vector<256x1xf32>
    %div3A_1186 = arith.constant 2.000000e+00 : f32
    %div3A_1187 = vector.broadcast %div3A_1186 : f32 to vector<256x1xf32>
    %div3A_1188 = arith.divf %sub3A_1181, %div3A_1187 : vector<256x1xf32>
    %add3A_1189 = arith.addf %slice3A_1177, %div3A_1188 : vector<256x1xf32>
    %mul3A_1190 = arith.mulf %sub3A_1180, %slice3A_1166 : vector<256x1xf32>
    %add3A_1191 = arith.addf %add3A_1185, %mul3A_1190 : vector<256x1xf32>
    %mul3A_1192 = arith.mulf %sub3A_1181, %slice3A_1167 : vector<256x1xf32>
    %add3A_1193 = arith.addf %add3A_1189, %mul3A_1192 : vector<256x1xf32>
    %exp3A_1194 = math.exp %min3A_1171 : vector<256x1xf32>
    %mul3A_1195 = arith.mulf %sub3A_1180, %exp3A_1194 : vector<256x1xf32>
    %exp3A_1196 = math.exp %min3A_1175 : vector<256x1xf32>
    %mul3A_1197 = arith.mulf %sub3A_1181, %exp3A_1196 : vector<256x1xf32>
    %div3A_1198 = arith.constant 2.000000e+00 : f32
    %div3A_1199 = vector.broadcast %div3A_1198 : f32 to vector<256x1xf32>
    %div3A_1200 = arith.divf %mul3A_1195, %div3A_1199 : vector<256x1xf32>
    %sub3A_1201 = arith.subf %add3A_1191, %div3A_1200 : vector<256x1xf32>
    %div3A_1202 = arith.constant 2.000000e+00 : f32
    %div3A_1203 = vector.broadcast %div3A_1202 : f32 to vector<256x1xf32>
    %div3A_1204 = arith.divf %mul3A_1197, %div3A_1203 : vector<256x1xf32>
    %sub3A_1205 = arith.subf %add3A_1193, %div3A_1204 : vector<256x1xf32>
    %div3A_1206 = arith.constant 2.000000e+00 : f32
    %div3A_1207 = vector.broadcast %div3A_1206 : f32 to vector<256x1xf32>
    %div3A_1208 = arith.divf %mul3A_1195, %div3A_1207 : vector<256x1xf32>
    %add3A_1209 = arith.addf %add3A_1191, %div3A_1208 : vector<256x1xf32>
    %div3A_1210 = arith.constant 2.000000e+00 : f32
    %div3A_1211 = vector.broadcast %div3A_1210 : f32 to vector<256x1xf32>
    %div3A_1212 = arith.divf %mul3A_1197, %div3A_1211 : vector<256x1xf32>
    %add3A_1213 = arith.addf %add3A_1193, %div3A_1212 : vector<256x1xf32>
    %sub3A_1214 = arith.subf %add3A_1209, %sub3A_1201 : vector<256x1xf32>
    %sub3A_1215 = arith.subf %add3A_1213, %sub3A_1205 : vector<256x1xf32>
    %mul3A_1216 = arith.mulf %sub3A_1214, %sub3A_1215 : vector<256x1xf32>
    %iota3A_1217 = tpu.iota {dimensions = array<i32: 0>} : vector<256x1xi32>
    %add3A_1218 = arith.constant 768 : i32
    %add3A_1219 = vector.broadcast %add3A_1218 : i32 to vector<256x1xi32>
    %add3A_1220 = arith.addi %add3A_1219, %iota3A_1217 : vector<256x1xi32>
    %swap3A_1221 = arith.constant 768 : index
    %swap3A_1222 = arith.constant 0 : index
    %swap3A_1223 = vector.load %arg4[%swap3A_1221, %swap3A_1222] : memref<2048x2048xbf16, #tpu.memory_space<vmem>>, vector<256x256xbf16>
    tpu.vector_store %arg4[%swap3A_1221, %swap3A_1222], %broadcast_in_dim3A_48 {strides = array<i32>} : memref<2048x2048xbf16, #tpu.memory_space<vmem>>, vector<256x256xbf16>,
    %swap3A_1224 = arith.constant 768 : index
    %swap3A_1225 = arith.constant 256 : index
    %swap3A_1226 = vector.load %arg4[%swap3A_1224, %swap3A_1225] : memref<2048x2048xbf16, #tpu.memory_space<vmem>>, vector<256x256xbf16>
    tpu.vector_store %arg4[%swap3A_1224, %swap3A_1225], %broadcast_in_dim3A_48 {strides = array<i32>} : memref<2048x2048xbf16, #tpu.memory_space<vmem>>, vector<256x256xbf16>,
    %swap3A_1227 = arith.constant 768 : index
    %swap3A_1228 = arith.constant 512 : index
    %swap3A_1229 = vector.load %arg4[%swap3A_1227, %swap3A_1228] : memref<2048x2048xbf16, #tpu.memory_space<vmem>>, vector<256x256xbf16>
    tpu.vector_store %arg4[%swap3A_1227, %swap3A_1228], %broadcast_in_dim3A_48 {strides = array<i32>} : memref<2048x2048xbf16, #tpu.memory_space<vmem>>, vector<256x256xbf16>,
    %slice3A_1230 = vector.extract_strided_slice %sub3A_32 {offsets = [0, 768], sizes = [1, 256], strides = [1, 1]} : vector<1x2048xf32> to vector<1x256xf32>
    %max3A_1231 = vector.broadcast %sub3A_1201 : vector<256x1xf32> to vector<256x256xf32>
    %max3A_1232 = vector.broadcast %slice3A_1230 : vector<1x256xf32> to vector<256x256xf32>
    %max3A_1233 = arith.maximumf %max3A_1231, %max3A_1232 : vector<256x256xf32>
    %slice3A_1234 = vector.extract_strided_slice %sub3A_36 {offsets = [0, 768], sizes = [1, 256], strides = [1, 1]} : vector<1x2048xf32> to vector<1x256xf32>
    %max3A_1235 = vector.broadcast %sub3A_1205 : vector<256x1xf32> to vector<256x256xf32>
    %max3A_1236 = vector.broadcast %slice3A_1234 : vector<1x256xf32> to vector<256x256xf32>
    %max3A_1237 = arith.maximumf %max3A_1235, %max3A_1236 : vector<256x256xf32>
    %slice3A_1238 = vector.extract_strided_slice %add3A_40 {offsets = [0, 768], sizes = [1, 256], strides = [1, 1]} : vector<1x2048xf32> to vector<1x256xf32>
    %min3A_1239 = vector.broadcast %add3A_1209 : vector<256x1xf32> to vector<256x256xf32>
    %min3A_1240 = vector.broadcast %slice3A_1238 : vector<1x256xf32> to vector<256x256xf32>
    %min3A_1241 = arith.minimumf %min3A_1239, %min3A_1240 : vector<256x256xf32>
    %slice3A_1242 = vector.extract_strided_slice %add3A_44 {offsets = [0, 768], sizes = [1, 256], strides = [1, 1]} : vector<1x2048xf32> to vector<1x256xf32>
    %min3A_1243 = vector.broadcast %add3A_1213 : vector<256x1xf32> to vector<256x256xf32>
    %min3A_1244 = vector.broadcast %slice3A_1242 : vector<1x256xf32> to vector<256x256xf32>
    %min3A_1245 = arith.minimumf %min3A_1243, %min3A_1244 : vector<256x256xf32>
    %sub3A_1246 = arith.subf %min3A_1241, %max3A_1233 : vector<256x256xf32>
    %jit3A_1247 = arith.constant 0.000000e+00 : f32
    %max3A_1248 = vector.broadcast %jit3A_1247 : f32 to vector<256x256xf32>
    %max3A_1249 = arith.maximumf %max3A_1248, %sub3A_1246 : vector<256x256xf32>
    %sub3A_1250 = arith.subf %min3A_1245, %max3A_1237 : vector<256x256xf32>
    %jit3A_1251 = arith.constant 0.000000e+00 : f32
    %max3A_1252 = vector.broadcast %jit3A_1251 : f32 to vector<256x256xf32>
    %max3A_1253 = arith.maximumf %max3A_1252, %sub3A_1250 : vector<256x256xf32>
    %mul3A_1254 = arith.mulf %max3A_1249, %max3A_1253 : vector<256x256xf32>
    %slice3A_1255 = vector.extract_strided_slice %mul3A_47 {offsets = [0, 768], sizes = [1, 256], strides = [1, 1]} : vector<1x2048xf32> to vector<1x256xf32>
    %add3A_1256 = vector.broadcast %mul3A_1216 : vector<256x1xf32> to vector<256x256xf32>
    %add3A_1257 = vector.broadcast %slice3A_1255 : vector<1x256xf32> to vector<256x256xf32>
    %add3A_1258 = arith.addf %add3A_1256, %add3A_1257 : vector<256x256xf32>
    %sub3A_1259 = arith.subf %add3A_1258, %mul3A_1254 : vector<256x256xf32>
    %div3A_1260 = arith.divf %mul3A_1254, %sub3A_1259 : vector<256x256xf32>
    %iota3A_1261 = tpu.iota {dimensions = array<i32: 1>} : vector<1x256xi32>
    %add3A_1262 = arith.constant 768 : i32
    %add3A_1263 = vector.broadcast %add3A_1262 : i32 to vector<1x256xi32>
    %add3A_1264 = arith.addi %add3A_1263, %iota3A_1261 : vector<1x256xi32>
    %lt3A_1265 = vector.broadcast %add3A_1220 : vector<256x1xi32> to vector<256x256xi32>
    %lt3A_1266 = vector.broadcast %add3A_1264 : vector<1x256xi32> to vector<256x256xi32>
    %lt3A_1267 = arith.cmpi slt, %lt3A_1265, %lt3A_1266 : vector<256x256xi32>
    %gt3A_1268 = arith.constant 0.699999988 : f32
    %gt3A_1269 = vector.broadcast %gt3A_1268 : f32 to vector<256x256xf32>
    %gt3A_1270 = arith.cmpf ogt, %div3A_1260, %gt3A_1269 : vector<256x256xf32>
    %and3A_1271 = arith.andi %gt3A_1270, %lt3A_1267 : vector<256x256xi1>
    %jit3A_1272 = arith.constant 1.000000e+00 : f32
    %jit3A_1273 = arith.constant 0.000000e+00 : f32
    %broadcast_in_dim3A_1274 = vector.broadcast %jit3A_1272 : f32 to vector<256x256xf32>
    %broadcast_in_dim3A_1275 = vector.broadcast %jit3A_1273 : f32 to vector<256x256xf32>
    %select_n3A_1276 = arith.select %and3A_1271, %broadcast_in_dim3A_1274, %broadcast_in_dim3A_1275 : vector<256x256xi1>, vector<256x256xf32>
    %convert_element_type3A_1277 = arith.truncf %select_n3A_1276 : vector<256x256xf32> to vector<256x256xbf16>
    %swap3A_1278 = arith.constant 768 : index
    %swap3A_1279 = arith.constant 768 : index
    %swap3A_1280 = vector.load %arg4[%swap3A_1278, %swap3A_1279] : memref<2048x2048xbf16, #tpu.memory_space<vmem>>, vector<256x256xbf16>
    tpu.vector_store %arg4[%swap3A_1278, %swap3A_1279], %convert_element_type3A_1277 {strides = array<i32>} : memref<2048x2048xbf16, #tpu.memory_space<vmem>>, vector<256x256xbf16>,
    %slice3A_1281 = vector.extract_strided_slice %sub3A_32 {offsets = [0, 1024], sizes = [1, 256], strides = [1, 1]} : vector<1x2048xf32> to vector<1x256xf32>
    %max3A_1282 = vector.broadcast %sub3A_1201 : vector<256x1xf32> to vector<256x256xf32>
    %max3A_1283 = vector.broadcast %slice3A_1281 : vector<1x256xf32> to vector<256x256xf32>
    %max3A_1284 = arith.maximumf %max3A_1282, %max3A_1283 : vector<256x256xf32>
    %slice3A_1285 = vector.extract_strided_slice %sub3A_36 {offsets = [0, 1024], sizes = [1, 256], strides = [1, 1]} : vector<1x2048xf32> to vector<1x256xf32>
    %max3A_1286 = vector.broadcast %sub3A_1205 : vector<256x1xf32> to vector<256x256xf32>
    %max3A_1287 = vector.broadcast %slice3A_1285 : vector<1x256xf32> to vector<256x256xf32>
    %max3A_1288 = arith.maximumf %max3A_1286, %max3A_1287 : vector<256x256xf32>
    %slice3A_1289 = vector.extract_strided_slice %add3A_40 {offsets = [0, 1024], sizes = [1, 256], strides = [1, 1]} : vector<1x2048xf32> to vector<1x256xf32>
    %min3A_1290 = vector.broadcast %add3A_1209 : vector<256x1xf32> to vector<256x256xf32>
    %min3A_1291 = vector.broadcast %slice3A_1289 : vector<1x256xf32> to vector<256x256xf32>
    %min3A_1292 = arith.minimumf %min3A_1290, %min3A_1291 : vector<256x256xf32>
    %slice3A_1293 = vector.extract_strided_slice %add3A_44 {offsets = [0, 1024], sizes = [1, 256], strides = [1, 1]} : vector<1x2048xf32> to vector<1x256xf32>
    %min3A_1294 = vector.broadcast %add3A_1213 : vector<256x1xf32> to vector<256x256xf32>
    %min3A_1295 = vector.broadcast %slice3A_1293 : vector<1x256xf32> to vector<256x256xf32>
    %min3A_1296 = arith.minimumf %min3A_1294, %min3A_1295 : vector<256x256xf32>
    %sub3A_1297 = arith.subf %min3A_1292, %max3A_1284 : vector<256x256xf32>
    %jit3A_1298 = arith.constant 0.000000e+00 : f32
    %max3A_1299 = vector.broadcast %jit3A_1298 : f32 to vector<256x256xf32>
    %max3A_1300 = arith.maximumf %max3A_1299, %sub3A_1297 : vector<256x256xf32>
    %sub3A_1301 = arith.subf %min3A_1296, %max3A_1288 : vector<256x256xf32>
    %jit3A_1302 = arith.constant 0.000000e+00 : f32
    %max3A_1303 = vector.broadcast %jit3A_1302 : f32 to vector<256x256xf32>
    %max3A_1304 = arith.maximumf %max3A_1303, %sub3A_1301 : vector<256x256xf32>
    %mul3A_1305 = arith.mulf %max3A_1300, %max3A_1304 : vector<256x256xf32>
    %slice3A_1306 = vector.extract_strided_slice %mul3A_47 {offsets = [0, 1024], sizes = [1, 256], strides = [1, 1]} : vector<1x2048xf32> to vector<1x256xf32>
    %add3A_1307 = vector.broadcast %mul3A_1216 : vector<256x1xf32> to vector<256x256xf32>
    %add3A_1308 = vector.broadcast %slice3A_1306 : vector<1x256xf32> to vector<256x256xf32>
    %add3A_1309 = arith.addf %add3A_1307, %add3A_1308 : vector<256x256xf32>
    %sub3A_1310 = arith.subf %add3A_1309, %mul3A_1305 : vector<256x256xf32>
    %div3A_1311 = arith.divf %mul3A_1305, %sub3A_1310 : vector<256x256xf32>
    %gt3A_1312 = arith.constant 0.699999988 : f32
    %gt3A_1313 = vector.broadcast %gt3A_1312 : f32 to vector<256x256xf32>
    %gt3A_1314 = arith.cmpf ogt, %div3A_1311, %gt3A_1313 : vector<256x256xf32>
    %jit3A_1315 = arith.constant 1.000000e+00 : f32
    %jit3A_1316 = arith.constant 0.000000e+00 : f32
    %broadcast_in_dim3A_1317 = vector.broadcast %jit3A_1315 : f32 to vector<256x256xf32>
    %broadcast_in_dim3A_1318 = vector.broadcast %jit3A_1316 : f32 to vector<256x256xf32>
    %select_n3A_1319 = arith.select %gt3A_1314, %broadcast_in_dim3A_1317, %broadcast_in_dim3A_1318 : vector<256x256xi1>, vector<256x256xf32>
    %convert_element_type3A_1320 = arith.truncf %select_n3A_1319 : vector<256x256xf32> to vector<256x256xbf16>
    %swap3A_1321 = arith.constant 768 : index
    %swap3A_1322 = arith.constant 1024 : index
    %swap3A_1323 = vector.load %arg4[%swap3A_1321, %swap3A_1322] : memref<2048x2048xbf16, #tpu.memory_space<vmem>>, vector<256x256xbf16>
    tpu.vector_store %arg4[%swap3A_1321, %swap3A_1322], %convert_element_type3A_1320 {strides = array<i32>} : memref<2048x2048xbf16, #tpu.memory_space<vmem>>, vector<256x256xbf16>,
    %slice3A_1324 = vector.extract_strided_slice %sub3A_32 {offsets = [0, 1280], sizes = [1, 256], strides = [1, 1]} : vector<1x2048xf32> to vector<1x256xf32>
    %max3A_1325 = vector.broadcast %sub3A_1201 : vector<256x1xf32> to vector<256x256xf32>
    %max3A_1326 = vector.broadcast %slice3A_1324 : vector<1x256xf32> to vector<256x256xf32>
    %max3A_1327 = arith.maximumf %max3A_1325, %max3A_1326 : vector<256x256xf32>
    %slice3A_1328 = vector.extract_strided_slice %sub3A_36 {offsets = [0, 1280], sizes = [1, 256], strides = [1, 1]} : vector<1x2048xf32> to vector<1x256xf32>
    %max3A_1329 = vector.broadcast %sub3A_1205 : vector<256x1xf32> to vector<256x256xf32>
    %max3A_1330 = vector.broadcast %slice3A_1328 : vector<1x256xf32> to vector<256x256xf32>
    %max3A_1331 = arith.maximumf %max3A_1329, %max3A_1330 : vector<256x256xf32>
    %slice3A_1332 = vector.extract_strided_slice %add3A_40 {offsets = [0, 1280], sizes = [1, 256], strides = [1, 1]} : vector<1x2048xf32> to vector<1x256xf32>
    %min3A_1333 = vector.broadcast %add3A_1209 : vector<256x1xf32> to vector<256x256xf32>
    %min3A_1334 = vector.broadcast %slice3A_1332 : vector<1x256xf32> to vector<256x256xf32>
    %min3A_1335 = arith.minimumf %min3A_1333, %min3A_1334 : vector<256x256xf32>
    %slice3A_1336 = vector.extract_strided_slice %add3A_44 {offsets = [0, 1280], sizes = [1, 256], strides = [1, 1]} : vector<1x2048xf32> to vector<1x256xf32>
    %min3A_1337 = vector.broadcast %add3A_1213 : vector<256x1xf32> to vector<256x256xf32>
    %min3A_1338 = vector.broadcast %slice3A_1336 : vector<1x256xf32> to vector<256x256xf32>
    %min3A_1339 = arith.minimumf %min3A_1337, %min3A_1338 : vector<256x256xf32>
    %sub3A_1340 = arith.subf %min3A_1335, %max3A_1327 : vector<256x256xf32>
    %jit3A_1341 = arith.constant 0.000000e+00 : f32
    %max3A_1342 = vector.broadcast %jit3A_1341 : f32 to vector<256x256xf32>
    %max3A_1343 = arith.maximumf %max3A_1342, %sub3A_1340 : vector<256x256xf32>
    %sub3A_1344 = arith.subf %min3A_1339, %max3A_1331 : vector<256x256xf32>
    %jit3A_1345 = arith.constant 0.000000e+00 : f32
    %max3A_1346 = vector.broadcast %jit3A_1345 : f32 to vector<256x256xf32>
    %max3A_1347 = arith.maximumf %max3A_1346, %sub3A_1344 : vector<256x256xf32>
    %mul3A_1348 = arith.mulf %max3A_1343, %max3A_1347 : vector<256x256xf32>
    %slice3A_1349 = vector.extract_strided_slice %mul3A_47 {offsets = [0, 1280], sizes = [1, 256], strides = [1, 1]} : vector<1x2048xf32> to vector<1x256xf32>
    %add3A_1350 = vector.broadcast %mul3A_1216 : vector<256x1xf32> to vector<256x256xf32>
    %add3A_1351 = vector.broadcast %slice3A_1349 : vector<1x256xf32> to vector<256x256xf32>
    %add3A_1352 = arith.addf %add3A_1350, %add3A_1351 : vector<256x256xf32>
    %sub3A_1353 = arith.subf %add3A_1352, %mul3A_1348 : vector<256x256xf32>
    %div3A_1354 = arith.divf %mul3A_1348, %sub3A_1353 : vector<256x256xf32>
    %gt3A_1355 = arith.constant 0.699999988 : f32
    %gt3A_1356 = vector.broadcast %gt3A_1355 : f32 to vector<256x256xf32>
    %gt3A_1357 = arith.cmpf ogt, %div3A_1354, %gt3A_1356 : vector<256x256xf32>
    %jit3A_1358 = arith.constant 1.000000e+00 : f32
    %jit3A_1359 = arith.constant 0.000000e+00 : f32
    %broadcast_in_dim3A_1360 = vector.broadcast %jit3A_1358 : f32 to vector<256x256xf32>
    %broadcast_in_dim3A_1361 = vector.broadcast %jit3A_1359 : f32 to vector<256x256xf32>
    %select_n3A_1362 = arith.select %gt3A_1357, %broadcast_in_dim3A_1360, %broadcast_in_dim3A_1361 : vector<256x256xi1>, vector<256x256xf32>
    %convert_element_type3A_1363 = arith.truncf %select_n3A_1362 : vector<256x256xf32> to vector<256x256xbf16>
    %swap3A_1364 = arith.constant 768 : index
    %swap3A_1365 = arith.constant 1280 : index
    %swap3A_1366 = vector.load %arg4[%swap3A_1364, %swap3A_1365] : memref<2048x2048xbf16, #tpu.memory_space<vmem>>, vector<256x256xbf16>
    tpu.vector_store %arg4[%swap3A_1364, %swap3A_1365], %convert_element_type3A_1363 {strides = array<i32>} : memref<2048x2048xbf16, #tpu.memory_space<vmem>>, vector<256x256xbf16>,
    %slice3A_1367 = vector.extract_strided_slice %sub3A_32 {offsets = [0, 1536], sizes = [1, 256], strides = [1, 1]} : vector<1x2048xf32> to vector<1x256xf32>
    %max3A_1368 = vector.broadcast %sub3A_1201 : vector<256x1xf32> to vector<256x256xf32>
    %max3A_1369 = vector.broadcast %slice3A_1367 : vector<1x256xf32> to vector<256x256xf32>
    %max3A_1370 = arith.maximumf %max3A_1368, %max3A_1369 : vector<256x256xf32>
    %slice3A_1371 = vector.extract_strided_slice %sub3A_36 {offsets = [0, 1536], sizes = [1, 256], strides = [1, 1]} : vector<1x2048xf32> to vector<1x256xf32>
    %max3A_1372 = vector.broadcast %sub3A_1205 : vector<256x1xf32> to vector<256x256xf32>
    %max3A_1373 = vector.broadcast %slice3A_1371 : vector<1x256xf32> to vector<256x256xf32>
    %max3A_1374 = arith.maximumf %max3A_1372, %max3A_1373 : vector<256x256xf32>
    %slice3A_1375 = vector.extract_strided_slice %add3A_40 {offsets = [0, 1536], sizes = [1, 256], strides = [1, 1]} : vector<1x2048xf32> to vector<1x256xf32>
    %min3A_1376 = vector.broadcast %add3A_1209 : vector<256x1xf32> to vector<256x256xf32>
    %min3A_1377 = vector.broadcast %slice3A_1375 : vector<1x256xf32> to vector<256x256xf32>
    %min3A_1378 = arith.minimumf %min3A_1376, %min3A_1377 : vector<256x256xf32>
    %slice3A_1379 = vector.extract_strided_slice %add3A_44 {offsets = [0, 1536], sizes = [1, 256], strides = [1, 1]} : vector<1x2048xf32> to vector<1x256xf32>
    %min3A_1380 = vector.broadcast %add3A_1213 : vector<256x1xf32> to vector<256x256xf32>
    %min3A_1381 = vector.broadcast %slice3A_1379 : vector<1x256xf32> to vector<256x256xf32>
    %min3A_1382 = arith.minimumf %min3A_1380, %min3A_1381 : vector<256x256xf32>
    %sub3A_1383 = arith.subf %min3A_1378, %max3A_1370 : vector<256x256xf32>
    %jit3A_1384 = arith.constant 0.000000e+00 : f32
    %max3A_1385 = vector.broadcast %jit3A_1384 : f32 to vector<256x256xf32>
    %max3A_1386 = arith.maximumf %max3A_1385, %sub3A_1383 : vector<256x256xf32>
    %sub3A_1387 = arith.subf %min3A_1382, %max3A_1374 : vector<256x256xf32>
    %jit3A_1388 = arith.constant 0.000000e+00 : f32
    %max3A_1389 = vector.broadcast %jit3A_1388 : f32 to vector<256x256xf32>
    %max3A_1390 = arith.maximumf %max3A_1389, %sub3A_1387 : vector<256x256xf32>
    %mul3A_1391 = arith.mulf %max3A_1386, %max3A_1390 : vector<256x256xf32>
    %slice3A_1392 = vector.extract_strided_slice %mul3A_47 {offsets = [0, 1536], sizes = [1, 256], strides = [1, 1]} : vector<1x2048xf32> to vector<1x256xf32>
    %add3A_1393 = vector.broadcast %mul3A_1216 : vector<256x1xf32> to vector<256x256xf32>
    %add3A_1394 = vector.broadcast %slice3A_1392 : vector<1x256xf32> to vector<256x256xf32>
    %add3A_1395 = arith.addf %add3A_1393, %add3A_1394 : vector<256x256xf32>
    %sub3A_1396 = arith.subf %add3A_1395, %mul3A_1391 : vector<256x256xf32>
    %div3A_1397 = arith.divf %mul3A_1391, %sub3A_1396 : vector<256x256xf32>
    %gt3A_1398 = arith.constant 0.699999988 : f32
    %gt3A_1399 = vector.broadcast %gt3A_1398 : f32 to vector<256x256xf32>
    %gt3A_1400 = arith.cmpf ogt, %div3A_1397, %gt3A_1399 : vector<256x256xf32>
    %jit3A_1401 = arith.constant 1.000000e+00 : f32
    %jit3A_1402 = arith.constant 0.000000e+00 : f32
    %broadcast_in_dim3A_1403 = vector.broadcast %jit3A_1401 : f32 to vector<256x256xf32>
    %broadcast_in_dim3A_1404 = vector.broadcast %jit3A_1402 : f32 to vector<256x256xf32>
    %select_n3A_1405 = arith.select %gt3A_1400, %broadcast_in_dim3A_1403, %broadcast_in_dim3A_1404 : vector<256x256xi1>, vector<256x256xf32>
    %convert_element_type3A_1406 = arith.truncf %select_n3A_1405 : vector<256x256xf32> to vector<256x256xbf16>
    %swap3A_1407 = arith.constant 768 : index
    %swap3A_1408 = arith.constant 1536 : index
    %swap3A_1409 = vector.load %arg4[%swap3A_1407, %swap3A_1408] : memref<2048x2048xbf16, #tpu.memory_space<vmem>>, vector<256x256xbf16>
    tpu.vector_store %arg4[%swap3A_1407, %swap3A_1408], %convert_element_type3A_1406 {strides = array<i32>} : memref<2048x2048xbf16, #tpu.memory_space<vmem>>, vector<256x256xbf16>,
    %slice3A_1410 = vector.extract_strided_slice %sub3A_32 {offsets = [0, 1792], sizes = [1, 256], strides = [1, 1]} : vector<1x2048xf32> to vector<1x256xf32>
    %max3A_1411 = vector.broadcast %sub3A_1201 : vector<256x1xf32> to vector<256x256xf32>
    %max3A_1412 = vector.broadcast %slice3A_1410 : vector<1x256xf32> to vector<256x256xf32>
    %max3A_1413 = arith.maximumf %max3A_1411, %max3A_1412 : vector<256x256xf32>
    %slice3A_1414 = vector.extract_strided_slice %sub3A_36 {offsets = [0, 1792], sizes = [1, 256], strides = [1, 1]} : vector<1x2048xf32> to vector<1x256xf32>
    %max3A_1415 = vector.broadcast %sub3A_1205 : vector<256x1xf32> to vector<256x256xf32>
    %max3A_1416 = vector.broadcast %slice3A_1414 : vector<1x256xf32> to vector<256x256xf32>
    %max3A_1417 = arith.maximumf %max3A_1415, %max3A_1416 : vector<256x256xf32>
    %slice3A_1418 = vector.extract_strided_slice %add3A_40 {offsets = [0, 1792], sizes = [1, 256], strides = [1, 1]} : vector<1x2048xf32> to vector<1x256xf32>
    %min3A_1419 = vector.broadcast %add3A_1209 : vector<256x1xf32> to vector<256x256xf32>
    %min3A_1420 = vector.broadcast %slice3A_1418 : vector<1x256xf32> to vector<256x256xf32>
    %min3A_1421 = arith.minimumf %min3A_1419, %min3A_1420 : vector<256x256xf32>
    %slice3A_1422 = vector.extract_strided_slice %add3A_44 {offsets = [0, 1792], sizes = [1, 256], strides = [1, 1]} : vector<1x2048xf32> to vector<1x256xf32>
    %min3A_1423 = vector.broadcast %add3A_1213 : vector<256x1xf32> to vector<256x256xf32>
    %min3A_1424 = vector.broadcast %slice3A_1422 : vector<1x256xf32> to vector<256x256xf32>
    %min3A_1425 = arith.minimumf %min3A_1423, %min3A_1424 : vector<256x256xf32>
    %sub3A_1426 = arith.subf %min3A_1421, %max3A_1413 : vector<256x256xf32>
    %jit3A_1427 = arith.constant 0.000000e+00 : f32
    %max3A_1428 = vector.broadcast %jit3A_1427 : f32 to vector<256x256xf32>
    %max3A_1429 = arith.maximumf %max3A_1428, %sub3A_1426 : vector<256x256xf32>
    %sub3A_1430 = arith.subf %min3A_1425, %max3A_1417 : vector<256x256xf32>
    %jit3A_1431 = arith.constant 0.000000e+00 : f32
    %max3A_1432 = vector.broadcast %jit3A_1431 : f32 to vector<256x256xf32>
    %max3A_1433 = arith.maximumf %max3A_1432, %sub3A_1430 : vector<256x256xf32>
    %mul3A_1434 = arith.mulf %max3A_1429, %max3A_1433 : vector<256x256xf32>
    %slice3A_1435 = vector.extract_strided_slice %mul3A_47 {offsets = [0, 1792], sizes = [1, 256], strides = [1, 1]} : vector<1x2048xf32> to vector<1x256xf32>
    %add3A_1436 = vector.broadcast %mul3A_1216 : vector<256x1xf32> to vector<256x256xf32>
    %add3A_1437 = vector.broadcast %slice3A_1435 : vector<1x256xf32> to vector<256x256xf32>
    %add3A_1438 = arith.addf %add3A_1436, %add3A_1437 : vector<256x256xf32>
    %sub3A_1439 = arith.subf %add3A_1438, %mul3A_1434 : vector<256x256xf32>
    %div3A_1440 = arith.divf %mul3A_1434, %sub3A_1439 : vector<256x256xf32>
    %gt3A_1441 = arith.constant 0.699999988 : f32
    %gt3A_1442 = vector.broadcast %gt3A_1441 : f32 to vector<256x256xf32>
    %gt3A_1443 = arith.cmpf ogt, %div3A_1440, %gt3A_1442 : vector<256x256xf32>
    %jit3A_1444 = arith.constant 1.000000e+00 : f32
    %jit3A_1445 = arith.constant 0.000000e+00 : f32
    %broadcast_in_dim3A_1446 = vector.broadcast %jit3A_1444 : f32 to vector<256x256xf32>
    %broadcast_in_dim3A_1447 = vector.broadcast %jit3A_1445 : f32 to vector<256x256xf32>
    %select_n3A_1448 = arith.select %gt3A_1443, %broadcast_in_dim3A_1446, %broadcast_in_dim3A_1447 : vector<256x256xi1>, vector<256x256xf32>
    %convert_element_type3A_1449 = arith.truncf %select_n3A_1448 : vector<256x256xf32> to vector<256x256xbf16>
    %swap3A_1450 = arith.constant 768 : index
    %swap3A_1451 = arith.constant 1792 : index
    %swap3A_1452 = vector.load %arg4[%swap3A_1450, %swap3A_1451] : memref<2048x2048xbf16, #tpu.memory_space<vmem>>, vector<256x256xbf16>
    tpu.vector_store %arg4[%swap3A_1450, %swap3A_1451], %convert_element_type3A_1449 {strides = array<i32>} : memref<2048x2048xbf16, #tpu.memory_space<vmem>>, vector<256x256xbf16>,
    %get3A_1453 = arith.constant 1024 : index
    %get3A_1454 = arith.constant 0 : index
    %get3A_1455 = vector.load %arg0[%get3A_1453, %get3A_1454] : memref<2048x16xf32, #tpu.memory_space<vmem>>, vector<256x4xf32>
    %get3A_1456 = arith.constant 1024 : index
    %get3A_1457 = arith.constant 4 : index
    %get3A_1458 = vector.load %arg0[%get3A_1456, %get3A_1457] : memref<2048x16xf32, #tpu.memory_space<vmem>>, vector<256x4xf32>
    %slice3A_1459 = vector.extract_strided_slice %get3A_1458 {offsets = [0, 0], sizes = [256, 1], strides = [1, 1]} : vector<256x4xf32> to vector<256x1xf32>
    %slice3A_1460 = vector.extract_strided_slice %get3A_1458 {offsets = [0, 1], sizes = [256, 1], strides = [1, 1]} : vector<256x4xf32> to vector<256x1xf32>
    %slice3A_1461 = vector.extract_strided_slice %get3A_1458 {offsets = [0, 2], sizes = [256, 1], strides = [1, 1]} : vector<256x4xf32> to vector<256x1xf32>
    %min3A_1462 = arith.constant 3.33220458 : f32
    %min3A_1463 = vector.broadcast %min3A_1462 : f32 to vector<256x1xf32>
    %min3A_1464 = arith.minimumf %slice3A_1461, %min3A_1463 : vector<256x1xf32>
    %slice3A_1465 = vector.extract_strided_slice %get3A_1458 {offsets = [0, 3], sizes = [256, 1], strides = [1, 1]} : vector<256x4xf32> to vector<256x1xf32>
    %min3A_1466 = arith.constant 3.33220458 : f32
    %min3A_1467 = vector.broadcast %min3A_1466 : f32 to vector<256x1xf32>
    %min3A_1468 = arith.minimumf %slice3A_1465, %min3A_1467 : vector<256x1xf32>
    %slice3A_1469 = vector.extract_strided_slice %get3A_1455 {offsets = [0, 0], sizes = [256, 1], strides = [1, 1]} : vector<256x4xf32> to vector<256x1xf32>
    %slice3A_1470 = vector.extract_strided_slice %get3A_1455 {offsets = [0, 1], sizes = [256, 1], strides = [1, 1]} : vector<256x4xf32> to vector<256x1xf32>
    %slice3A_1471 = vector.extract_strided_slice %get3A_1455 {offsets = [0, 2], sizes = [256, 1], strides = [1, 1]} : vector<256x4xf32> to vector<256x1xf32>
    %slice3A_1472 = vector.extract_strided_slice %get3A_1455 {offsets = [0, 3], sizes = [256, 1], strides = [1, 1]} : vector<256x4xf32> to vector<256x1xf32>
    %sub3A_1473 = arith.subf %slice3A_1471, %slice3A_1469 : vector<256x1xf32>
    %sub3A_1474 = arith.subf %slice3A_1472, %slice3A_1470 : vector<256x1xf32>
    %div3A_1475 = arith.constant 2.000000e+00 : f32
    %div3A_1476 = vector.broadcast %div3A_1475 : f32 to vector<256x1xf32>
    %div3A_1477 = arith.divf %sub3A_1473, %div3A_1476 : vector<256x1xf32>
    %add3A_1478 = arith.addf %slice3A_1469, %div3A_1477 : vector<256x1xf32>
    %div3A_1479 = arith.constant 2.000000e+00 : f32
    %div3A_1480 = vector.broadcast %div3A_1479 : f32 to vector<256x1xf32>
    %div3A_1481 = arith.divf %sub3A_1474, %div3A_1480 : vector<256x1xf32>
    %add3A_1482 = arith.addf %slice3A_1470, %div3A_1481 : vector<256x1xf32>
    %mul3A_1483 = arith.mulf %sub3A_1473, %slice3A_1459 : vector<256x1xf32>
    %add3A_1484 = arith.addf %add3A_1478, %mul3A_1483 : vector<256x1xf32>
    %mul3A_1485 = arith.mulf %sub3A_1474, %slice3A_1460 : vector<256x1xf32>
    %add3A_1486 = arith.addf %add3A_1482, %mul3A_1485 : vector<256x1xf32>
    %exp3A_1487 = math.exp %min3A_1464 : vector<256x1xf32>
    %mul3A_1488 = arith.mulf %sub3A_1473, %exp3A_1487 : vector<256x1xf32>
    %exp3A_1489 = math.exp %min3A_1468 : vector<256x1xf32>
    %mul3A_1490 = arith.mulf %sub3A_1474, %exp3A_1489 : vector<256x1xf32>
    %div3A_1491 = arith.constant 2.000000e+00 : f32
    %div3A_1492 = vector.broadcast %div3A_1491 : f32 to vector<256x1xf32>
    %div3A_1493 = arith.divf %mul3A_1488, %div3A_1492 : vector<256x1xf32>
    %sub3A_1494 = arith.subf %add3A_1484, %div3A_1493 : vector<256x1xf32>
    %div3A_1495 = arith.constant 2.000000e+00 : f32
    %div3A_1496 = vector.broadcast %div3A_1495 : f32 to vector<256x1xf32>
    %div3A_1497 = arith.divf %mul3A_1490, %div3A_1496 : vector<256x1xf32>
    %sub3A_1498 = arith.subf %add3A_1486, %div3A_1497 : vector<256x1xf32>
    %div3A_1499 = arith.constant 2.000000e+00 : f32
    %div3A_1500 = vector.broadcast %div3A_1499 : f32 to vector<256x1xf32>
    %div3A_1501 = arith.divf %mul3A_1488, %div3A_1500 : vector<256x1xf32>
    %add3A_1502 = arith.addf %add3A_1484, %div3A_1501 : vector<256x1xf32>
    %div3A_1503 = arith.constant 2.000000e+00 : f32
    %div3A_1504 = vector.broadcast %div3A_1503 : f32 to vector<256x1xf32>
    %div3A_1505 = arith.divf %mul3A_1490, %div3A_1504 : vector<256x1xf32>
    %add3A_1506 = arith.addf %add3A_1486, %div3A_1505 : vector<256x1xf32>
    %sub3A_1507 = arith.subf %add3A_1502, %sub3A_1494 : vector<256x1xf32>
    %sub3A_1508 = arith.subf %add3A_1506, %sub3A_1498 : vector<256x1xf32>
    %mul3A_1509 = arith.mulf %sub3A_1507, %sub3A_1508 : vector<256x1xf32>
    %iota3A_1510 = tpu.iota {dimensions = array<i32: 0>} : vector<256x1xi32>
    %add3A_1511 = arith.constant 1024 : i32
    %add3A_1512 = vector.broadcast %add3A_1511 : i32 to vector<256x1xi32>
    %add3A_1513 = arith.addi %add3A_1512, %iota3A_1510 : vector<256x1xi32>
    %swap3A_1514 = arith.constant 1024 : index
    %swap3A_1515 = arith.constant 0 : index
    %swap3A_1516 = vector.load %arg4[%swap3A_1514, %swap3A_1515] : memref<2048x2048xbf16, #tpu.memory_space<vmem>>, vector<256x256xbf16>
    tpu.vector_store %arg4[%swap3A_1514, %swap3A_1515], %broadcast_in_dim3A_48 {strides = array<i32>} : memref<2048x2048xbf16, #tpu.memory_space<vmem>>, vector<256x256xbf16>,
    %swap3A_1517 = arith.constant 1024 : index
    %swap3A_1518 = arith.constant 256 : index
    %swap3A_1519 = vector.load %arg4[%swap3A_1517, %swap3A_1518] : memref<2048x2048xbf16, #tpu.memory_space<vmem>>, vector<256x256xbf16>
    tpu.vector_store %arg4[%swap3A_1517, %swap3A_1518], %broadcast_in_dim3A_48 {strides = array<i32>} : memref<2048x2048xbf16, #tpu.memory_space<vmem>>, vector<256x256xbf16>,
    %swap3A_1520 = arith.constant 1024 : index
    %swap3A_1521 = arith.constant 512 : index
    %swap3A_1522 = vector.load %arg4[%swap3A_1520, %swap3A_1521] : memref<2048x2048xbf16, #tpu.memory_space<vmem>>, vector<256x256xbf16>
    tpu.vector_store %arg4[%swap3A_1520, %swap3A_1521], %broadcast_in_dim3A_48 {strides = array<i32>} : memref<2048x2048xbf16, #tpu.memory_space<vmem>>, vector<256x256xbf16>,
    %swap3A_1523 = arith.constant 1024 : index
    %swap3A_1524 = arith.constant 768 : index
    %swap3A_1525 = vector.load %arg4[%swap3A_1523, %swap3A_1524] : memref<2048x2048xbf16, #tpu.memory_space<vmem>>, vector<256x256xbf16>
    tpu.vector_store %arg4[%swap3A_1523, %swap3A_1524], %broadcast_in_dim3A_48 {strides = array<i32>} : memref<2048x2048xbf16, #tpu.memory_space<vmem>>, vector<256x256xbf16>,
    %slice3A_1526 = vector.extract_strided_slice %sub3A_32 {offsets = [0, 1024], sizes = [1, 256], strides = [1, 1]} : vector<1x2048xf32> to vector<1x256xf32>
    %max3A_1527 = vector.broadcast %sub3A_1494 : vector<256x1xf32> to vector<256x256xf32>
    %max3A_1528 = vector.broadcast %slice3A_1526 : vector<1x256xf32> to vector<256x256xf32>
    %max3A_1529 = arith.maximumf %max3A_1527, %max3A_1528 : vector<256x256xf32>
    %slice3A_1530 = vector.extract_strided_slice %sub3A_36 {offsets = [0, 1024], sizes = [1, 256], strides = [1, 1]} : vector<1x2048xf32> to vector<1x256xf32>
    %max3A_1531 = vector.broadcast %sub3A_1498 : vector<256x1xf32> to vector<256x256xf32>
    %max3A_1532 = vector.broadcast %slice3A_1530 : vector<1x256xf32> to vector<256x256xf32>
    %max3A_1533 = arith.maximumf %max3A_1531, %max3A_1532 : vector<256x256xf32>
    %slice3A_1534 = vector.extract_strided_slice %add3A_40 {offsets = [0, 1024], sizes = [1, 256], strides = [1, 1]} : vector<1x2048xf32> to vector<1x256xf32>
    %min3A_1535 = vector.broadcast %add3A_1502 : vector<256x1xf32> to vector<256x256xf32>
    %min3A_1536 = vector.broadcast %slice3A_1534 : vector<1x256xf32> to vector<256x256xf32>
    %min3A_1537 = arith.minimumf %min3A_1535, %min3A_1536 : vector<256x256xf32>
    %slice3A_1538 = vector.extract_strided_slice %add3A_44 {offsets = [0, 1024], sizes = [1, 256], strides = [1, 1]} : vector<1x2048xf32> to vector<1x256xf32>
    %min3A_1539 = vector.broadcast %add3A_1506 : vector<256x1xf32> to vector<256x256xf32>
    %min3A_1540 = vector.broadcast %slice3A_1538 : vector<1x256xf32> to vector<256x256xf32>
    %min3A_1541 = arith.minimumf %min3A_1539, %min3A_1540 : vector<256x256xf32>
    %sub3A_1542 = arith.subf %min3A_1537, %max3A_1529 : vector<256x256xf32>
    %jit3A_1543 = arith.constant 0.000000e+00 : f32
    %max3A_1544 = vector.broadcast %jit3A_1543 : f32 to vector<256x256xf32>
    %max3A_1545 = arith.maximumf %max3A_1544, %sub3A_1542 : vector<256x256xf32>
    %sub3A_1546 = arith.subf %min3A_1541, %max3A_1533 : vector<256x256xf32>
    %jit3A_1547 = arith.constant 0.000000e+00 : f32
    %max3A_1548 = vector.broadcast %jit3A_1547 : f32 to vector<256x256xf32>
    %max3A_1549 = arith.maximumf %max3A_1548, %sub3A_1546 : vector<256x256xf32>
    %mul3A_1550 = arith.mulf %max3A_1545, %max3A_1549 : vector<256x256xf32>
    %slice3A_1551 = vector.extract_strided_slice %mul3A_47 {offsets = [0, 1024], sizes = [1, 256], strides = [1, 1]} : vector<1x2048xf32> to vector<1x256xf32>
    %add3A_1552 = vector.broadcast %mul3A_1509 : vector<256x1xf32> to vector<256x256xf32>
    %add3A_1553 = vector.broadcast %slice3A_1551 : vector<1x256xf32> to vector<256x256xf32>
    %add3A_1554 = arith.addf %add3A_1552, %add3A_1553 : vector<256x256xf32>
    %sub3A_1555 = arith.subf %add3A_1554, %mul3A_1550 : vector<256x256xf32>
    %div3A_1556 = arith.divf %mul3A_1550, %sub3A_1555 : vector<256x256xf32>
    %iota3A_1557 = tpu.iota {dimensions = array<i32: 1>} : vector<1x256xi32>
    %add3A_1558 = arith.constant 1024 : i32
    %add3A_1559 = vector.broadcast %add3A_1558 : i32 to vector<1x256xi32>
    %add3A_1560 = arith.addi %add3A_1559, %iota3A_1557 : vector<1x256xi32>
    %lt3A_1561 = vector.broadcast %add3A_1513 : vector<256x1xi32> to vector<256x256xi32>
    %lt3A_1562 = vector.broadcast %add3A_1560 : vector<1x256xi32> to vector<256x256xi32>
    %lt3A_1563 = arith.cmpi slt, %lt3A_1561, %lt3A_1562 : vector<256x256xi32>
    %gt3A_1564 = arith.constant 0.699999988 : f32
    %gt3A_1565 = vector.broadcast %gt3A_1564 : f32 to vector<256x256xf32>
    %gt3A_1566 = arith.cmpf ogt, %div3A_1556, %gt3A_1565 : vector<256x256xf32>
    %and3A_1567 = arith.andi %gt3A_1566, %lt3A_1563 : vector<256x256xi1>
    %jit3A_1568 = arith.constant 1.000000e+00 : f32
    %jit3A_1569 = arith.constant 0.000000e+00 : f32
    %broadcast_in_dim3A_1570 = vector.broadcast %jit3A_1568 : f32 to vector<256x256xf32>
    %broadcast_in_dim3A_1571 = vector.broadcast %jit3A_1569 : f32 to vector<256x256xf32>
    %select_n3A_1572 = arith.select %and3A_1567, %broadcast_in_dim3A_1570, %broadcast_in_dim3A_1571 : vector<256x256xi1>, vector<256x256xf32>
    %convert_element_type3A_1573 = arith.truncf %select_n3A_1572 : vector<256x256xf32> to vector<256x256xbf16>
    %swap3A_1574 = arith.constant 1024 : index
    %swap3A_1575 = arith.constant 1024 : index
    %swap3A_1576 = vector.load %arg4[%swap3A_1574, %swap3A_1575] : memref<2048x2048xbf16, #tpu.memory_space<vmem>>, vector<256x256xbf16>
    tpu.vector_store %arg4[%swap3A_1574, %swap3A_1575], %convert_element_type3A_1573 {strides = array<i32>} : memref<2048x2048xbf16, #tpu.memory_space<vmem>>, vector<256x256xbf16>,
    %slice3A_1577 = vector.extract_strided_slice %sub3A_32 {offsets = [0, 1280], sizes = [1, 256], strides = [1, 1]} : vector<1x2048xf32> to vector<1x256xf32>
    %max3A_1578 = vector.broadcast %sub3A_1494 : vector<256x1xf32> to vector<256x256xf32>
    %max3A_1579 = vector.broadcast %slice3A_1577 : vector<1x256xf32> to vector<256x256xf32>
    %max3A_1580 = arith.maximumf %max3A_1578, %max3A_1579 : vector<256x256xf32>
    %slice3A_1581 = vector.extract_strided_slice %sub3A_36 {offsets = [0, 1280], sizes = [1, 256], strides = [1, 1]} : vector<1x2048xf32> to vector<1x256xf32>
    %max3A_1582 = vector.broadcast %sub3A_1498 : vector<256x1xf32> to vector<256x256xf32>
    %max3A_1583 = vector.broadcast %slice3A_1581 : vector<1x256xf32> to vector<256x256xf32>
    %max3A_1584 = arith.maximumf %max3A_1582, %max3A_1583 : vector<256x256xf32>
    %slice3A_1585 = vector.extract_strided_slice %add3A_40 {offsets = [0, 1280], sizes = [1, 256], strides = [1, 1]} : vector<1x2048xf32> to vector<1x256xf32>
    %min3A_1586 = vector.broadcast %add3A_1502 : vector<256x1xf32> to vector<256x256xf32>
    %min3A_1587 = vector.broadcast %slice3A_1585 : vector<1x256xf32> to vector<256x256xf32>
    %min3A_1588 = arith.minimumf %min3A_1586, %min3A_1587 : vector<256x256xf32>
    %slice3A_1589 = vector.extract_strided_slice %add3A_44 {offsets = [0, 1280], sizes = [1, 256], strides = [1, 1]} : vector<1x2048xf32> to vector<1x256xf32>
    %min3A_1590 = vector.broadcast %add3A_1506 : vector<256x1xf32> to vector<256x256xf32>
    %min3A_1591 = vector.broadcast %slice3A_1589 : vector<1x256xf32> to vector<256x256xf32>
    %min3A_1592 = arith.minimumf %min3A_1590, %min3A_1591 : vector<256x256xf32>
    %sub3A_1593 = arith.subf %min3A_1588, %max3A_1580 : vector<256x256xf32>
    %jit3A_1594 = arith.constant 0.000000e+00 : f32
    %max3A_1595 = vector.broadcast %jit3A_1594 : f32 to vector<256x256xf32>
    %max3A_1596 = arith.maximumf %max3A_1595, %sub3A_1593 : vector<256x256xf32>
    %sub3A_1597 = arith.subf %min3A_1592, %max3A_1584 : vector<256x256xf32>
    %jit3A_1598 = arith.constant 0.000000e+00 : f32
    %max3A_1599 = vector.broadcast %jit3A_1598 : f32 to vector<256x256xf32>
    %max3A_1600 = arith.maximumf %max3A_1599, %sub3A_1597 : vector<256x256xf32>
    %mul3A_1601 = arith.mulf %max3A_1596, %max3A_1600 : vector<256x256xf32>
    %slice3A_1602 = vector.extract_strided_slice %mul3A_47 {offsets = [0, 1280], sizes = [1, 256], strides = [1, 1]} : vector<1x2048xf32> to vector<1x256xf32>
    %add3A_1603 = vector.broadcast %mul3A_1509 : vector<256x1xf32> to vector<256x256xf32>
    %add3A_1604 = vector.broadcast %slice3A_1602 : vector<1x256xf32> to vector<256x256xf32>
    %add3A_1605 = arith.addf %add3A_1603, %add3A_1604 : vector<256x256xf32>
    %sub3A_1606 = arith.subf %add3A_1605, %mul3A_1601 : vector<256x256xf32>
    %div3A_1607 = arith.divf %mul3A_1601, %sub3A_1606 : vector<256x256xf32>
    %gt3A_1608 = arith.constant 0.699999988 : f32
    %gt3A_1609 = vector.broadcast %gt3A_1608 : f32 to vector<256x256xf32>
    %gt3A_1610 = arith.cmpf ogt, %div3A_1607, %gt3A_1609 : vector<256x256xf32>
    %jit3A_1611 = arith.constant 1.000000e+00 : f32
    %jit3A_1612 = arith.constant 0.000000e+00 : f32
    %broadcast_in_dim3A_1613 = vector.broadcast %jit3A_1611 : f32 to vector<256x256xf32>
    %broadcast_in_dim3A_1614 = vector.broadcast %jit3A_1612 : f32 to vector<256x256xf32>
    %select_n3A_1615 = arith.select %gt3A_1610, %broadcast_in_dim3A_1613, %broadcast_in_dim3A_1614 : vector<256x256xi1>, vector<256x256xf32>
    %convert_element_type3A_1616 = arith.truncf %select_n3A_1615 : vector<256x256xf32> to vector<256x256xbf16>
    %swap3A_1617 = arith.constant 1024 : index
    %swap3A_1618 = arith.constant 1280 : index
    %swap3A_1619 = vector.load %arg4[%swap3A_1617, %swap3A_1618] : memref<2048x2048xbf16, #tpu.memory_space<vmem>>, vector<256x256xbf16>
    tpu.vector_store %arg4[%swap3A_1617, %swap3A_1618], %convert_element_type3A_1616 {strides = array<i32>} : memref<2048x2048xbf16, #tpu.memory_space<vmem>>, vector<256x256xbf16>,
    %slice3A_1620 = vector.extract_strided_slice %sub3A_32 {offsets = [0, 1536], sizes = [1, 256], strides = [1, 1]} : vector<1x2048xf32> to vector<1x256xf32>
    %max3A_1621 = vector.broadcast %sub3A_1494 : vector<256x1xf32> to vector<256x256xf32>
    %max3A_1622 = vector.broadcast %slice3A_1620 : vector<1x256xf32> to vector<256x256xf32>
    %max3A_1623 = arith.maximumf %max3A_1621, %max3A_1622 : vector<256x256xf32>
    %slice3A_1624 = vector.extract_strided_slice %sub3A_36 {offsets = [0, 1536], sizes = [1, 256], strides = [1, 1]} : vector<1x2048xf32> to vector<1x256xf32>
    %max3A_1625 = vector.broadcast %sub3A_1498 : vector<256x1xf32> to vector<256x256xf32>
    %max3A_1626 = vector.broadcast %slice3A_1624 : vector<1x256xf32> to vector<256x256xf32>
    %max3A_1627 = arith.maximumf %max3A_1625, %max3A_1626 : vector<256x256xf32>
    %slice3A_1628 = vector.extract_strided_slice %add3A_40 {offsets = [0, 1536], sizes = [1, 256], strides = [1, 1]} : vector<1x2048xf32> to vector<1x256xf32>
    %min3A_1629 = vector.broadcast %add3A_1502 : vector<256x1xf32> to vector<256x256xf32>
    %min3A_1630 = vector.broadcast %slice3A_1628 : vector<1x256xf32> to vector<256x256xf32>
    %min3A_1631 = arith.minimumf %min3A_1629, %min3A_1630 : vector<256x256xf32>
    %slice3A_1632 = vector.extract_strided_slice %add3A_44 {offsets = [0, 1536], sizes = [1, 256], strides = [1, 1]} : vector<1x2048xf32> to vector<1x256xf32>
    %min3A_1633 = vector.broadcast %add3A_1506 : vector<256x1xf32> to vector<256x256xf32>
    %min3A_1634 = vector.broadcast %slice3A_1632 : vector<1x256xf32> to vector<256x256xf32>
    %min3A_1635 = arith.minimumf %min3A_1633, %min3A_1634 : vector<256x256xf32>
    %sub3A_1636 = arith.subf %min3A_1631, %max3A_1623 : vector<256x256xf32>
    %jit3A_1637 = arith.constant 0.000000e+00 : f32
    %max3A_1638 = vector.broadcast %jit3A_1637 : f32 to vector<256x256xf32>
    %max3A_1639 = arith.maximumf %max3A_1638, %sub3A_1636 : vector<256x256xf32>
    %sub3A_1640 = arith.subf %min3A_1635, %max3A_1627 : vector<256x256xf32>
    %jit3A_1641 = arith.constant 0.000000e+00 : f32
    %max3A_1642 = vector.broadcast %jit3A_1641 : f32 to vector<256x256xf32>
    %max3A_1643 = arith.maximumf %max3A_1642, %sub3A_1640 : vector<256x256xf32>
    %mul3A_1644 = arith.mulf %max3A_1639, %max3A_1643 : vector<256x256xf32>
    %slice3A_1645 = vector.extract_strided_slice %mul3A_47 {offsets = [0, 1536], sizes = [1, 256], strides = [1, 1]} : vector<1x2048xf32> to vector<1x256xf32>
    %add3A_1646 = vector.broadcast %mul3A_1509 : vector<256x1xf32> to vector<256x256xf32>
    %add3A_1647 = vector.broadcast %slice3A_1645 : vector<1x256xf32> to vector<256x256xf32>
    %add3A_1648 = arith.addf %add3A_1646, %add3A_1647 : vector<256x256xf32>
    %sub3A_1649 = arith.subf %add3A_1648, %mul3A_1644 : vector<256x256xf32>
    %div3A_1650 = arith.divf %mul3A_1644, %sub3A_1649 : vector<256x256xf32>
    %gt3A_1651 = arith.constant 0.699999988 : f32
    %gt3A_1652 = vector.broadcast %gt3A_1651 : f32 to vector<256x256xf32>
    %gt3A_1653 = arith.cmpf ogt, %div3A_1650, %gt3A_1652 : vector<256x256xf32>
    %jit3A_1654 = arith.constant 1.000000e+00 : f32
    %jit3A_1655 = arith.constant 0.000000e+00 : f32
    %broadcast_in_dim3A_1656 = vector.broadcast %jit3A_1654 : f32 to vector<256x256xf32>
    %broadcast_in_dim3A_1657 = vector.broadcast %jit3A_1655 : f32 to vector<256x256xf32>
    %select_n3A_1658 = arith.select %gt3A_1653, %broadcast_in_dim3A_1656, %broadcast_in_dim3A_1657 : vector<256x256xi1>, vector<256x256xf32>
    %convert_element_type3A_1659 = arith.truncf %select_n3A_1658 : vector<256x256xf32> to vector<256x256xbf16>
    %swap3A_1660 = arith.constant 1024 : index
    %swap3A_1661 = arith.constant 1536 : index
    %swap3A_1662 = vector.load %arg4[%swap3A_1660, %swap3A_1661] : memref<2048x2048xbf16, #tpu.memory_space<vmem>>, vector<256x256xbf16>
    tpu.vector_store %arg4[%swap3A_1660, %swap3A_1661], %convert_element_type3A_1659 {strides = array<i32>} : memref<2048x2048xbf16, #tpu.memory_space<vmem>>, vector<256x256xbf16>,
    %slice3A_1663 = vector.extract_strided_slice %sub3A_32 {offsets = [0, 1792], sizes = [1, 256], strides = [1, 1]} : vector<1x2048xf32> to vector<1x256xf32>
    %max3A_1664 = vector.broadcast %sub3A_1494 : vector<256x1xf32> to vector<256x256xf32>
    %max3A_1665 = vector.broadcast %slice3A_1663 : vector<1x256xf32> to vector<256x256xf32>
    %max3A_1666 = arith.maximumf %max3A_1664, %max3A_1665 : vector<256x256xf32>
    %slice3A_1667 = vector.extract_strided_slice %sub3A_36 {offsets = [0, 1792], sizes = [1, 256], strides = [1, 1]} : vector<1x2048xf32> to vector<1x256xf32>
    %max3A_1668 = vector.broadcast %sub3A_1498 : vector<256x1xf32> to vector<256x256xf32>
    %max3A_1669 = vector.broadcast %slice3A_1667 : vector<1x256xf32> to vector<256x256xf32>
    %max3A_1670 = arith.maximumf %max3A_1668, %max3A_1669 : vector<256x256xf32>
    %slice3A_1671 = vector.extract_strided_slice %add3A_40 {offsets = [0, 1792], sizes = [1, 256], strides = [1, 1]} : vector<1x2048xf32> to vector<1x256xf32>
    %min3A_1672 = vector.broadcast %add3A_1502 : vector<256x1xf32> to vector<256x256xf32>
    %min3A_1673 = vector.broadcast %slice3A_1671 : vector<1x256xf32> to vector<256x256xf32>
    %min3A_1674 = arith.minimumf %min3A_1672, %min3A_1673 : vector<256x256xf32>
    %slice3A_1675 = vector.extract_strided_slice %add3A_44 {offsets = [0, 1792], sizes = [1, 256], strides = [1, 1]} : vector<1x2048xf32> to vector<1x256xf32>
    %min3A_1676 = vector.broadcast %add3A_1506 : vector<256x1xf32> to vector<256x256xf32>
    %min3A_1677 = vector.broadcast %slice3A_1675 : vector<1x256xf32> to vector<256x256xf32>
    %min3A_1678 = arith.minimumf %min3A_1676, %min3A_1677 : vector<256x256xf32>
    %sub3A_1679 = arith.subf %min3A_1674, %max3A_1666 : vector<256x256xf32>
    %jit3A_1680 = arith.constant 0.000000e+00 : f32
    %max3A_1681 = vector.broadcast %jit3A_1680 : f32 to vector<256x256xf32>
    %max3A_1682 = arith.maximumf %max3A_1681, %sub3A_1679 : vector<256x256xf32>
    %sub3A_1683 = arith.subf %min3A_1678, %max3A_1670 : vector<256x256xf32>
    %jit3A_1684 = arith.constant 0.000000e+00 : f32
    %max3A_1685 = vector.broadcast %jit3A_1684 : f32 to vector<256x256xf32>
    %max3A_1686 = arith.maximumf %max3A_1685, %sub3A_1683 : vector<256x256xf32>
    %mul3A_1687 = arith.mulf %max3A_1682, %max3A_1686 : vector<256x256xf32>
    %slice3A_1688 = vector.extract_strided_slice %mul3A_47 {offsets = [0, 1792], sizes = [1, 256], strides = [1, 1]} : vector<1x2048xf32> to vector<1x256xf32>
    %add3A_1689 = vector.broadcast %mul3A_1509 : vector<256x1xf32> to vector<256x256xf32>
    %add3A_1690 = vector.broadcast %slice3A_1688 : vector<1x256xf32> to vector<256x256xf32>
    %add3A_1691 = arith.addf %add3A_1689, %add3A_1690 : vector<256x256xf32>
    %sub3A_1692 = arith.subf %add3A_1691, %mul3A_1687 : vector<256x256xf32>
    %div3A_1693 = arith.divf %mul3A_1687, %sub3A_1692 : vector<256x256xf32>
    %gt3A_1694 = arith.constant 0.699999988 : f32
    %gt3A_1695 = vector.broadcast %gt3A_1694 : f32 to vector<256x256xf32>
    %gt3A_1696 = arith.cmpf ogt, %div3A_1693, %gt3A_1695 : vector<256x256xf32>
    %jit3A_1697 = arith.constant 1.000000e+00 : f32
    %jit3A_1698 = arith.constant 0.000000e+00 : f32
    %broadcast_in_dim3A_1699 = vector.broadcast %jit3A_1697 : f32 to vector<256x256xf32>
    %broadcast_in_dim3A_1700 = vector.broadcast %jit3A_1698 : f32 to vector<256x256xf32>
    %select_n3A_1701 = arith.select %gt3A_1696, %broadcast_in_dim3A_1699, %broadcast_in_dim3A_1700 : vector<256x256xi1>, vector<256x256xf32>
    %convert_element_type3A_1702 = arith.truncf %select_n3A_1701 : vector<256x256xf32> to vector<256x256xbf16>
    %swap3A_1703 = arith.constant 1024 : index
    %swap3A_1704 = arith.constant 1792 : index
    %swap3A_1705 = vector.load %arg4[%swap3A_1703, %swap3A_1704] : memref<2048x2048xbf16, #tpu.memory_space<vmem>>, vector<256x256xbf16>
    tpu.vector_store %arg4[%swap3A_1703, %swap3A_1704], %convert_element_type3A_1702 {strides = array<i32>} : memref<2048x2048xbf16, #tpu.memory_space<vmem>>, vector<256x256xbf16>,
    %get3A_1706 = arith.constant 1280 : index
    %get3A_1707 = arith.constant 0 : index
    %get3A_1708 = vector.load %arg0[%get3A_1706, %get3A_1707] : memref<2048x16xf32, #tpu.memory_space<vmem>>, vector<256x4xf32>
    %get3A_1709 = arith.constant 1280 : index
    %get3A_1710 = arith.constant 4 : index
    %get3A_1711 = vector.load %arg0[%get3A_1709, %get3A_1710] : memref<2048x16xf32, #tpu.memory_space<vmem>>, vector<256x4xf32>
    %slice3A_1712 = vector.extract_strided_slice %get3A_1711 {offsets = [0, 0], sizes = [256, 1], strides = [1, 1]} : vector<256x4xf32> to vector<256x1xf32>
    %slice3A_1713 = vector.extract_strided_slice %get3A_1711 {offsets = [0, 1], sizes = [256, 1], strides = [1, 1]} : vector<256x4xf32> to vector<256x1xf32>
    %slice3A_1714 = vector.extract_strided_slice %get3A_1711 {offsets = [0, 2], sizes = [256, 1], strides = [1, 1]} : vector<256x4xf32> to vector<256x1xf32>
    %min3A_1715 = arith.constant 3.33220458 : f32
    %min3A_1716 = vector.broadcast %min3A_1715 : f32 to vector<256x1xf32>
    %min3A_1717 = arith.minimumf %slice3A_1714, %min3A_1716 : vector<256x1xf32>
    %slice3A_1718 = vector.extract_strided_slice %get3A_1711 {offsets = [0, 3], sizes = [256, 1], strides = [1, 1]} : vector<256x4xf32> to vector<256x1xf32>
    %min3A_1719 = arith.constant 3.33220458 : f32
    %min3A_1720 = vector.broadcast %min3A_1719 : f32 to vector<256x1xf32>
    %min3A_1721 = arith.minimumf %slice3A_1718, %min3A_1720 : vector<256x1xf32>
    %slice3A_1722 = vector.extract_strided_slice %get3A_1708 {offsets = [0, 0], sizes = [256, 1], strides = [1, 1]} : vector<256x4xf32> to vector<256x1xf32>
    %slice3A_1723 = vector.extract_strided_slice %get3A_1708 {offsets = [0, 1], sizes = [256, 1], strides = [1, 1]} : vector<256x4xf32> to vector<256x1xf32>
    %slice3A_1724 = vector.extract_strided_slice %get3A_1708 {offsets = [0, 2], sizes = [256, 1], strides = [1, 1]} : vector<256x4xf32> to vector<256x1xf32>
    %slice3A_1725 = vector.extract_strided_slice %get3A_1708 {offsets = [0, 3], sizes = [256, 1], strides = [1, 1]} : vector<256x4xf32> to vector<256x1xf32>
    %sub3A_1726 = arith.subf %slice3A_1724, %slice3A_1722 : vector<256x1xf32>
    %sub3A_1727 = arith.subf %slice3A_1725, %slice3A_1723 : vector<256x1xf32>
    %div3A_1728 = arith.constant 2.000000e+00 : f32
    %div3A_1729 = vector.broadcast %div3A_1728 : f32 to vector<256x1xf32>
    %div3A_1730 = arith.divf %sub3A_1726, %div3A_1729 : vector<256x1xf32>
    %add3A_1731 = arith.addf %slice3A_1722, %div3A_1730 : vector<256x1xf32>
    %div3A_1732 = arith.constant 2.000000e+00 : f32
    %div3A_1733 = vector.broadcast %div3A_1732 : f32 to vector<256x1xf32>
    %div3A_1734 = arith.divf %sub3A_1727, %div3A_1733 : vector<256x1xf32>
    %add3A_1735 = arith.addf %slice3A_1723, %div3A_1734 : vector<256x1xf32>
    %mul3A_1736 = arith.mulf %sub3A_1726, %slice3A_1712 : vector<256x1xf32>
    %add3A_1737 = arith.addf %add3A_1731, %mul3A_1736 : vector<256x1xf32>
    %mul3A_1738 = arith.mulf %sub3A_1727, %slice3A_1713 : vector<256x1xf32>
    %add3A_1739 = arith.addf %add3A_1735, %mul3A_1738 : vector<256x1xf32>
    %exp3A_1740 = math.exp %min3A_1717 : vector<256x1xf32>
    %mul3A_1741 = arith.mulf %sub3A_1726, %exp3A_1740 : vector<256x1xf32>
    %exp3A_1742 = math.exp %min3A_1721 : vector<256x1xf32>
    %mul3A_1743 = arith.mulf %sub3A_1727, %exp3A_1742 : vector<256x1xf32>
    %div3A_1744 = arith.constant 2.000000e+00 : f32
    %div3A_1745 = vector.broadcast %div3A_1744 : f32 to vector<256x1xf32>
    %div3A_1746 = arith.divf %mul3A_1741, %div3A_1745 : vector<256x1xf32>
    %sub3A_1747 = arith.subf %add3A_1737, %div3A_1746 : vector<256x1xf32>
    %div3A_1748 = arith.constant 2.000000e+00 : f32
    %div3A_1749 = vector.broadcast %div3A_1748 : f32 to vector<256x1xf32>
    %div3A_1750 = arith.divf %mul3A_1743, %div3A_1749 : vector<256x1xf32>
    %sub3A_1751 = arith.subf %add3A_1739, %div3A_1750 : vector<256x1xf32>
    %div3A_1752 = arith.constant 2.000000e+00 : f32
    %div3A_1753 = vector.broadcast %div3A_1752 : f32 to vector<256x1xf32>
    %div3A_1754 = arith.divf %mul3A_1741, %div3A_1753 : vector<256x1xf32>
    %add3A_1755 = arith.addf %add3A_1737, %div3A_1754 : vector<256x1xf32>
    %div3A_1756 = arith.constant 2.000000e+00 : f32
    %div3A_1757 = vector.broadcast %div3A_1756 : f32 to vector<256x1xf32>
    %div3A_1758 = arith.divf %mul3A_1743, %div3A_1757 : vector<256x1xf32>
    %add3A_1759 = arith.addf %add3A_1739, %div3A_1758 : vector<256x1xf32>
    %sub3A_1760 = arith.subf %add3A_1755, %sub3A_1747 : vector<256x1xf32>
    %sub3A_1761 = arith.subf %add3A_1759, %sub3A_1751 : vector<256x1xf32>
    %mul3A_1762 = arith.mulf %sub3A_1760, %sub3A_1761 : vector<256x1xf32>
    %iota3A_1763 = tpu.iota {dimensions = array<i32: 0>} : vector<256x1xi32>
    %add3A_1764 = arith.constant 1280 : i32
    %add3A_1765 = vector.broadcast %add3A_1764 : i32 to vector<256x1xi32>
    %add3A_1766 = arith.addi %add3A_1765, %iota3A_1763 : vector<256x1xi32>
    %swap3A_1767 = arith.constant 1280 : index
    %swap3A_1768 = arith.constant 0 : index
    %swap3A_1769 = vector.load %arg4[%swap3A_1767, %swap3A_1768] : memref<2048x2048xbf16, #tpu.memory_space<vmem>>, vector<256x256xbf16>
    tpu.vector_store %arg4[%swap3A_1767, %swap3A_1768], %broadcast_in_dim3A_48 {strides = array<i32>} : memref<2048x2048xbf16, #tpu.memory_space<vmem>>, vector<256x256xbf16>,
    %swap3A_1770 = arith.constant 1280 : index
    %swap3A_1771 = arith.constant 256 : index
    %swap3A_1772 = vector.load %arg4[%swap3A_1770, %swap3A_1771] : memref<2048x2048xbf16, #tpu.memory_space<vmem>>, vector<256x256xbf16>
    tpu.vector_store %arg4[%swap3A_1770, %swap3A_1771], %broadcast_in_dim3A_48 {strides = array<i32>} : memref<2048x2048xbf16, #tpu.memory_space<vmem>>, vector<256x256xbf16>,
    %swap3A_1773 = arith.constant 1280 : index
    %swap3A_1774 = arith.constant 512 : index
    %swap3A_1775 = vector.load %arg4[%swap3A_1773, %swap3A_1774] : memref<2048x2048xbf16, #tpu.memory_space<vmem>>, vector<256x256xbf16>
    tpu.vector_store %arg4[%swap3A_1773, %swap3A_1774], %broadcast_in_dim3A_48 {strides = array<i32>} : memref<2048x2048xbf16, #tpu.memory_space<vmem>>, vector<256x256xbf16>,
    %swap3A_1776 = arith.constant 1280 : index
    %swap3A_1777 = arith.constant 768 : index
    %swap3A_1778 = vector.load %arg4[%swap3A_1776, %swap3A_1777] : memref<2048x2048xbf16, #tpu.memory_space<vmem>>, vector<256x256xbf16>
    tpu.vector_store %arg4[%swap3A_1776, %swap3A_1777], %broadcast_in_dim3A_48 {strides = array<i32>} : memref<2048x2048xbf16, #tpu.memory_space<vmem>>, vector<256x256xbf16>,
    %swap3A_1779 = arith.constant 1280 : index
    %swap3A_1780 = arith.constant 1024 : index
    %swap3A_1781 = vector.load %arg4[%swap3A_1779, %swap3A_1780] : memref<2048x2048xbf16, #tpu.memory_space<vmem>>, vector<256x256xbf16>
    tpu.vector_store %arg4[%swap3A_1779, %swap3A_1780], %broadcast_in_dim3A_48 {strides = array<i32>} : memref<2048x2048xbf16, #tpu.memory_space<vmem>>, vector<256x256xbf16>,
    %slice3A_1782 = vector.extract_strided_slice %sub3A_32 {offsets = [0, 1280], sizes = [1, 256], strides = [1, 1]} : vector<1x2048xf32> to vector<1x256xf32>
    %max3A_1783 = vector.broadcast %sub3A_1747 : vector<256x1xf32> to vector<256x256xf32>
    %max3A_1784 = vector.broadcast %slice3A_1782 : vector<1x256xf32> to vector<256x256xf32>
    %max3A_1785 = arith.maximumf %max3A_1783, %max3A_1784 : vector<256x256xf32>
    %slice3A_1786 = vector.extract_strided_slice %sub3A_36 {offsets = [0, 1280], sizes = [1, 256], strides = [1, 1]} : vector<1x2048xf32> to vector<1x256xf32>
    %max3A_1787 = vector.broadcast %sub3A_1751 : vector<256x1xf32> to vector<256x256xf32>
    %max3A_1788 = vector.broadcast %slice3A_1786 : vector<1x256xf32> to vector<256x256xf32>
    %max3A_1789 = arith.maximumf %max3A_1787, %max3A_1788 : vector<256x256xf32>
    %slice3A_1790 = vector.extract_strided_slice %add3A_40 {offsets = [0, 1280], sizes = [1, 256], strides = [1, 1]} : vector<1x2048xf32> to vector<1x256xf32>
    %min3A_1791 = vector.broadcast %add3A_1755 : vector<256x1xf32> to vector<256x256xf32>
    %min3A_1792 = vector.broadcast %slice3A_1790 : vector<1x256xf32> to vector<256x256xf32>
    %min3A_1793 = arith.minimumf %min3A_1791, %min3A_1792 : vector<256x256xf32>
    %slice3A_1794 = vector.extract_strided_slice %add3A_44 {offsets = [0, 1280], sizes = [1, 256], strides = [1, 1]} : vector<1x2048xf32> to vector<1x256xf32>
    %min3A_1795 = vector.broadcast %add3A_1759 : vector<256x1xf32> to vector<256x256xf32>
    %min3A_1796 = vector.broadcast %slice3A_1794 : vector<1x256xf32> to vector<256x256xf32>
    %min3A_1797 = arith.minimumf %min3A_1795, %min3A_1796 : vector<256x256xf32>
    %sub3A_1798 = arith.subf %min3A_1793, %max3A_1785 : vector<256x256xf32>
    %jit3A_1799 = arith.constant 0.000000e+00 : f32
    %max3A_1800 = vector.broadcast %jit3A_1799 : f32 to vector<256x256xf32>
    %max3A_1801 = arith.maximumf %max3A_1800, %sub3A_1798 : vector<256x256xf32>
    %sub3A_1802 = arith.subf %min3A_1797, %max3A_1789 : vector<256x256xf32>
    %jit3A_1803 = arith.constant 0.000000e+00 : f32
    %max3A_1804 = vector.broadcast %jit3A_1803 : f32 to vector<256x256xf32>
    %max3A_1805 = arith.maximumf %max3A_1804, %sub3A_1802 : vector<256x256xf32>
    %mul3A_1806 = arith.mulf %max3A_1801, %max3A_1805 : vector<256x256xf32>
    %slice3A_1807 = vector.extract_strided_slice %mul3A_47 {offsets = [0, 1280], sizes = [1, 256], strides = [1, 1]} : vector<1x2048xf32> to vector<1x256xf32>
    %add3A_1808 = vector.broadcast %mul3A_1762 : vector<256x1xf32> to vector<256x256xf32>
    %add3A_1809 = vector.broadcast %slice3A_1807 : vector<1x256xf32> to vector<256x256xf32>
    %add3A_1810 = arith.addf %add3A_1808, %add3A_1809 : vector<256x256xf32>
    %sub3A_1811 = arith.subf %add3A_1810, %mul3A_1806 : vector<256x256xf32>
    %div3A_1812 = arith.divf %mul3A_1806, %sub3A_1811 : vector<256x256xf32>
    %iota3A_1813 = tpu.iota {dimensions = array<i32: 1>} : vector<1x256xi32>
    %add3A_1814 = arith.constant 1280 : i32
    %add3A_1815 = vector.broadcast %add3A_1814 : i32 to vector<1x256xi32>
    %add3A_1816 = arith.addi %add3A_1815, %iota3A_1813 : vector<1x256xi32>
    %lt3A_1817 = vector.broadcast %add3A_1766 : vector<256x1xi32> to vector<256x256xi32>
    %lt3A_1818 = vector.broadcast %add3A_1816 : vector<1x256xi32> to vector<256x256xi32>
    %lt3A_1819 = arith.cmpi slt, %lt3A_1817, %lt3A_1818 : vector<256x256xi32>
    %gt3A_1820 = arith.constant 0.699999988 : f32
    %gt3A_1821 = vector.broadcast %gt3A_1820 : f32 to vector<256x256xf32>
    %gt3A_1822 = arith.cmpf ogt, %div3A_1812, %gt3A_1821 : vector<256x256xf32>
    %and3A_1823 = arith.andi %gt3A_1822, %lt3A_1819 : vector<256x256xi1>
    %jit3A_1824 = arith.constant 1.000000e+00 : f32
    %jit3A_1825 = arith.constant 0.000000e+00 : f32
    %broadcast_in_dim3A_1826 = vector.broadcast %jit3A_1824 : f32 to vector<256x256xf32>
    %broadcast_in_dim3A_1827 = vector.broadcast %jit3A_1825 : f32 to vector<256x256xf32>
    %select_n3A_1828 = arith.select %and3A_1823, %broadcast_in_dim3A_1826, %broadcast_in_dim3A_1827 : vector<256x256xi1>, vector<256x256xf32>
    %convert_element_type3A_1829 = arith.truncf %select_n3A_1828 : vector<256x256xf32> to vector<256x256xbf16>
    %swap3A_1830 = arith.constant 1280 : index
    %swap3A_1831 = arith.constant 1280 : index
    %swap3A_1832 = vector.load %arg4[%swap3A_1830, %swap3A_1831] : memref<2048x2048xbf16, #tpu.memory_space<vmem>>, vector<256x256xbf16>
    tpu.vector_store %arg4[%swap3A_1830, %swap3A_1831], %convert_element_type3A_1829 {strides = array<i32>} : memref<2048x2048xbf16, #tpu.memory_space<vmem>>, vector<256x256xbf16>,
    %slice3A_1833 = vector.extract_strided_slice %sub3A_32 {offsets = [0, 1536], sizes = [1, 256], strides = [1, 1]} : vector<1x2048xf32> to vector<1x256xf32>
    %max3A_1834 = vector.broadcast %sub3A_1747 : vector<256x1xf32> to vector<256x256xf32>
    %max3A_1835 = vector.broadcast %slice3A_1833 : vector<1x256xf32> to vector<256x256xf32>
    %max3A_1836 = arith.maximumf %max3A_1834, %max3A_1835 : vector<256x256xf32>
    %slice3A_1837 = vector.extract_strided_slice %sub3A_36 {offsets = [0, 1536], sizes = [1, 256], strides = [1, 1]} : vector<1x2048xf32> to vector<1x256xf32>
    %max3A_1838 = vector.broadcast %sub3A_1751 : vector<256x1xf32> to vector<256x256xf32>
    %max3A_1839 = vector.broadcast %slice3A_1837 : vector<1x256xf32> to vector<256x256xf32>
    %max3A_1840 = arith.maximumf %max3A_1838, %max3A_1839 : vector<256x256xf32>
    %slice3A_1841 = vector.extract_strided_slice %add3A_40 {offsets = [0, 1536], sizes = [1, 256], strides = [1, 1]} : vector<1x2048xf32> to vector<1x256xf32>
    %min3A_1842 = vector.broadcast %add3A_1755 : vector<256x1xf32> to vector<256x256xf32>
    %min3A_1843 = vector.broadcast %slice3A_1841 : vector<1x256xf32> to vector<256x256xf32>
    %min3A_1844 = arith.minimumf %min3A_1842, %min3A_1843 : vector<256x256xf32>
    %slice3A_1845 = vector.extract_strided_slice %add3A_44 {offsets = [0, 1536], sizes = [1, 256], strides = [1, 1]} : vector<1x2048xf32> to vector<1x256xf32>
    %min3A_1846 = vector.broadcast %add3A_1759 : vector<256x1xf32> to vector<256x256xf32>
    %min3A_1847 = vector.broadcast %slice3A_1845 : vector<1x256xf32> to vector<256x256xf32>
    %min3A_1848 = arith.minimumf %min3A_1846, %min3A_1847 : vector<256x256xf32>
    %sub3A_1849 = arith.subf %min3A_1844, %max3A_1836 : vector<256x256xf32>
    %jit3A_1850 = arith.constant 0.000000e+00 : f32
    %max3A_1851 = vector.broadcast %jit3A_1850 : f32 to vector<256x256xf32>
    %max3A_1852 = arith.maximumf %max3A_1851, %sub3A_1849 : vector<256x256xf32>
    %sub3A_1853 = arith.subf %min3A_1848, %max3A_1840 : vector<256x256xf32>
    %jit3A_1854 = arith.constant 0.000000e+00 : f32
    %max3A_1855 = vector.broadcast %jit3A_1854 : f32 to vector<256x256xf32>
    %max3A_1856 = arith.maximumf %max3A_1855, %sub3A_1853 : vector<256x256xf32>
    %mul3A_1857 = arith.mulf %max3A_1852, %max3A_1856 : vector<256x256xf32>
    %slice3A_1858 = vector.extract_strided_slice %mul3A_47 {offsets = [0, 1536], sizes = [1, 256], strides = [1, 1]} : vector<1x2048xf32> to vector<1x256xf32>
    %add3A_1859 = vector.broadcast %mul3A_1762 : vector<256x1xf32> to vector<256x256xf32>
    %add3A_1860 = vector.broadcast %slice3A_1858 : vector<1x256xf32> to vector<256x256xf32>
    %add3A_1861 = arith.addf %add3A_1859, %add3A_1860 : vector<256x256xf32>
    %sub3A_1862 = arith.subf %add3A_1861, %mul3A_1857 : vector<256x256xf32>
    %div3A_1863 = arith.divf %mul3A_1857, %sub3A_1862 : vector<256x256xf32>
    %gt3A_1864 = arith.constant 0.699999988 : f32
    %gt3A_1865 = vector.broadcast %gt3A_1864 : f32 to vector<256x256xf32>
    %gt3A_1866 = arith.cmpf ogt, %div3A_1863, %gt3A_1865 : vector<256x256xf32>
    %jit3A_1867 = arith.constant 1.000000e+00 : f32
    %jit3A_1868 = arith.constant 0.000000e+00 : f32
    %broadcast_in_dim3A_1869 = vector.broadcast %jit3A_1867 : f32 to vector<256x256xf32>
    %broadcast_in_dim3A_1870 = vector.broadcast %jit3A_1868 : f32 to vector<256x256xf32>
    %select_n3A_1871 = arith.select %gt3A_1866, %broadcast_in_dim3A_1869, %broadcast_in_dim3A_1870 : vector<256x256xi1>, vector<256x256xf32>
    %convert_element_type3A_1872 = arith.truncf %select_n3A_1871 : vector<256x256xf32> to vector<256x256xbf16>
    %swap3A_1873 = arith.constant 1280 : index
    %swap3A_1874 = arith.constant 1536 : index
    %swap3A_1875 = vector.load %arg4[%swap3A_1873, %swap3A_1874] : memref<2048x2048xbf16, #tpu.memory_space<vmem>>, vector<256x256xbf16>
    tpu.vector_store %arg4[%swap3A_1873, %swap3A_1874], %convert_element_type3A_1872 {strides = array<i32>} : memref<2048x2048xbf16, #tpu.memory_space<vmem>>, vector<256x256xbf16>,
    %slice3A_1876 = vector.extract_strided_slice %sub3A_32 {offsets = [0, 1792], sizes = [1, 256], strides = [1, 1]} : vector<1x2048xf32> to vector<1x256xf32>
    %max3A_1877 = vector.broadcast %sub3A_1747 : vector<256x1xf32> to vector<256x256xf32>
    %max3A_1878 = vector.broadcast %slice3A_1876 : vector<1x256xf32> to vector<256x256xf32>
    %max3A_1879 = arith.maximumf %max3A_1877, %max3A_1878 : vector<256x256xf32>
    %slice3A_1880 = vector.extract_strided_slice %sub3A_36 {offsets = [0, 1792], sizes = [1, 256], strides = [1, 1]} : vector<1x2048xf32> to vector<1x256xf32>
    %max3A_1881 = vector.broadcast %sub3A_1751 : vector<256x1xf32> to vector<256x256xf32>
    %max3A_1882 = vector.broadcast %slice3A_1880 : vector<1x256xf32> to vector<256x256xf32>
    %max3A_1883 = arith.maximumf %max3A_1881, %max3A_1882 : vector<256x256xf32>
    %slice3A_1884 = vector.extract_strided_slice %add3A_40 {offsets = [0, 1792], sizes = [1, 256], strides = [1, 1]} : vector<1x2048xf32> to vector<1x256xf32>
    %min3A_1885 = vector.broadcast %add3A_1755 : vector<256x1xf32> to vector<256x256xf32>
    %min3A_1886 = vector.broadcast %slice3A_1884 : vector<1x256xf32> to vector<256x256xf32>
    %min3A_1887 = arith.minimumf %min3A_1885, %min3A_1886 : vector<256x256xf32>
    %slice3A_1888 = vector.extract_strided_slice %add3A_44 {offsets = [0, 1792], sizes = [1, 256], strides = [1, 1]} : vector<1x2048xf32> to vector<1x256xf32>
    %min3A_1889 = vector.broadcast %add3A_1759 : vector<256x1xf32> to vector<256x256xf32>
    %min3A_1890 = vector.broadcast %slice3A_1888 : vector<1x256xf32> to vector<256x256xf32>
    %min3A_1891 = arith.minimumf %min3A_1889, %min3A_1890 : vector<256x256xf32>
    %sub3A_1892 = arith.subf %min3A_1887, %max3A_1879 : vector<256x256xf32>
    %jit3A_1893 = arith.constant 0.000000e+00 : f32
    %max3A_1894 = vector.broadcast %jit3A_1893 : f32 to vector<256x256xf32>
    %max3A_1895 = arith.maximumf %max3A_1894, %sub3A_1892 : vector<256x256xf32>
    %sub3A_1896 = arith.subf %min3A_1891, %max3A_1883 : vector<256x256xf32>
    %jit3A_1897 = arith.constant 0.000000e+00 : f32
    %max3A_1898 = vector.broadcast %jit3A_1897 : f32 to vector<256x256xf32>
    %max3A_1899 = arith.maximumf %max3A_1898, %sub3A_1896 : vector<256x256xf32>
    %mul3A_1900 = arith.mulf %max3A_1895, %max3A_1899 : vector<256x256xf32>
    %slice3A_1901 = vector.extract_strided_slice %mul3A_47 {offsets = [0, 1792], sizes = [1, 256], strides = [1, 1]} : vector<1x2048xf32> to vector<1x256xf32>
    %add3A_1902 = vector.broadcast %mul3A_1762 : vector<256x1xf32> to vector<256x256xf32>
    %add3A_1903 = vector.broadcast %slice3A_1901 : vector<1x256xf32> to vector<256x256xf32>
    %add3A_1904 = arith.addf %add3A_1902, %add3A_1903 : vector<256x256xf32>
    %sub3A_1905 = arith.subf %add3A_1904, %mul3A_1900 : vector<256x256xf32>
    %div3A_1906 = arith.divf %mul3A_1900, %sub3A_1905 : vector<256x256xf32>
    %gt3A_1907 = arith.constant 0.699999988 : f32
    %gt3A_1908 = vector.broadcast %gt3A_1907 : f32 to vector<256x256xf32>
    %gt3A_1909 = arith.cmpf ogt, %div3A_1906, %gt3A_1908 : vector<256x256xf32>
    %jit3A_1910 = arith.constant 1.000000e+00 : f32
    %jit3A_1911 = arith.constant 0.000000e+00 : f32
    %broadcast_in_dim3A_1912 = vector.broadcast %jit3A_1910 : f32 to vector<256x256xf32>
    %broadcast_in_dim3A_1913 = vector.broadcast %jit3A_1911 : f32 to vector<256x256xf32>
    %select_n3A_1914 = arith.select %gt3A_1909, %broadcast_in_dim3A_1912, %broadcast_in_dim3A_1913 : vector<256x256xi1>, vector<256x256xf32>
    %convert_element_type3A_1915 = arith.truncf %select_n3A_1914 : vector<256x256xf32> to vector<256x256xbf16>
    %swap3A_1916 = arith.constant 1280 : index
    %swap3A_1917 = arith.constant 1792 : index
    %swap3A_1918 = vector.load %arg4[%swap3A_1916, %swap3A_1917] : memref<2048x2048xbf16, #tpu.memory_space<vmem>>, vector<256x256xbf16>
    tpu.vector_store %arg4[%swap3A_1916, %swap3A_1917], %convert_element_type3A_1915 {strides = array<i32>} : memref<2048x2048xbf16, #tpu.memory_space<vmem>>, vector<256x256xbf16>,
    %get3A_1919 = arith.constant 1536 : index
    %get3A_1920 = arith.constant 0 : index
    %get3A_1921 = vector.load %arg0[%get3A_1919, %get3A_1920] : memref<2048x16xf32, #tpu.memory_space<vmem>>, vector<256x4xf32>
    %get3A_1922 = arith.constant 1536 : index
    %get3A_1923 = arith.constant 4 : index
    %get3A_1924 = vector.load %arg0[%get3A_1922, %get3A_1923] : memref<2048x16xf32, #tpu.memory_space<vmem>>, vector<256x4xf32>
    %slice3A_1925 = vector.extract_strided_slice %get3A_1924 {offsets = [0, 0], sizes = [256, 1], strides = [1, 1]} : vector<256x4xf32> to vector<256x1xf32>
    %slice3A_1926 = vector.extract_strided_slice %get3A_1924 {offsets = [0, 1], sizes = [256, 1], strides = [1, 1]} : vector<256x4xf32> to vector<256x1xf32>
    %slice3A_1927 = vector.extract_strided_slice %get3A_1924 {offsets = [0, 2], sizes = [256, 1], strides = [1, 1]} : vector<256x4xf32> to vector<256x1xf32>
    %min3A_1928 = arith.constant 3.33220458 : f32
    %min3A_1929 = vector.broadcast %min3A_1928 : f32 to vector<256x1xf32>
    %min3A_1930 = arith.minimumf %slice3A_1927, %min3A_1929 : vector<256x1xf32>
    %slice3A_1931 = vector.extract_strided_slice %get3A_1924 {offsets = [0, 3], sizes = [256, 1], strides = [1, 1]} : vector<256x4xf32> to vector<256x1xf32>
    %min3A_1932 = arith.constant 3.33220458 : f32
    %min3A_1933 = vector.broadcast %min3A_1932 : f32 to vector<256x1xf32>
    %min3A_1934 = arith.minimumf %slice3A_1931, %min3A_1933 : vector<256x1xf32>
    %slice3A_1935 = vector.extract_strided_slice %get3A_1921 {offsets = [0, 0], sizes = [256, 1], strides = [1, 1]} : vector<256x4xf32> to vector<256x1xf32>
    %slice3A_1936 = vector.extract_strided_slice %get3A_1921 {offsets = [0, 1], sizes = [256, 1], strides = [1, 1]} : vector<256x4xf32> to vector<256x1xf32>
    %slice3A_1937 = vector.extract_strided_slice %get3A_1921 {offsets = [0, 2], sizes = [256, 1], strides = [1, 1]} : vector<256x4xf32> to vector<256x1xf32>
    %slice3A_1938 = vector.extract_strided_slice %get3A_1921 {offsets = [0, 3], sizes = [256, 1], strides = [1, 1]} : vector<256x4xf32> to vector<256x1xf32>
    %sub3A_1939 = arith.subf %slice3A_1937, %slice3A_1935 : vector<256x1xf32>
    %sub3A_1940 = arith.subf %slice3A_1938, %slice3A_1936 : vector<256x1xf32>
    %div3A_1941 = arith.constant 2.000000e+00 : f32
    %div3A_1942 = vector.broadcast %div3A_1941 : f32 to vector<256x1xf32>
    %div3A_1943 = arith.divf %sub3A_1939, %div3A_1942 : vector<256x1xf32>
    %add3A_1944 = arith.addf %slice3A_1935, %div3A_1943 : vector<256x1xf32>
    %div3A_1945 = arith.constant 2.000000e+00 : f32
    %div3A_1946 = vector.broadcast %div3A_1945 : f32 to vector<256x1xf32>
    %div3A_1947 = arith.divf %sub3A_1940, %div3A_1946 : vector<256x1xf32>
    %add3A_1948 = arith.addf %slice3A_1936, %div3A_1947 : vector<256x1xf32>
    %mul3A_1949 = arith.mulf %sub3A_1939, %slice3A_1925 : vector<256x1xf32>
    %add3A_1950 = arith.addf %add3A_1944, %mul3A_1949 : vector<256x1xf32>
    %mul3A_1951 = arith.mulf %sub3A_1940, %slice3A_1926 : vector<256x1xf32>
    %add3A_1952 = arith.addf %add3A_1948, %mul3A_1951 : vector<256x1xf32>
    %exp3A_1953 = math.exp %min3A_1930 : vector<256x1xf32>
    %mul3A_1954 = arith.mulf %sub3A_1939, %exp3A_1953 : vector<256x1xf32>
    %exp3A_1955 = math.exp %min3A_1934 : vector<256x1xf32>
    %mul3A_1956 = arith.mulf %sub3A_1940, %exp3A_1955 : vector<256x1xf32>
    %div3A_1957 = arith.constant 2.000000e+00 : f32
    %div3A_1958 = vector.broadcast %div3A_1957 : f32 to vector<256x1xf32>
    %div3A_1959 = arith.divf %mul3A_1954, %div3A_1958 : vector<256x1xf32>
    %sub3A_1960 = arith.subf %add3A_1950, %div3A_1959 : vector<256x1xf32>
    %div3A_1961 = arith.constant 2.000000e+00 : f32
    %div3A_1962 = vector.broadcast %div3A_1961 : f32 to vector<256x1xf32>
    %div3A_1963 = arith.divf %mul3A_1956, %div3A_1962 : vector<256x1xf32>
    %sub3A_1964 = arith.subf %add3A_1952, %div3A_1963 : vector<256x1xf32>
    %div3A_1965 = arith.constant 2.000000e+00 : f32
    %div3A_1966 = vector.broadcast %div3A_1965 : f32 to vector<256x1xf32>
    %div3A_1967 = arith.divf %mul3A_1954, %div3A_1966 : vector<256x1xf32>
    %add3A_1968 = arith.addf %add3A_1950, %div3A_1967 : vector<256x1xf32>
    %div3A_1969 = arith.constant 2.000000e+00 : f32
    %div3A_1970 = vector.broadcast %div3A_1969 : f32 to vector<256x1xf32>
    %div3A_1971 = arith.divf %mul3A_1956, %div3A_1970 : vector<256x1xf32>
    %add3A_1972 = arith.addf %add3A_1952, %div3A_1971 : vector<256x1xf32>
    %sub3A_1973 = arith.subf %add3A_1968, %sub3A_1960 : vector<256x1xf32>
    %sub3A_1974 = arith.subf %add3A_1972, %sub3A_1964 : vector<256x1xf32>
    %mul3A_1975 = arith.mulf %sub3A_1973, %sub3A_1974 : vector<256x1xf32>
    %iota3A_1976 = tpu.iota {dimensions = array<i32: 0>} : vector<256x1xi32>
    %add3A_1977 = arith.constant 1536 : i32
    %add3A_1978 = vector.broadcast %add3A_1977 : i32 to vector<256x1xi32>
    %add3A_1979 = arith.addi %add3A_1978, %iota3A_1976 : vector<256x1xi32>
    %swap3A_1980 = arith.constant 1536 : index
    %swap3A_1981 = arith.constant 0 : index
    %swap3A_1982 = vector.load %arg4[%swap3A_1980, %swap3A_1981] : memref<2048x2048xbf16, #tpu.memory_space<vmem>>, vector<256x256xbf16>
    tpu.vector_store %arg4[%swap3A_1980, %swap3A_1981], %broadcast_in_dim3A_48 {strides = array<i32>} : memref<2048x2048xbf16, #tpu.memory_space<vmem>>, vector<256x256xbf16>,
    %swap3A_1983 = arith.constant 1536 : index
    %swap3A_1984 = arith.constant 256 : index
    %swap3A_1985 = vector.load %arg4[%swap3A_1983, %swap3A_1984] : memref<2048x2048xbf16, #tpu.memory_space<vmem>>, vector<256x256xbf16>
    tpu.vector_store %arg4[%swap3A_1983, %swap3A_1984], %broadcast_in_dim3A_48 {strides = array<i32>} : memref<2048x2048xbf16, #tpu.memory_space<vmem>>, vector<256x256xbf16>,
    %swap3A_1986 = arith.constant 1536 : index
    %swap3A_1987 = arith.constant 512 : index
    %swap3A_1988 = vector.load %arg4[%swap3A_1986, %swap3A_1987] : memref<2048x2048xbf16, #tpu.memory_space<vmem>>, vector<256x256xbf16>
    tpu.vector_store %arg4[%swap3A_1986, %swap3A_1987], %broadcast_in_dim3A_48 {strides = array<i32>} : memref<2048x2048xbf16, #tpu.memory_space<vmem>>, vector<256x256xbf16>,
    %swap3A_1989 = arith.constant 1536 : index
    %swap3A_1990 = arith.constant 768 : index
    %swap3A_1991 = vector.load %arg4[%swap3A_1989, %swap3A_1990] : memref<2048x2048xbf16, #tpu.memory_space<vmem>>, vector<256x256xbf16>
    tpu.vector_store %arg4[%swap3A_1989, %swap3A_1990], %broadcast_in_dim3A_48 {strides = array<i32>} : memref<2048x2048xbf16, #tpu.memory_space<vmem>>, vector<256x256xbf16>,
    %swap3A_1992 = arith.constant 1536 : index
    %swap3A_1993 = arith.constant 1024 : index
    %swap3A_1994 = vector.load %arg4[%swap3A_1992, %swap3A_1993] : memref<2048x2048xbf16, #tpu.memory_space<vmem>>, vector<256x256xbf16>
    tpu.vector_store %arg4[%swap3A_1992, %swap3A_1993], %broadcast_in_dim3A_48 {strides = array<i32>} : memref<2048x2048xbf16, #tpu.memory_space<vmem>>, vector<256x256xbf16>,
    %swap3A_1995 = arith.constant 1536 : index
    %swap3A_1996 = arith.constant 1280 : index
    %swap3A_1997 = vector.load %arg4[%swap3A_1995, %swap3A_1996] : memref<2048x2048xbf16, #tpu.memory_space<vmem>>, vector<256x256xbf16>
    tpu.vector_store %arg4[%swap3A_1995, %swap3A_1996], %broadcast_in_dim3A_48 {strides = array<i32>} : memref<2048x2048xbf16, #tpu.memory_space<vmem>>, vector<256x256xbf16>,
    %slice3A_1998 = vector.extract_strided_slice %sub3A_32 {offsets = [0, 1536], sizes = [1, 256], strides = [1, 1]} : vector<1x2048xf32> to vector<1x256xf32>
    %max3A_1999 = vector.broadcast %sub3A_1960 : vector<256x1xf32> to vector<256x256xf32>
    %max3A_2000 = vector.broadcast %slice3A_1998 : vector<1x256xf32> to vector<256x256xf32>
    %max3A_2001 = arith.maximumf %max3A_1999, %max3A_2000 : vector<256x256xf32>
    %slice3A_2002 = vector.extract_strided_slice %sub3A_36 {offsets = [0, 1536], sizes = [1, 256], strides = [1, 1]} : vector<1x2048xf32> to vector<1x256xf32>
    %max3A_2003 = vector.broadcast %sub3A_1964 : vector<256x1xf32> to vector<256x256xf32>
    %max3A_2004 = vector.broadcast %slice3A_2002 : vector<1x256xf32> to vector<256x256xf32>
    %max3A_2005 = arith.maximumf %max3A_2003, %max3A_2004 : vector<256x256xf32>
    %slice3A_2006 = vector.extract_strided_slice %add3A_40 {offsets = [0, 1536], sizes = [1, 256], strides = [1, 1]} : vector<1x2048xf32> to vector<1x256xf32>
    %min3A_2007 = vector.broadcast %add3A_1968 : vector<256x1xf32> to vector<256x256xf32>
    %min3A_2008 = vector.broadcast %slice3A_2006 : vector<1x256xf32> to vector<256x256xf32>
    %min3A_2009 = arith.minimumf %min3A_2007, %min3A_2008 : vector<256x256xf32>
    %slice3A_2010 = vector.extract_strided_slice %add3A_44 {offsets = [0, 1536], sizes = [1, 256], strides = [1, 1]} : vector<1x2048xf32> to vector<1x256xf32>
    %min3A_2011 = vector.broadcast %add3A_1972 : vector<256x1xf32> to vector<256x256xf32>
    %min3A_2012 = vector.broadcast %slice3A_2010 : vector<1x256xf32> to vector<256x256xf32>
    %min3A_2013 = arith.minimumf %min3A_2011, %min3A_2012 : vector<256x256xf32>
    %sub3A_2014 = arith.subf %min3A_2009, %max3A_2001 : vector<256x256xf32>
    %jit3A_2015 = arith.constant 0.000000e+00 : f32
    %max3A_2016 = vector.broadcast %jit3A_2015 : f32 to vector<256x256xf32>
    %max3A_2017 = arith.maximumf %max3A_2016, %sub3A_2014 : vector<256x256xf32>
    %sub3A_2018 = arith.subf %min3A_2013, %max3A_2005 : vector<256x256xf32>
    %jit3A_2019 = arith.constant 0.000000e+00 : f32
    %max3A_2020 = vector.broadcast %jit3A_2019 : f32 to vector<256x256xf32>
    %max3A_2021 = arith.maximumf %max3A_2020, %sub3A_2018 : vector<256x256xf32>
    %mul3A_2022 = arith.mulf %max3A_2017, %max3A_2021 : vector<256x256xf32>
    %slice3A_2023 = vector.extract_strided_slice %mul3A_47 {offsets = [0, 1536], sizes = [1, 256], strides = [1, 1]} : vector<1x2048xf32> to vector<1x256xf32>
    %add3A_2024 = vector.broadcast %mul3A_1975 : vector<256x1xf32> to vector<256x256xf32>
    %add3A_2025 = vector.broadcast %slice3A_2023 : vector<1x256xf32> to vector<256x256xf32>
    %add3A_2026 = arith.addf %add3A_2024, %add3A_2025 : vector<256x256xf32>
    %sub3A_2027 = arith.subf %add3A_2026, %mul3A_2022 : vector<256x256xf32>
    %div3A_2028 = arith.divf %mul3A_2022, %sub3A_2027 : vector<256x256xf32>
    %iota3A_2029 = tpu.iota {dimensions = array<i32: 1>} : vector<1x256xi32>
    %add3A_2030 = arith.constant 1536 : i32
    %add3A_2031 = vector.broadcast %add3A_2030 : i32 to vector<1x256xi32>
    %add3A_2032 = arith.addi %add3A_2031, %iota3A_2029 : vector<1x256xi32>
    %lt3A_2033 = vector.broadcast %add3A_1979 : vector<256x1xi32> to vector<256x256xi32>
    %lt3A_2034 = vector.broadcast %add3A_2032 : vector<1x256xi32> to vector<256x256xi32>
    %lt3A_2035 = arith.cmpi slt, %lt3A_2033, %lt3A_2034 : vector<256x256xi32>
    %gt3A_2036 = arith.constant 0.699999988 : f32
    %gt3A_2037 = vector.broadcast %gt3A_2036 : f32 to vector<256x256xf32>
    %gt3A_2038 = arith.cmpf ogt, %div3A_2028, %gt3A_2037 : vector<256x256xf32>
    %and3A_2039 = arith.andi %gt3A_2038, %lt3A_2035 : vector<256x256xi1>
    %jit3A_2040 = arith.constant 1.000000e+00 : f32
    %jit3A_2041 = arith.constant 0.000000e+00 : f32
    %broadcast_in_dim3A_2042 = vector.broadcast %jit3A_2040 : f32 to vector<256x256xf32>
    %broadcast_in_dim3A_2043 = vector.broadcast %jit3A_2041 : f32 to vector<256x256xf32>
    %select_n3A_2044 = arith.select %and3A_2039, %broadcast_in_dim3A_2042, %broadcast_in_dim3A_2043 : vector<256x256xi1>, vector<256x256xf32>
    %convert_element_type3A_2045 = arith.truncf %select_n3A_2044 : vector<256x256xf32> to vector<256x256xbf16>
    %swap3A_2046 = arith.constant 1536 : index
    %swap3A_2047 = arith.constant 1536 : index
    %swap3A_2048 = vector.load %arg4[%swap3A_2046, %swap3A_2047] : memref<2048x2048xbf16, #tpu.memory_space<vmem>>, vector<256x256xbf16>
    tpu.vector_store %arg4[%swap3A_2046, %swap3A_2047], %convert_element_type3A_2045 {strides = array<i32>} : memref<2048x2048xbf16, #tpu.memory_space<vmem>>, vector<256x256xbf16>,
    %slice3A_2049 = vector.extract_strided_slice %sub3A_32 {offsets = [0, 1792], sizes = [1, 256], strides = [1, 1]} : vector<1x2048xf32> to vector<1x256xf32>
    %max3A_2050 = vector.broadcast %sub3A_1960 : vector<256x1xf32> to vector<256x256xf32>
    %max3A_2051 = vector.broadcast %slice3A_2049 : vector<1x256xf32> to vector<256x256xf32>
    %max3A_2052 = arith.maximumf %max3A_2050, %max3A_2051 : vector<256x256xf32>
    %slice3A_2053 = vector.extract_strided_slice %sub3A_36 {offsets = [0, 1792], sizes = [1, 256], strides = [1, 1]} : vector<1x2048xf32> to vector<1x256xf32>
    %max3A_2054 = vector.broadcast %sub3A_1964 : vector<256x1xf32> to vector<256x256xf32>
    %max3A_2055 = vector.broadcast %slice3A_2053 : vector<1x256xf32> to vector<256x256xf32>
    %max3A_2056 = arith.maximumf %max3A_2054, %max3A_2055 : vector<256x256xf32>
    %slice3A_2057 = vector.extract_strided_slice %add3A_40 {offsets = [0, 1792], sizes = [1, 256], strides = [1, 1]} : vector<1x2048xf32> to vector<1x256xf32>
    %min3A_2058 = vector.broadcast %add3A_1968 : vector<256x1xf32> to vector<256x256xf32>
    %min3A_2059 = vector.broadcast %slice3A_2057 : vector<1x256xf32> to vector<256x256xf32>
    %min3A_2060 = arith.minimumf %min3A_2058, %min3A_2059 : vector<256x256xf32>
    %slice3A_2061 = vector.extract_strided_slice %add3A_44 {offsets = [0, 1792], sizes = [1, 256], strides = [1, 1]} : vector<1x2048xf32> to vector<1x256xf32>
    %min3A_2062 = vector.broadcast %add3A_1972 : vector<256x1xf32> to vector<256x256xf32>
    %min3A_2063 = vector.broadcast %slice3A_2061 : vector<1x256xf32> to vector<256x256xf32>
    %min3A_2064 = arith.minimumf %min3A_2062, %min3A_2063 : vector<256x256xf32>
    %sub3A_2065 = arith.subf %min3A_2060, %max3A_2052 : vector<256x256xf32>
    %jit3A_2066 = arith.constant 0.000000e+00 : f32
    %max3A_2067 = vector.broadcast %jit3A_2066 : f32 to vector<256x256xf32>
    %max3A_2068 = arith.maximumf %max3A_2067, %sub3A_2065 : vector<256x256xf32>
    %sub3A_2069 = arith.subf %min3A_2064, %max3A_2056 : vector<256x256xf32>
    %jit3A_2070 = arith.constant 0.000000e+00 : f32
    %max3A_2071 = vector.broadcast %jit3A_2070 : f32 to vector<256x256xf32>
    %max3A_2072 = arith.maximumf %max3A_2071, %sub3A_2069 : vector<256x256xf32>
    %mul3A_2073 = arith.mulf %max3A_2068, %max3A_2072 : vector<256x256xf32>
    %slice3A_2074 = vector.extract_strided_slice %mul3A_47 {offsets = [0, 1792], sizes = [1, 256], strides = [1, 1]} : vector<1x2048xf32> to vector<1x256xf32>
    %add3A_2075 = vector.broadcast %mul3A_1975 : vector<256x1xf32> to vector<256x256xf32>
    %add3A_2076 = vector.broadcast %slice3A_2074 : vector<1x256xf32> to vector<256x256xf32>
    %add3A_2077 = arith.addf %add3A_2075, %add3A_2076 : vector<256x256xf32>
    %sub3A_2078 = arith.subf %add3A_2077, %mul3A_2073 : vector<256x256xf32>
    %div3A_2079 = arith.divf %mul3A_2073, %sub3A_2078 : vector<256x256xf32>
    %gt3A_2080 = arith.constant 0.699999988 : f32
    %gt3A_2081 = vector.broadcast %gt3A_2080 : f32 to vector<256x256xf32>
    %gt3A_2082 = arith.cmpf ogt, %div3A_2079, %gt3A_2081 : vector<256x256xf32>
    %jit3A_2083 = arith.constant 1.000000e+00 : f32
    %jit3A_2084 = arith.constant 0.000000e+00 : f32
    %broadcast_in_dim3A_2085 = vector.broadcast %jit3A_2083 : f32 to vector<256x256xf32>
    %broadcast_in_dim3A_2086 = vector.broadcast %jit3A_2084 : f32 to vector<256x256xf32>
    %select_n3A_2087 = arith.select %gt3A_2082, %broadcast_in_dim3A_2085, %broadcast_in_dim3A_2086 : vector<256x256xi1>, vector<256x256xf32>
    %convert_element_type3A_2088 = arith.truncf %select_n3A_2087 : vector<256x256xf32> to vector<256x256xbf16>
    %swap3A_2089 = arith.constant 1536 : index
    %swap3A_2090 = arith.constant 1792 : index
    %swap3A_2091 = vector.load %arg4[%swap3A_2089, %swap3A_2090] : memref<2048x2048xbf16, #tpu.memory_space<vmem>>, vector<256x256xbf16>
    tpu.vector_store %arg4[%swap3A_2089, %swap3A_2090], %convert_element_type3A_2088 {strides = array<i32>} : memref<2048x2048xbf16, #tpu.memory_space<vmem>>, vector<256x256xbf16>,
    %get3A_2092 = arith.constant 1792 : index
    %get3A_2093 = arith.constant 0 : index
    %get3A_2094 = vector.load %arg0[%get3A_2092, %get3A_2093] : memref<2048x16xf32, #tpu.memory_space<vmem>>, vector<256x4xf32>
    %get3A_2095 = arith.constant 1792 : index
    %get3A_2096 = arith.constant 4 : index
    %get3A_2097 = vector.load %arg0[%get3A_2095, %get3A_2096] : memref<2048x16xf32, #tpu.memory_space<vmem>>, vector<256x4xf32>
    %slice3A_2098 = vector.extract_strided_slice %get3A_2097 {offsets = [0, 0], sizes = [256, 1], strides = [1, 1]} : vector<256x4xf32> to vector<256x1xf32>
    %slice3A_2099 = vector.extract_strided_slice %get3A_2097 {offsets = [0, 1], sizes = [256, 1], strides = [1, 1]} : vector<256x4xf32> to vector<256x1xf32>
    %slice3A_2100 = vector.extract_strided_slice %get3A_2097 {offsets = [0, 2], sizes = [256, 1], strides = [1, 1]} : vector<256x4xf32> to vector<256x1xf32>
    %min3A_2101 = arith.constant 3.33220458 : f32
    %min3A_2102 = vector.broadcast %min3A_2101 : f32 to vector<256x1xf32>
    %min3A_2103 = arith.minimumf %slice3A_2100, %min3A_2102 : vector<256x1xf32>
    %slice3A_2104 = vector.extract_strided_slice %get3A_2097 {offsets = [0, 3], sizes = [256, 1], strides = [1, 1]} : vector<256x4xf32> to vector<256x1xf32>
    %min3A_2105 = arith.constant 3.33220458 : f32
    %min3A_2106 = vector.broadcast %min3A_2105 : f32 to vector<256x1xf32>
    %min3A_2107 = arith.minimumf %slice3A_2104, %min3A_2106 : vector<256x1xf32>
    %slice3A_2108 = vector.extract_strided_slice %get3A_2094 {offsets = [0, 0], sizes = [256, 1], strides = [1, 1]} : vector<256x4xf32> to vector<256x1xf32>
    %slice3A_2109 = vector.extract_strided_slice %get3A_2094 {offsets = [0, 1], sizes = [256, 1], strides = [1, 1]} : vector<256x4xf32> to vector<256x1xf32>
    %slice3A_2110 = vector.extract_strided_slice %get3A_2094 {offsets = [0, 2], sizes = [256, 1], strides = [1, 1]} : vector<256x4xf32> to vector<256x1xf32>
    %slice3A_2111 = vector.extract_strided_slice %get3A_2094 {offsets = [0, 3], sizes = [256, 1], strides = [1, 1]} : vector<256x4xf32> to vector<256x1xf32>
    %sub3A_2112 = arith.subf %slice3A_2110, %slice3A_2108 : vector<256x1xf32>
    %sub3A_2113 = arith.subf %slice3A_2111, %slice3A_2109 : vector<256x1xf32>
    %div3A_2114 = arith.constant 2.000000e+00 : f32
    %div3A_2115 = vector.broadcast %div3A_2114 : f32 to vector<256x1xf32>
    %div3A_2116 = arith.divf %sub3A_2112, %div3A_2115 : vector<256x1xf32>
    %add3A_2117 = arith.addf %slice3A_2108, %div3A_2116 : vector<256x1xf32>
    %div3A_2118 = arith.constant 2.000000e+00 : f32
    %div3A_2119 = vector.broadcast %div3A_2118 : f32 to vector<256x1xf32>
    %div3A_2120 = arith.divf %sub3A_2113, %div3A_2119 : vector<256x1xf32>
    %add3A_2121 = arith.addf %slice3A_2109, %div3A_2120 : vector<256x1xf32>
    %mul3A_2122 = arith.mulf %sub3A_2112, %slice3A_2098 : vector<256x1xf32>
    %add3A_2123 = arith.addf %add3A_2117, %mul3A_2122 : vector<256x1xf32>
    %mul3A_2124 = arith.mulf %sub3A_2113, %slice3A_2099 : vector<256x1xf32>
    %add3A_2125 = arith.addf %add3A_2121, %mul3A_2124 : vector<256x1xf32>
    %exp3A_2126 = math.exp %min3A_2103 : vector<256x1xf32>
    %mul3A_2127 = arith.mulf %sub3A_2112, %exp3A_2126 : vector<256x1xf32>
    %exp3A_2128 = math.exp %min3A_2107 : vector<256x1xf32>
    %mul3A_2129 = arith.mulf %sub3A_2113, %exp3A_2128 : vector<256x1xf32>
    %div3A_2130 = arith.constant 2.000000e+00 : f32
    %div3A_2131 = vector.broadcast %div3A_2130 : f32 to vector<256x1xf32>
    %div3A_2132 = arith.divf %mul3A_2127, %div3A_2131 : vector<256x1xf32>
    %sub3A_2133 = arith.subf %add3A_2123, %div3A_2132 : vector<256x1xf32>
    %div3A_2134 = arith.constant 2.000000e+00 : f32
    %div3A_2135 = vector.broadcast %div3A_2134 : f32 to vector<256x1xf32>
    %div3A_2136 = arith.divf %mul3A_2129, %div3A_2135 : vector<256x1xf32>
    %sub3A_2137 = arith.subf %add3A_2125, %div3A_2136 : vector<256x1xf32>
    %div3A_2138 = arith.constant 2.000000e+00 : f32
    %div3A_2139 = vector.broadcast %div3A_2138 : f32 to vector<256x1xf32>
    %div3A_2140 = arith.divf %mul3A_2127, %div3A_2139 : vector<256x1xf32>
    %add3A_2141 = arith.addf %add3A_2123, %div3A_2140 : vector<256x1xf32>
    %div3A_2142 = arith.constant 2.000000e+00 : f32
    %div3A_2143 = vector.broadcast %div3A_2142 : f32 to vector<256x1xf32>
    %div3A_2144 = arith.divf %mul3A_2129, %div3A_2143 : vector<256x1xf32>
    %add3A_2145 = arith.addf %add3A_2125, %div3A_2144 : vector<256x1xf32>
    %sub3A_2146 = arith.subf %add3A_2141, %sub3A_2133 : vector<256x1xf32>
    %sub3A_2147 = arith.subf %add3A_2145, %sub3A_2137 : vector<256x1xf32>
    %mul3A_2148 = arith.mulf %sub3A_2146, %sub3A_2147 : vector<256x1xf32>
    %iota3A_2149 = tpu.iota {dimensions = array<i32: 0>} : vector<256x1xi32>
    %add3A_2150 = arith.constant 1792 : i32
    %add3A_2151 = vector.broadcast %add3A_2150 : i32 to vector<256x1xi32>
    %add3A_2152 = arith.addi %add3A_2151, %iota3A_2149 : vector<256x1xi32>
    %swap3A_2153 = arith.constant 1792 : index
    %swap3A_2154 = arith.constant 0 : index
    %swap3A_2155 = vector.load %arg4[%swap3A_2153, %swap3A_2154] : memref<2048x2048xbf16, #tpu.memory_space<vmem>>, vector<256x256xbf16>
    tpu.vector_store %arg4[%swap3A_2153, %swap3A_2154], %broadcast_in_dim3A_48 {strides = array<i32>} : memref<2048x2048xbf16, #tpu.memory_space<vmem>>, vector<256x256xbf16>,
    %swap3A_2156 = arith.constant 1792 : index
    %swap3A_2157 = arith.constant 256 : index
    %swap3A_2158 = vector.load %arg4[%swap3A_2156, %swap3A_2157] : memref<2048x2048xbf16, #tpu.memory_space<vmem>>, vector<256x256xbf16>
    tpu.vector_store %arg4[%swap3A_2156, %swap3A_2157], %broadcast_in_dim3A_48 {strides = array<i32>} : memref<2048x2048xbf16, #tpu.memory_space<vmem>>, vector<256x256xbf16>,
    %swap3A_2159 = arith.constant 1792 : index
    %swap3A_2160 = arith.constant 512 : index
    %swap3A_2161 = vector.load %arg4[%swap3A_2159, %swap3A_2160] : memref<2048x2048xbf16, #tpu.memory_space<vmem>>, vector<256x256xbf16>
    tpu.vector_store %arg4[%swap3A_2159, %swap3A_2160], %broadcast_in_dim3A_48 {strides = array<i32>} : memref<2048x2048xbf16, #tpu.memory_space<vmem>>, vector<256x256xbf16>,
    %swap3A_2162 = arith.constant 1792 : index
    %swap3A_2163 = arith.constant 768 : index
    %swap3A_2164 = vector.load %arg4[%swap3A_2162, %swap3A_2163] : memref<2048x2048xbf16, #tpu.memory_space<vmem>>, vector<256x256xbf16>
    tpu.vector_store %arg4[%swap3A_2162, %swap3A_2163], %broadcast_in_dim3A_48 {strides = array<i32>} : memref<2048x2048xbf16, #tpu.memory_space<vmem>>, vector<256x256xbf16>,
    %swap3A_2165 = arith.constant 1792 : index
    %swap3A_2166 = arith.constant 1024 : index
    %swap3A_2167 = vector.load %arg4[%swap3A_2165, %swap3A_2166] : memref<2048x2048xbf16, #tpu.memory_space<vmem>>, vector<256x256xbf16>
    tpu.vector_store %arg4[%swap3A_2165, %swap3A_2166], %broadcast_in_dim3A_48 {strides = array<i32>} : memref<2048x2048xbf16, #tpu.memory_space<vmem>>, vector<256x256xbf16>,
    %swap3A_2168 = arith.constant 1792 : index
    %swap3A_2169 = arith.constant 1280 : index
    %swap3A_2170 = vector.load %arg4[%swap3A_2168, %swap3A_2169] : memref<2048x2048xbf16, #tpu.memory_space<vmem>>, vector<256x256xbf16>
    tpu.vector_store %arg4[%swap3A_2168, %swap3A_2169], %broadcast_in_dim3A_48 {strides = array<i32>} : memref<2048x2048xbf16, #tpu.memory_space<vmem>>, vector<256x256xbf16>,
    %swap3A_2171 = arith.constant 1792 : index
    %swap3A_2172 = arith.constant 1536 : index
    %swap3A_2173 = vector.load %arg4[%swap3A_2171, %swap3A_2172] : memref<2048x2048xbf16, #tpu.memory_space<vmem>>, vector<256x256xbf16>
    tpu.vector_store %arg4[%swap3A_2171, %swap3A_2172], %broadcast_in_dim3A_48 {strides = array<i32>} : memref<2048x2048xbf16, #tpu.memory_space<vmem>>, vector<256x256xbf16>,
    %slice3A_2174 = vector.extract_strided_slice %sub3A_32 {offsets = [0, 1792], sizes = [1, 256], strides = [1, 1]} : vector<1x2048xf32> to vector<1x256xf32>
    %max3A_2175 = vector.broadcast %sub3A_2133 : vector<256x1xf32> to vector<256x256xf32>
    %max3A_2176 = vector.broadcast %slice3A_2174 : vector<1x256xf32> to vector<256x256xf32>
    %max3A_2177 = arith.maximumf %max3A_2175, %max3A_2176 : vector<256x256xf32>
    %slice3A_2178 = vector.extract_strided_slice %sub3A_36 {offsets = [0, 1792], sizes = [1, 256], strides = [1, 1]} : vector<1x2048xf32> to vector<1x256xf32>
    %max3A_2179 = vector.broadcast %sub3A_2137 : vector<256x1xf32> to vector<256x256xf32>
    %max3A_2180 = vector.broadcast %slice3A_2178 : vector<1x256xf32> to vector<256x256xf32>
    %max3A_2181 = arith.maximumf %max3A_2179, %max3A_2180 : vector<256x256xf32>
    %slice3A_2182 = vector.extract_strided_slice %add3A_40 {offsets = [0, 1792], sizes = [1, 256], strides = [1, 1]} : vector<1x2048xf32> to vector<1x256xf32>
    %min3A_2183 = vector.broadcast %add3A_2141 : vector<256x1xf32> to vector<256x256xf32>
    %min3A_2184 = vector.broadcast %slice3A_2182 : vector<1x256xf32> to vector<256x256xf32>
    %min3A_2185 = arith.minimumf %min3A_2183, %min3A_2184 : vector<256x256xf32>
    %slice3A_2186 = vector.extract_strided_slice %add3A_44 {offsets = [0, 1792], sizes = [1, 256], strides = [1, 1]} : vector<1x2048xf32> to vector<1x256xf32>
    %min3A_2187 = vector.broadcast %add3A_2145 : vector<256x1xf32> to vector<256x256xf32>
    %min3A_2188 = vector.broadcast %slice3A_2186 : vector<1x256xf32> to vector<256x256xf32>
    %min3A_2189 = arith.minimumf %min3A_2187, %min3A_2188 : vector<256x256xf32>
    %sub3A_2190 = arith.subf %min3A_2185, %max3A_2177 : vector<256x256xf32>
    %jit3A_2191 = arith.constant 0.000000e+00 : f32
    %max3A_2192 = vector.broadcast %jit3A_2191 : f32 to vector<256x256xf32>
    %max3A_2193 = arith.maximumf %max3A_2192, %sub3A_2190 : vector<256x256xf32>
    %sub3A_2194 = arith.subf %min3A_2189, %max3A_2181 : vector<256x256xf32>
    %jit3A_2195 = arith.constant 0.000000e+00 : f32
    %max3A_2196 = vector.broadcast %jit3A_2195 : f32 to vector<256x256xf32>
    %max3A_2197 = arith.maximumf %max3A_2196, %sub3A_2194 : vector<256x256xf32>
    %mul3A_2198 = arith.mulf %max3A_2193, %max3A_2197 : vector<256x256xf32>
    %slice3A_2199 = vector.extract_strided_slice %mul3A_47 {offsets = [0, 1792], sizes = [1, 256], strides = [1, 1]} : vector<1x2048xf32> to vector<1x256xf32>
    %add3A_2200 = vector.broadcast %mul3A_2148 : vector<256x1xf32> to vector<256x256xf32>
    %add3A_2201 = vector.broadcast %slice3A_2199 : vector<1x256xf32> to vector<256x256xf32>
    %add3A_2202 = arith.addf %add3A_2200, %add3A_2201 : vector<256x256xf32>
    %sub3A_2203 = arith.subf %add3A_2202, %mul3A_2198 : vector<256x256xf32>
    %div3A_2204 = arith.divf %mul3A_2198, %sub3A_2203 : vector<256x256xf32>
    %iota3A_2205 = tpu.iota {dimensions = array<i32: 1>} : vector<1x256xi32>
    %add3A_2206 = arith.constant 1792 : i32
    %add3A_2207 = vector.broadcast %add3A_2206 : i32 to vector<1x256xi32>
    %add3A_2208 = arith.addi %add3A_2207, %iota3A_2205 : vector<1x256xi32>
    %lt3A_2209 = vector.broadcast %add3A_2152 : vector<256x1xi32> to vector<256x256xi32>
    %lt3A_2210 = vector.broadcast %add3A_2208 : vector<1x256xi32> to vector<256x256xi32>
    %lt3A_2211 = arith.cmpi slt, %lt3A_2209, %lt3A_2210 : vector<256x256xi32>
    %gt3A_2212 = arith.constant 0.699999988 : f32
    %gt3A_2213 = vector.broadcast %gt3A_2212 : f32 to vector<256x256xf32>
    %gt3A_2214 = arith.cmpf ogt, %div3A_2204, %gt3A_2213 : vector<256x256xf32>
    %and3A_2215 = arith.andi %gt3A_2214, %lt3A_2211 : vector<256x256xi1>
    %jit3A_2216 = arith.constant 1.000000e+00 : f32
    %jit3A_2217 = arith.constant 0.000000e+00 : f32
    %broadcast_in_dim3A_2218 = vector.broadcast %jit3A_2216 : f32 to vector<256x256xf32>
    %broadcast_in_dim3A_2219 = vector.broadcast %jit3A_2217 : f32 to vector<256x256xf32>
    %select_n3A_2220 = arith.select %and3A_2215, %broadcast_in_dim3A_2218, %broadcast_in_dim3A_2219 : vector<256x256xi1>, vector<256x256xf32>
    %convert_element_type3A_2221 = arith.truncf %select_n3A_2220 : vector<256x256xf32> to vector<256x256xbf16>
    %swap3A_2222 = arith.constant 1792 : index
    %swap3A_2223 = arith.constant 1792 : index
    %swap3A_2224 = vector.load %arg4[%swap3A_2222, %swap3A_2223] : memref<2048x2048xbf16, #tpu.memory_space<vmem>>, vector<256x256xbf16>
    tpu.vector_store %arg4[%swap3A_2222, %swap3A_2223], %convert_element_type3A_2221 {strides = array<i32>} : memref<2048x2048xbf16, #tpu.memory_space<vmem>>, vector<256x256xbf16>,
    %broadcast_in_dim3A_2225 = arith.constant 0.000000e+00 : f32
    %broadcast_in_dim3A_2226 = vector.broadcast %broadcast_in_dim3A_2225 : f32 to vector<1x2048xf32>
    %swap3A_2227 = arith.constant 0 : index
    %swap3A_2228 = arith.constant 0 : index
    %swap3A_2229 = vector.load %arg6[%swap3A_2227, %swap3A_2228] : memref<1x2048xf32, #tpu.memory_space<vmem>>, vector<1x2048xf32>
    tpu.vector_store %arg6[%swap3A_2227, %swap3A_2228], %broadcast_in_dim3A_2226 {strides = array<i32>} : memref<1x2048xf32, #tpu.memory_space<vmem>>, vector<1x2048xf32>,
    %iota3A_2230 = tpu.iota {dimensions = array<i32: 0>} : vector<256x256xi32>
    %iota3A_2231 = tpu.iota {dimensions = array<i32: 1>} : vector<256x256xi32>
    %lt3A_2232 = arith.cmpi slt, %iota3A_2230, %iota3A_2231 : vector<256x256xi32>
    %convert_element_type3A_2233 = arith.extui %lt3A_2232 : vector<256x256xi1> to vector<256x256xi32>
    %convert_element_type3A_2234 = arith.sitofp %convert_element_type3A_2233 : vector<256x256xi32> to vector<256x256xf32>
    %convert_element_type3A_2235 = arith.truncf %convert_element_type3A_2234 : vector<256x256xf32> to vector<256x256xbf16>
    %get3A_2236 = arith.constant 0 : index
    %get3A_2237 = arith.constant 0 : index
    %get3A_2238 = vector.load %arg6[%get3A_2236, %get3A_2237] : memref<1x2048xf32, #tpu.memory_space<vmem>>, vector<1x256xf32>
    %eq3A = arith.constant 0.000000e+00 : f32
    %eq3A_2239 = vector.broadcast %eq3A : f32 to vector<1x256xf32>
    %eq3A_2240 = arith.cmpf oeq, %get3A_2238, %eq3A_2239 : vector<1x256xf32>
    %jit3A_2241 = arith.constant 1.000000e+00 : f32
    %jit3A_2242 = arith.constant 0.000000e+00 : f32
    %broadcast_in_dim3A_2243 = vector.broadcast %jit3A_2241 : f32 to vector<1x256xf32>
    %broadcast_in_dim3A_2244 = vector.broadcast %jit3A_2242 : f32 to vector<1x256xf32>
    %select_n3A_2245 = arith.select %eq3A_2240, %broadcast_in_dim3A_2243, %broadcast_in_dim3A_2244 : vector<1x256xi1>, vector<1x256xf32>
    %get3A_2246 = arith.constant 0 : index
    %get3A_2247 = arith.constant 0 : index
    %get3A_2248 = vector.load %arg4[%get3A_2246, %get3A_2247] : memref<2048x2048xbf16, #tpu.memory_space<vmem>>, vector<256x256xbf16>
    %convert_element_type3A_2249 = arith.truncf %select_n3A_2245 : vector<1x256xf32> to vector<1x256xbf16>
    %while3A = arith.constant true
    %while3A_2250:2 = scf.while (%while3A_2769 = %convert_element_type3A_2249, %while3A_2770 = %while3A) : (vector<1x256xbf16>, i1) -> (vector<1x256xbf16>, i1) {
      scf.condition(%while3A_2770) %while3A_2769, %while3A_2770 : vector<1x256xbf16>, i1
    } do {
    ^bb0(%while3A_2769: vector<1x256xbf16>, %while3A_2770: i1):
      %dot_general3A_2771 = arith.constant dense<0.000000e+00> : vector<1x256xf32>
      %dot_general3A_2772 = tpu.matmul %while3A_2769, %get3A_2248, %dot_general3A_2771 {dimension_numbers = #tpu.dot_dimension_numbers<[1], [0], [0], [1], [0, 0, 1, 1], [], []>, transpose_lhs_hint = false} : vector<1x256xbf16>, vector<256x256xbf16>, vector<1x256xf32> -> vector<1x256xf32>
      %eq3A_2773 = arith.constant 0.000000e+00 : f32
      %eq3A_2774 = vector.broadcast %eq3A_2773 : f32 to vector<1x256xf32>
      %eq3A_2775 = arith.cmpf oeq, %dot_general3A_2772, %eq3A_2774 : vector<1x256xf32>
      %gt3A_2776 = arith.constant 0.000000e+00 : f32
      %gt3A_2777 = vector.broadcast %gt3A_2776 : f32 to vector<1x256xf32>
      %gt3A_2778 = arith.cmpf ogt, %select_n3A_2245, %gt3A_2777 : vector<1x256xf32>
      %and3A_2779 = arith.andi %eq3A_2775, %gt3A_2778 : vector<1x256xi1>
      %jit3A_2780 = arith.constant 1.000000e+00 : f32
      %jit3A_2781 = arith.constant 0.000000e+00 : f32
      %broadcast_in_dim3A_2782 = vector.broadcast %jit3A_2780 : f32 to vector<1x256xf32>
      %broadcast_in_dim3A_2783 = vector.broadcast %jit3A_2781 : f32 to vector<1x256xf32>
      %select_n3A_2784 = arith.select %and3A_2779, %broadcast_in_dim3A_2782, %broadcast_in_dim3A_2783 : vector<1x256xi1>, vector<1x256xf32>
      %convert_element_type3A_2785 = arith.truncf %select_n3A_2784 : vector<1x256xf32> to vector<1x256xbf16>
      %convert_element_type3A_2786 = arith.extf %convert_element_type3A_2785 : vector<1x256xbf16> to vector<1x256xf32>
      %convert_element_type3A_2787 = arith.extf %while3A_2769 : vector<1x256xbf16> to vector<1x256xf32>
      %sub3A_2788 = arith.subf %convert_element_type3A_2786, %convert_element_type3A_2787 : vector<1x256xf32>
      %abs3A = math.absf %sub3A_2788 : vector<1x256xf32>
      %reduce_sum3A_2789 = vector.shape_cast %abs3A : vector<1x256xf32> to vector<1x1x256xf32>
      %reduce_sum3A_2790 = arith.constant dense<0.000000e+00> : vector<1xf32>
      %reduce_sum3A_2791 = vector.multi_reduction <add>, %reduce_sum3A_2789, %reduce_sum3A_2790 [1, 2] : vector<1x1x256xf32> to vector<1xf32>
      %reduce_sum3A_2792 = vector.shape_cast %reduce_sum3A_2791 : vector<1xf32> to vector<1x1x1xf32>
      %reduce_sum3A_2793 = vector.extract %reduce_sum3A_2792[0, 0, 0] : f32 from vector<1x1x1xf32>
      %gt3A_2794 = arith.constant 0.000000e+00 : f32
      %gt3A_2795 = arith.cmpf ogt, %reduce_sum3A_2793, %gt3A_2794 : f32
      scf.yield %convert_element_type3A_2785, %gt3A_2795 : vector<1x256xbf16>, i1
    }
    %convert_element_type3A_2251 = arith.extf %while3A_2250#0 : vector<1x256xbf16> to vector<1x256xf32>
    %swap3A_2252 = arith.constant 0 : index
    %swap3A_2253 = arith.constant 0 : index
    %swap3A_2254 = vector.load %arg5[%swap3A_2252, %swap3A_2253] : memref<1x2048xf32, #tpu.memory_space<vmem>>, vector<1x256xf32>
    tpu.vector_store %arg5[%swap3A_2252, %swap3A_2253], %convert_element_type3A_2251 {strides = array<i32>} : memref<1x2048xf32, #tpu.memory_space<vmem>>, vector<1x256xf32>,
    %slice3A_2255 = vector.extract_strided_slice %iota3A {offsets = [0, 0], sizes = [1, 256], strides = [1, 1]} : vector<1x2048xi32> to vector<1x256xi32>
    %lt3A_2256 = arith.constant 2000 : i32
    %lt3A_2257 = vector.broadcast %lt3A_2256 : i32 to vector<1x256xi32>
    %lt3A_2258 = arith.cmpi slt, %slice3A_2255, %lt3A_2257 : vector<1x256xi32>
    %convert_element_type3A_2259 = arith.extui %lt3A_2258 : vector<1x256xi1> to vector<1x256xi32>
    %convert_element_type3A_2260 = arith.sitofp %convert_element_type3A_2259 : vector<1x256xi32> to vector<1x256xf32>
    %convert_element_type3A_2261 = arith.truncf %convert_element_type3A_2260 : vector<1x256xf32> to vector<1x256xbf16>
    %mul3A_2262 = arith.mulf %while3A_2250#0, %convert_element_type3A_2261 : vector<1x256xbf16>
    %dot_general3A = arith.constant dense<0.000000e+00> : vector<1x256xf32>
    %dot_general3A_2263 = tpu.matmul %mul3A_2262, %convert_element_type3A_2235, %dot_general3A {dimension_numbers = #tpu.dot_dimension_numbers<[1], [0], [0], [1], [0, 0, 1, 1], [], []>, transpose_lhs_hint = false} : vector<1x256xbf16>, vector<256x256xbf16>, vector<1x256xf32> -> vector<1x256xf32>
    %add3A_2264 = arith.constant 0.000000e+00 : f32
    %add3A_2265 = vector.broadcast %add3A_2264 : f32 to vector<1x256xf32>
    %add3A_2266 = arith.addf %dot_general3A_2263, %add3A_2265 : vector<1x256xf32>
    %convert_element_type3A_2267 = arith.extf %mul3A_2262 : vector<1x256xbf16> to vector<1x256xf32>
    %reduce_sum3A = vector.shape_cast %convert_element_type3A_2267 : vector<1x256xf32> to vector<1x1x256xf32>
    %reduce_sum3A_2268 = arith.constant dense<0.000000e+00> : vector<1xf32>
    %reduce_sum3A_2269 = vector.multi_reduction <add>, %reduce_sum3A, %reduce_sum3A_2268 [1, 2] : vector<1x1x256xf32> to vector<1xf32>
    %reduce_sum3A_2270 = vector.shape_cast %reduce_sum3A_2269 : vector<1xf32> to vector<1x1x1xf32>
    %reduce_sum3A_2271 = vector.extract %reduce_sum3A_2270[0, 0, 0] : f32 from vector<1x1x1xf32>
    %add3A_2272 = arith.constant 0.000000e+00 : f32
    %add3A_2273 = arith.addf %add3A_2272, %reduce_sum3A_2271 : f32
    %swap3A_2274 = arith.constant 0 : index
    %swap3A_2275 = arith.constant 0 : index
    %swap3A_2276 = vector.load %arg6[%swap3A_2274, %swap3A_2275] : memref<1x2048xf32, #tpu.memory_space<vmem>>, vector<1x256xf32>
    tpu.vector_store %arg6[%swap3A_2274, %swap3A_2275], %add3A_2266 {strides = array<i32>} : memref<1x2048xf32, #tpu.memory_space<vmem>>, vector<1x256xf32>,
    %get3A_2277 = arith.constant 0 : index
    %get3A_2278 = arith.constant 256 : index
    %get3A_2279 = vector.load %arg4[%get3A_2277, %get3A_2278] : memref<2048x2048xbf16, #tpu.memory_space<vmem>>, vector<256x1792xbf16>
    %dot_general3A_2280 = arith.constant dense<0.000000e+00> : vector<1x1792xf32>
    %dot_general3A_2281 = tpu.matmul %while3A_2250#0, %get3A_2279, %dot_general3A_2280 {dimension_numbers = #tpu.dot_dimension_numbers<[1], [0], [0], [1], [0, 0, 1, 1], [], []>, transpose_lhs_hint = false} : vector<1x256xbf16>, vector<256x1792xbf16>, vector<1x1792xf32> -> vector<1x1792xf32>
    %get3A_2282 = arith.constant 0 : index
    %get3A_2283 = arith.constant 256 : index
    %get3A_2284 = vector.load %arg6[%get3A_2282, %get3A_2283] : memref<1x2048xf32, #tpu.memory_space<vmem>>, vector<1x1792xf32>
    %add3A_2285 = arith.addf %get3A_2284, %dot_general3A_2281 : vector<1x1792xf32>
    %swap3A_2286 = arith.constant 0 : index
    %swap3A_2287 = arith.constant 256 : index
    %swap3A_2288 = vector.load %arg6[%swap3A_2286, %swap3A_2287] : memref<1x2048xf32, #tpu.memory_space<vmem>>, vector<1x1792xf32>
    tpu.vector_store %arg6[%swap3A_2286, %swap3A_2287], %add3A_2285 {strides = array<i32>} : memref<1x2048xf32, #tpu.memory_space<vmem>>, vector<1x1792xf32>,
    %get3A_2289 = arith.constant 0 : index
    %get3A_2290 = arith.constant 256 : index
    %get3A_2291 = vector.load %arg6[%get3A_2289, %get3A_2290] : memref<1x2048xf32, #tpu.memory_space<vmem>>, vector<1x256xf32>
    %eq3A_2292 = arith.constant 0.000000e+00 : f32
    %eq3A_2293 = vector.broadcast %eq3A_2292 : f32 to vector<1x256xf32>
    %eq3A_2294 = arith.cmpf oeq, %get3A_2291, %eq3A_2293 : vector<1x256xf32>
    %jit3A_2295 = arith.constant 1.000000e+00 : f32
    %jit3A_2296 = arith.constant 0.000000e+00 : f32
    %broadcast_in_dim3A_2297 = vector.broadcast %jit3A_2295 : f32 to vector<1x256xf32>
    %broadcast_in_dim3A_2298 = vector.broadcast %jit3A_2296 : f32 to vector<1x256xf32>
    %select_n3A_2299 = arith.select %eq3A_2294, %broadcast_in_dim3A_2297, %broadcast_in_dim3A_2298 : vector<1x256xi1>, vector<1x256xf32>
    %get3A_2300 = arith.constant 256 : index
    %get3A_2301 = arith.constant 256 : index
    %get3A_2302 = vector.load %arg4[%get3A_2300, %get3A_2301] : memref<2048x2048xbf16, #tpu.memory_space<vmem>>, vector<256x256xbf16>
    %convert_element_type3A_2303 = arith.truncf %select_n3A_2299 : vector<1x256xf32> to vector<1x256xbf16>
    %while3A_2304 = arith.constant true
    %while3A_2305:2 = scf.while (%while3A_2769 = %convert_element_type3A_2303, %while3A_2770 = %while3A_2304) : (vector<1x256xbf16>, i1) -> (vector<1x256xbf16>, i1) {
      scf.condition(%while3A_2770) %while3A_2769, %while3A_2770 : vector<1x256xbf16>, i1
    } do {
    ^bb0(%while3A_2769: vector<1x256xbf16>, %while3A_2770: i1):
      %dot_general3A_2771 = arith.constant dense<0.000000e+00> : vector<1x256xf32>
      %dot_general3A_2772 = tpu.matmul %while3A_2769, %get3A_2302, %dot_general3A_2771 {dimension_numbers = #tpu.dot_dimension_numbers<[1], [0], [0], [1], [0, 0, 1, 1], [], []>, transpose_lhs_hint = false} : vector<1x256xbf16>, vector<256x256xbf16>, vector<1x256xf32> -> vector<1x256xf32>
      %eq3A_2773 = arith.constant 0.000000e+00 : f32
      %eq3A_2774 = vector.broadcast %eq3A_2773 : f32 to vector<1x256xf32>
      %eq3A_2775 = arith.cmpf oeq, %dot_general3A_2772, %eq3A_2774 : vector<1x256xf32>
      %gt3A_2776 = arith.constant 0.000000e+00 : f32
      %gt3A_2777 = vector.broadcast %gt3A_2776 : f32 to vector<1x256xf32>
      %gt3A_2778 = arith.cmpf ogt, %select_n3A_2299, %gt3A_2777 : vector<1x256xf32>
      %and3A_2779 = arith.andi %eq3A_2775, %gt3A_2778 : vector<1x256xi1>
      %jit3A_2780 = arith.constant 1.000000e+00 : f32
      %jit3A_2781 = arith.constant 0.000000e+00 : f32
      %broadcast_in_dim3A_2782 = vector.broadcast %jit3A_2780 : f32 to vector<1x256xf32>
      %broadcast_in_dim3A_2783 = vector.broadcast %jit3A_2781 : f32 to vector<1x256xf32>
      %select_n3A_2784 = arith.select %and3A_2779, %broadcast_in_dim3A_2782, %broadcast_in_dim3A_2783 : vector<1x256xi1>, vector<1x256xf32>
      %convert_element_type3A_2785 = arith.truncf %select_n3A_2784 : vector<1x256xf32> to vector<1x256xbf16>
      %convert_element_type3A_2786 = arith.extf %convert_element_type3A_2785 : vector<1x256xbf16> to vector<1x256xf32>
      %convert_element_type3A_2787 = arith.extf %while3A_2769 : vector<1x256xbf16> to vector<1x256xf32>
      %sub3A_2788 = arith.subf %convert_element_type3A_2786, %convert_element_type3A_2787 : vector<1x256xf32>
      %abs3A = math.absf %sub3A_2788 : vector<1x256xf32>
      %reduce_sum3A_2789 = vector.shape_cast %abs3A : vector<1x256xf32> to vector<1x1x256xf32>
      %reduce_sum3A_2790 = arith.constant dense<0.000000e+00> : vector<1xf32>
      %reduce_sum3A_2791 = vector.multi_reduction <add>, %reduce_sum3A_2789, %reduce_sum3A_2790 [1, 2] : vector<1x1x256xf32> to vector<1xf32>
      %reduce_sum3A_2792 = vector.shape_cast %reduce_sum3A_2791 : vector<1xf32> to vector<1x1x1xf32>
      %reduce_sum3A_2793 = vector.extract %reduce_sum3A_2792[0, 0, 0] : f32 from vector<1x1x1xf32>
      %gt3A_2794 = arith.constant 0.000000e+00 : f32
      %gt3A_2795 = arith.cmpf ogt, %reduce_sum3A_2793, %gt3A_2794 : f32
      scf.yield %convert_element_type3A_2785, %gt3A_2795 : vector<1x256xbf16>, i1
    }
    %convert_element_type3A_2306 = arith.extf %while3A_2305#0 : vector<1x256xbf16> to vector<1x256xf32>
    %swap3A_2307 = arith.constant 0 : index
    %swap3A_2308 = arith.constant 256 : index
    %swap3A_2309 = vector.load %arg5[%swap3A_2307, %swap3A_2308] : memref<1x2048xf32, #tpu.memory_space<vmem>>, vector<1x256xf32>
    tpu.vector_store %arg5[%swap3A_2307, %swap3A_2308], %convert_element_type3A_2306 {strides = array<i32>} : memref<1x2048xf32, #tpu.memory_space<vmem>>, vector<1x256xf32>,
    %slice3A_2310 = vector.extract_strided_slice %iota3A {offsets = [0, 256], sizes = [1, 256], strides = [1, 1]} : vector<1x2048xi32> to vector<1x256xi32>
    %lt3A_2311 = arith.constant 2000 : i32
    %lt3A_2312 = vector.broadcast %lt3A_2311 : i32 to vector<1x256xi32>
    %lt3A_2313 = arith.cmpi slt, %slice3A_2310, %lt3A_2312 : vector<1x256xi32>
    %convert_element_type3A_2314 = arith.extui %lt3A_2313 : vector<1x256xi1> to vector<1x256xi32>
    %convert_element_type3A_2315 = arith.sitofp %convert_element_type3A_2314 : vector<1x256xi32> to vector<1x256xf32>
    %convert_element_type3A_2316 = arith.truncf %convert_element_type3A_2315 : vector<1x256xf32> to vector<1x256xbf16>
    %mul3A_2317 = arith.mulf %while3A_2305#0, %convert_element_type3A_2316 : vector<1x256xbf16>
    %dot_general3A_2318 = arith.constant dense<0.000000e+00> : vector<1x256xf32>
    %dot_general3A_2319 = tpu.matmul %mul3A_2317, %convert_element_type3A_2235, %dot_general3A_2318 {dimension_numbers = #tpu.dot_dimension_numbers<[1], [0], [0], [1], [0, 0, 1, 1], [], []>, transpose_lhs_hint = false} : vector<1x256xbf16>, vector<256x256xbf16>, vector<1x256xf32> -> vector<1x256xf32>
    %add3A_2320 = vector.broadcast %add3A_2273 : f32 to vector<1x256xf32>
    %add3A_2321 = arith.addf %dot_general3A_2319, %add3A_2320 : vector<1x256xf32>
    %convert_element_type3A_2322 = arith.extf %mul3A_2317 : vector<1x256xbf16> to vector<1x256xf32>
    %reduce_sum3A_2323 = vector.shape_cast %convert_element_type3A_2322 : vector<1x256xf32> to vector<1x1x256xf32>
    %reduce_sum3A_2324 = arith.constant dense<0.000000e+00> : vector<1xf32>
    %reduce_sum3A_2325 = vector.multi_reduction <add>, %reduce_sum3A_2323, %reduce_sum3A_2324 [1, 2] : vector<1x1x256xf32> to vector<1xf32>
    %reduce_sum3A_2326 = vector.shape_cast %reduce_sum3A_2325 : vector<1xf32> to vector<1x1x1xf32>
    %reduce_sum3A_2327 = vector.extract %reduce_sum3A_2326[0, 0, 0] : f32 from vector<1x1x1xf32>
    %add3A_2328 = arith.addf %add3A_2273, %reduce_sum3A_2327 : f32
    %swap3A_2329 = arith.constant 0 : index
    %swap3A_2330 = arith.constant 256 : index
    %swap3A_2331 = vector.load %arg6[%swap3A_2329, %swap3A_2330] : memref<1x2048xf32, #tpu.memory_space<vmem>>, vector<1x256xf32>
    tpu.vector_store %arg6[%swap3A_2329, %swap3A_2330], %add3A_2321 {strides = array<i32>} : memref<1x2048xf32, #tpu.memory_space<vmem>>, vector<1x256xf32>,
    %get3A_2332 = arith.constant 256 : index
    %get3A_2333 = arith.constant 512 : index
    %get3A_2334 = vector.load %arg4[%get3A_2332, %get3A_2333] : memref<2048x2048xbf16, #tpu.memory_space<vmem>>, vector<256x1536xbf16>
    %dot_general3A_2335 = arith.constant dense<0.000000e+00> : vector<1x1536xf32>
    %dot_general3A_2336 = tpu.matmul %while3A_2305#0, %get3A_2334, %dot_general3A_2335 {dimension_numbers = #tpu.dot_dimension_numbers<[1], [0], [0], [1], [0, 0, 1, 1], [], []>, transpose_lhs_hint = false} : vector<1x256xbf16>, vector<256x1536xbf16>, vector<1x1536xf32> -> vector<1x1536xf32>
    %get3A_2337 = arith.constant 0 : index
    %get3A_2338 = arith.constant 512 : index
    %get3A_2339 = vector.load %arg6[%get3A_2337, %get3A_2338] : memref<1x2048xf32, #tpu.memory_space<vmem>>, vector<1x1536xf32>
    %add3A_2340 = arith.addf %get3A_2339, %dot_general3A_2336 : vector<1x1536xf32>
    %swap3A_2341 = arith.constant 0 : index
    %swap3A_2342 = arith.constant 512 : index
    %swap3A_2343 = vector.load %arg6[%swap3A_2341, %swap3A_2342] : memref<1x2048xf32, #tpu.memory_space<vmem>>, vector<1x1536xf32>
    tpu.vector_store %arg6[%swap3A_2341, %swap3A_2342], %add3A_2340 {strides = array<i32>} : memref<1x2048xf32, #tpu.memory_space<vmem>>, vector<1x1536xf32>,
    %get3A_2344 = arith.constant 0 : index
    %get3A_2345 = arith.constant 512 : index
    %get3A_2346 = vector.load %arg6[%get3A_2344, %get3A_2345] : memref<1x2048xf32, #tpu.memory_space<vmem>>, vector<1x256xf32>
    %eq3A_2347 = arith.constant 0.000000e+00 : f32
    %eq3A_2348 = vector.broadcast %eq3A_2347 : f32 to vector<1x256xf32>
    %eq3A_2349 = arith.cmpf oeq, %get3A_2346, %eq3A_2348 : vector<1x256xf32>
    %jit3A_2350 = arith.constant 1.000000e+00 : f32
    %jit3A_2351 = arith.constant 0.000000e+00 : f32
    %broadcast_in_dim3A_2352 = vector.broadcast %jit3A_2350 : f32 to vector<1x256xf32>
    %broadcast_in_dim3A_2353 = vector.broadcast %jit3A_2351 : f32 to vector<1x256xf32>
    %select_n3A_2354 = arith.select %eq3A_2349, %broadcast_in_dim3A_2352, %broadcast_in_dim3A_2353 : vector<1x256xi1>, vector<1x256xf32>
    %get3A_2355 = arith.constant 512 : index
    %get3A_2356 = arith.constant 512 : index
    %get3A_2357 = vector.load %arg4[%get3A_2355, %get3A_2356] : memref<2048x2048xbf16, #tpu.memory_space<vmem>>, vector<256x256xbf16>
    %convert_element_type3A_2358 = arith.truncf %select_n3A_2354 : vector<1x256xf32> to vector<1x256xbf16>
    %while3A_2359 = arith.constant true
    %while3A_2360:2 = scf.while (%while3A_2769 = %convert_element_type3A_2358, %while3A_2770 = %while3A_2359) : (vector<1x256xbf16>, i1) -> (vector<1x256xbf16>, i1) {
      scf.condition(%while3A_2770) %while3A_2769, %while3A_2770 : vector<1x256xbf16>, i1
    } do {
    ^bb0(%while3A_2769: vector<1x256xbf16>, %while3A_2770: i1):
      %dot_general3A_2771 = arith.constant dense<0.000000e+00> : vector<1x256xf32>
      %dot_general3A_2772 = tpu.matmul %while3A_2769, %get3A_2357, %dot_general3A_2771 {dimension_numbers = #tpu.dot_dimension_numbers<[1], [0], [0], [1], [0, 0, 1, 1], [], []>, transpose_lhs_hint = false} : vector<1x256xbf16>, vector<256x256xbf16>, vector<1x256xf32> -> vector<1x256xf32>
      %eq3A_2773 = arith.constant 0.000000e+00 : f32
      %eq3A_2774 = vector.broadcast %eq3A_2773 : f32 to vector<1x256xf32>
      %eq3A_2775 = arith.cmpf oeq, %dot_general3A_2772, %eq3A_2774 : vector<1x256xf32>
      %gt3A_2776 = arith.constant 0.000000e+00 : f32
      %gt3A_2777 = vector.broadcast %gt3A_2776 : f32 to vector<1x256xf32>
      %gt3A_2778 = arith.cmpf ogt, %select_n3A_2354, %gt3A_2777 : vector<1x256xf32>
      %and3A_2779 = arith.andi %eq3A_2775, %gt3A_2778 : vector<1x256xi1>
      %jit3A_2780 = arith.constant 1.000000e+00 : f32
      %jit3A_2781 = arith.constant 0.000000e+00 : f32
      %broadcast_in_dim3A_2782 = vector.broadcast %jit3A_2780 : f32 to vector<1x256xf32>
      %broadcast_in_dim3A_2783 = vector.broadcast %jit3A_2781 : f32 to vector<1x256xf32>
      %select_n3A_2784 = arith.select %and3A_2779, %broadcast_in_dim3A_2782, %broadcast_in_dim3A_2783 : vector<1x256xi1>, vector<1x256xf32>
      %convert_element_type3A_2785 = arith.truncf %select_n3A_2784 : vector<1x256xf32> to vector<1x256xbf16>
      %convert_element_type3A_2786 = arith.extf %convert_element_type3A_2785 : vector<1x256xbf16> to vector<1x256xf32>
      %convert_element_type3A_2787 = arith.extf %while3A_2769 : vector<1x256xbf16> to vector<1x256xf32>
      %sub3A_2788 = arith.subf %convert_element_type3A_2786, %convert_element_type3A_2787 : vector<1x256xf32>
      %abs3A = math.absf %sub3A_2788 : vector<1x256xf32>
      %reduce_sum3A_2789 = vector.shape_cast %abs3A : vector<1x256xf32> to vector<1x1x256xf32>
      %reduce_sum3A_2790 = arith.constant dense<0.000000e+00> : vector<1xf32>
      %reduce_sum3A_2791 = vector.multi_reduction <add>, %reduce_sum3A_2789, %reduce_sum3A_2790 [1, 2] : vector<1x1x256xf32> to vector<1xf32>
      %reduce_sum3A_2792 = vector.shape_cast %reduce_sum3A_2791 : vector<1xf32> to vector<1x1x1xf32>
      %reduce_sum3A_2793 = vector.extract %reduce_sum3A_2792[0, 0, 0] : f32 from vector<1x1x1xf32>
      %gt3A_2794 = arith.constant 0.000000e+00 : f32
      %gt3A_2795 = arith.cmpf ogt, %reduce_sum3A_2793, %gt3A_2794 : f32
      scf.yield %convert_element_type3A_2785, %gt3A_2795 : vector<1x256xbf16>, i1
    }
    %convert_element_type3A_2361 = arith.extf %while3A_2360#0 : vector<1x256xbf16> to vector<1x256xf32>
    %swap3A_2362 = arith.constant 0 : index
    %swap3A_2363 = arith.constant 512 : index
    %swap3A_2364 = vector.load %arg5[%swap3A_2362, %swap3A_2363] : memref<1x2048xf32, #tpu.memory_space<vmem>>, vector<1x256xf32>
    tpu.vector_store %arg5[%swap3A_2362, %swap3A_2363], %convert_element_type3A_2361 {strides = array<i32>} : memref<1x2048xf32, #tpu.memory_space<vmem>>, vector<1x256xf32>,
    %slice3A_2365 = vector.extract_strided_slice %iota3A {offsets = [0, 512], sizes = [1, 256], strides = [1, 1]} : vector<1x2048xi32> to vector<1x256xi32>
    %lt3A_2366 = arith.constant 2000 : i32
    %lt3A_2367 = vector.broadcast %lt3A_2366 : i32 to vector<1x256xi32>
    %lt3A_2368 = arith.cmpi slt, %slice3A_2365, %lt3A_2367 : vector<1x256xi32>
    %convert_element_type3A_2369 = arith.extui %lt3A_2368 : vector<1x256xi1> to vector<1x256xi32>
    %convert_element_type3A_2370 = arith.sitofp %convert_element_type3A_2369 : vector<1x256xi32> to vector<1x256xf32>
    %convert_element_type3A_2371 = arith.truncf %convert_element_type3A_2370 : vector<1x256xf32> to vector<1x256xbf16>
    %mul3A_2372 = arith.mulf %while3A_2360#0, %convert_element_type3A_2371 : vector<1x256xbf16>
    %dot_general3A_2373 = arith.constant dense<0.000000e+00> : vector<1x256xf32>
    %dot_general3A_2374 = tpu.matmul %mul3A_2372, %convert_element_type3A_2235, %dot_general3A_2373 {dimension_numbers = #tpu.dot_dimension_numbers<[1], [0], [0], [1], [0, 0, 1, 1], [], []>, transpose_lhs_hint = false} : vector<1x256xbf16>, vector<256x256xbf16>, vector<1x256xf32> -> vector<1x256xf32>
    %add3A_2375 = vector.broadcast %add3A_2328 : f32 to vector<1x256xf32>
    %add3A_2376 = arith.addf %dot_general3A_2374, %add3A_2375 : vector<1x256xf32>
    %convert_element_type3A_2377 = arith.extf %mul3A_2372 : vector<1x256xbf16> to vector<1x256xf32>
    %reduce_sum3A_2378 = vector.shape_cast %convert_element_type3A_2377 : vector<1x256xf32> to vector<1x1x256xf32>
    %reduce_sum3A_2379 = arith.constant dense<0.000000e+00> : vector<1xf32>
    %reduce_sum3A_2380 = vector.multi_reduction <add>, %reduce_sum3A_2378, %reduce_sum3A_2379 [1, 2] : vector<1x1x256xf32> to vector<1xf32>
    %reduce_sum3A_2381 = vector.shape_cast %reduce_sum3A_2380 : vector<1xf32> to vector<1x1x1xf32>
    %reduce_sum3A_2382 = vector.extract %reduce_sum3A_2381[0, 0, 0] : f32 from vector<1x1x1xf32>
    %add3A_2383 = arith.addf %add3A_2328, %reduce_sum3A_2382 : f32
    %swap3A_2384 = arith.constant 0 : index
    %swap3A_2385 = arith.constant 512 : index
    %swap3A_2386 = vector.load %arg6[%swap3A_2384, %swap3A_2385] : memref<1x2048xf32, #tpu.memory_space<vmem>>, vector<1x256xf32>
    tpu.vector_store %arg6[%swap3A_2384, %swap3A_2385], %add3A_2376 {strides = array<i32>} : memref<1x2048xf32, #tpu.memory_space<vmem>>, vector<1x256xf32>,
    %get3A_2387 = arith.constant 512 : index
    %get3A_2388 = arith.constant 768 : index
    %get3A_2389 = vector.load %arg4[%get3A_2387, %get3A_2388] : memref<2048x2048xbf16, #tpu.memory_space<vmem>>, vector<256x1280xbf16>
    %dot_general3A_2390 = arith.constant dense<0.000000e+00> : vector<1x1280xf32>
    %dot_general3A_2391 = tpu.matmul %while3A_2360#0, %get3A_2389, %dot_general3A_2390 {dimension_numbers = #tpu.dot_dimension_numbers<[1], [0], [0], [1], [0, 0, 1, 1], [], []>, transpose_lhs_hint = false} : vector<1x256xbf16>, vector<256x1280xbf16>, vector<1x1280xf32> -> vector<1x1280xf32>
    %get3A_2392 = arith.constant 0 : index
    %get3A_2393 = arith.constant 768 : index
    %get3A_2394 = vector.load %arg6[%get3A_2392, %get3A_2393] : memref<1x2048xf32, #tpu.memory_space<vmem>>, vector<1x1280xf32>
    %add3A_2395 = arith.addf %get3A_2394, %dot_general3A_2391 : vector<1x1280xf32>
    %swap3A_2396 = arith.constant 0 : index
    %swap3A_2397 = arith.constant 768 : index
    %swap3A_2398 = vector.load %arg6[%swap3A_2396, %swap3A_2397] : memref<1x2048xf32, #tpu.memory_space<vmem>>, vector<1x1280xf32>
    tpu.vector_store %arg6[%swap3A_2396, %swap3A_2397], %add3A_2395 {strides = array<i32>} : memref<1x2048xf32, #tpu.memory_space<vmem>>, vector<1x1280xf32>,
    %get3A_2399 = arith.constant 0 : index
    %get3A_2400 = arith.constant 768 : index
    %get3A_2401 = vector.load %arg6[%get3A_2399, %get3A_2400] : memref<1x2048xf32, #tpu.memory_space<vmem>>, vector<1x256xf32>
    %eq3A_2402 = arith.constant 0.000000e+00 : f32
    %eq3A_2403 = vector.broadcast %eq3A_2402 : f32 to vector<1x256xf32>
    %eq3A_2404 = arith.cmpf oeq, %get3A_2401, %eq3A_2403 : vector<1x256xf32>
    %jit3A_2405 = arith.constant 1.000000e+00 : f32
    %jit3A_2406 = arith.constant 0.000000e+00 : f32
    %broadcast_in_dim3A_2407 = vector.broadcast %jit3A_2405 : f32 to vector<1x256xf32>
    %broadcast_in_dim3A_2408 = vector.broadcast %jit3A_2406 : f32 to vector<1x256xf32>
    %select_n3A_2409 = arith.select %eq3A_2404, %broadcast_in_dim3A_2407, %broadcast_in_dim3A_2408 : vector<1x256xi1>, vector<1x256xf32>
    %get3A_2410 = arith.constant 768 : index
    %get3A_2411 = arith.constant 768 : index
    %get3A_2412 = vector.load %arg4[%get3A_2410, %get3A_2411] : memref<2048x2048xbf16, #tpu.memory_space<vmem>>, vector<256x256xbf16>
    %convert_element_type3A_2413 = arith.truncf %select_n3A_2409 : vector<1x256xf32> to vector<1x256xbf16>
    %while3A_2414 = arith.constant true
    %while3A_2415:2 = scf.while (%while3A_2769 = %convert_element_type3A_2413, %while3A_2770 = %while3A_2414) : (vector<1x256xbf16>, i1) -> (vector<1x256xbf16>, i1) {
      scf.condition(%while3A_2770) %while3A_2769, %while3A_2770 : vector<1x256xbf16>, i1
    } do {
    ^bb0(%while3A_2769: vector<1x256xbf16>, %while3A_2770: i1):
      %dot_general3A_2771 = arith.constant dense<0.000000e+00> : vector<1x256xf32>
      %dot_general3A_2772 = tpu.matmul %while3A_2769, %get3A_2412, %dot_general3A_2771 {dimension_numbers = #tpu.dot_dimension_numbers<[1], [0], [0], [1], [0, 0, 1, 1], [], []>, transpose_lhs_hint = false} : vector<1x256xbf16>, vector<256x256xbf16>, vector<1x256xf32> -> vector<1x256xf32>
      %eq3A_2773 = arith.constant 0.000000e+00 : f32
      %eq3A_2774 = vector.broadcast %eq3A_2773 : f32 to vector<1x256xf32>
      %eq3A_2775 = arith.cmpf oeq, %dot_general3A_2772, %eq3A_2774 : vector<1x256xf32>
      %gt3A_2776 = arith.constant 0.000000e+00 : f32
      %gt3A_2777 = vector.broadcast %gt3A_2776 : f32 to vector<1x256xf32>
      %gt3A_2778 = arith.cmpf ogt, %select_n3A_2409, %gt3A_2777 : vector<1x256xf32>
      %and3A_2779 = arith.andi %eq3A_2775, %gt3A_2778 : vector<1x256xi1>
      %jit3A_2780 = arith.constant 1.000000e+00 : f32
      %jit3A_2781 = arith.constant 0.000000e+00 : f32
      %broadcast_in_dim3A_2782 = vector.broadcast %jit3A_2780 : f32 to vector<1x256xf32>
      %broadcast_in_dim3A_2783 = vector.broadcast %jit3A_2781 : f32 to vector<1x256xf32>
      %select_n3A_2784 = arith.select %and3A_2779, %broadcast_in_dim3A_2782, %broadcast_in_dim3A_2783 : vector<1x256xi1>, vector<1x256xf32>
      %convert_element_type3A_2785 = arith.truncf %select_n3A_2784 : vector<1x256xf32> to vector<1x256xbf16>
      %convert_element_type3A_2786 = arith.extf %convert_element_type3A_2785 : vector<1x256xbf16> to vector<1x256xf32>
      %convert_element_type3A_2787 = arith.extf %while3A_2769 : vector<1x256xbf16> to vector<1x256xf32>
      %sub3A_2788 = arith.subf %convert_element_type3A_2786, %convert_element_type3A_2787 : vector<1x256xf32>
      %abs3A = math.absf %sub3A_2788 : vector<1x256xf32>
      %reduce_sum3A_2789 = vector.shape_cast %abs3A : vector<1x256xf32> to vector<1x1x256xf32>
      %reduce_sum3A_2790 = arith.constant dense<0.000000e+00> : vector<1xf32>
      %reduce_sum3A_2791 = vector.multi_reduction <add>, %reduce_sum3A_2789, %reduce_sum3A_2790 [1, 2] : vector<1x1x256xf32> to vector<1xf32>
      %reduce_sum3A_2792 = vector.shape_cast %reduce_sum3A_2791 : vector<1xf32> to vector<1x1x1xf32>
      %reduce_sum3A_2793 = vector.extract %reduce_sum3A_2792[0, 0, 0] : f32 from vector<1x1x1xf32>
      %gt3A_2794 = arith.constant 0.000000e+00 : f32
      %gt3A_2795 = arith.cmpf ogt, %reduce_sum3A_2793, %gt3A_2794 : f32
      scf.yield %convert_element_type3A_2785, %gt3A_2795 : vector<1x256xbf16>, i1
    }
    %convert_element_type3A_2416 = arith.extf %while3A_2415#0 : vector<1x256xbf16> to vector<1x256xf32>
    %swap3A_2417 = arith.constant 0 : index
    %swap3A_2418 = arith.constant 768 : index
    %swap3A_2419 = vector.load %arg5[%swap3A_2417, %swap3A_2418] : memref<1x2048xf32, #tpu.memory_space<vmem>>, vector<1x256xf32>
    tpu.vector_store %arg5[%swap3A_2417, %swap3A_2418], %convert_element_type3A_2416 {strides = array<i32>} : memref<1x2048xf32, #tpu.memory_space<vmem>>, vector<1x256xf32>,
    %slice3A_2420 = vector.extract_strided_slice %iota3A {offsets = [0, 768], sizes = [1, 256], strides = [1, 1]} : vector<1x2048xi32> to vector<1x256xi32>
    %lt3A_2421 = arith.constant 2000 : i32
    %lt3A_2422 = vector.broadcast %lt3A_2421 : i32 to vector<1x256xi32>
    %lt3A_2423 = arith.cmpi slt, %slice3A_2420, %lt3A_2422 : vector<1x256xi32>
    %convert_element_type3A_2424 = arith.extui %lt3A_2423 : vector<1x256xi1> to vector<1x256xi32>
    %convert_element_type3A_2425 = arith.sitofp %convert_element_type3A_2424 : vector<1x256xi32> to vector<1x256xf32>
    %convert_element_type3A_2426 = arith.truncf %convert_element_type3A_2425 : vector<1x256xf32> to vector<1x256xbf16>
    %mul3A_2427 = arith.mulf %while3A_2415#0, %convert_element_type3A_2426 : vector<1x256xbf16>
    %dot_general3A_2428 = arith.constant dense<0.000000e+00> : vector<1x256xf32>
    %dot_general3A_2429 = tpu.matmul %mul3A_2427, %convert_element_type3A_2235, %dot_general3A_2428 {dimension_numbers = #tpu.dot_dimension_numbers<[1], [0], [0], [1], [0, 0, 1, 1], [], []>, transpose_lhs_hint = false} : vector<1x256xbf16>, vector<256x256xbf16>, vector<1x256xf32> -> vector<1x256xf32>
    %add3A_2430 = vector.broadcast %add3A_2383 : f32 to vector<1x256xf32>
    %add3A_2431 = arith.addf %dot_general3A_2429, %add3A_2430 : vector<1x256xf32>
    %convert_element_type3A_2432 = arith.extf %mul3A_2427 : vector<1x256xbf16> to vector<1x256xf32>
    %reduce_sum3A_2433 = vector.shape_cast %convert_element_type3A_2432 : vector<1x256xf32> to vector<1x1x256xf32>
    %reduce_sum3A_2434 = arith.constant dense<0.000000e+00> : vector<1xf32>
    %reduce_sum3A_2435 = vector.multi_reduction <add>, %reduce_sum3A_2433, %reduce_sum3A_2434 [1, 2] : vector<1x1x256xf32> to vector<1xf32>
    %reduce_sum3A_2436 = vector.shape_cast %reduce_sum3A_2435 : vector<1xf32> to vector<1x1x1xf32>
    %reduce_sum3A_2437 = vector.extract %reduce_sum3A_2436[0, 0, 0] : f32 from vector<1x1x1xf32>
    %add3A_2438 = arith.addf %add3A_2383, %reduce_sum3A_2437 : f32
    %swap3A_2439 = arith.constant 0 : index
    %swap3A_2440 = arith.constant 768 : index
    %swap3A_2441 = vector.load %arg6[%swap3A_2439, %swap3A_2440] : memref<1x2048xf32, #tpu.memory_space<vmem>>, vector<1x256xf32>
    tpu.vector_store %arg6[%swap3A_2439, %swap3A_2440], %add3A_2431 {strides = array<i32>} : memref<1x2048xf32, #tpu.memory_space<vmem>>, vector<1x256xf32>,
    %get3A_2442 = arith.constant 768 : index
    %get3A_2443 = arith.constant 1024 : index
    %get3A_2444 = vector.load %arg4[%get3A_2442, %get3A_2443] : memref<2048x2048xbf16, #tpu.memory_space<vmem>>, vector<256x1024xbf16>
    %dot_general3A_2445 = arith.constant dense<0.000000e+00> : vector<1x1024xf32>
    %dot_general3A_2446 = tpu.matmul %while3A_2415#0, %get3A_2444, %dot_general3A_2445 {dimension_numbers = #tpu.dot_dimension_numbers<[1], [0], [0], [1], [0, 0, 1, 1], [], []>, transpose_lhs_hint = false} : vector<1x256xbf16>, vector<256x1024xbf16>, vector<1x1024xf32> -> vector<1x1024xf32>
    %get3A_2447 = arith.constant 0 : index
    %get3A_2448 = arith.constant 1024 : index
    %get3A_2449 = vector.load %arg6[%get3A_2447, %get3A_2448] : memref<1x2048xf32, #tpu.memory_space<vmem>>, vector<1x1024xf32>
    %add3A_2450 = arith.addf %get3A_2449, %dot_general3A_2446 : vector<1x1024xf32>
    %swap3A_2451 = arith.constant 0 : index
    %swap3A_2452 = arith.constant 1024 : index
    %swap3A_2453 = vector.load %arg6[%swap3A_2451, %swap3A_2452] : memref<1x2048xf32, #tpu.memory_space<vmem>>, vector<1x1024xf32>
    tpu.vector_store %arg6[%swap3A_2451, %swap3A_2452], %add3A_2450 {strides = array<i32>} : memref<1x2048xf32, #tpu.memory_space<vmem>>, vector<1x1024xf32>,
    %get3A_2454 = arith.constant 0 : index
    %get3A_2455 = arith.constant 1024 : index
    %get3A_2456 = vector.load %arg6[%get3A_2454, %get3A_2455] : memref<1x2048xf32, #tpu.memory_space<vmem>>, vector<1x256xf32>
    %eq3A_2457 = arith.constant 0.000000e+00 : f32
    %eq3A_2458 = vector.broadcast %eq3A_2457 : f32 to vector<1x256xf32>
    %eq3A_2459 = arith.cmpf oeq, %get3A_2456, %eq3A_2458 : vector<1x256xf32>
    %jit3A_2460 = arith.constant 1.000000e+00 : f32
    %jit3A_2461 = arith.constant 0.000000e+00 : f32
    %broadcast_in_dim3A_2462 = vector.broadcast %jit3A_2460 : f32 to vector<1x256xf32>
    %broadcast_in_dim3A_2463 = vector.broadcast %jit3A_2461 : f32 to vector<1x256xf32>
    %select_n3A_2464 = arith.select %eq3A_2459, %broadcast_in_dim3A_2462, %broadcast_in_dim3A_2463 : vector<1x256xi1>, vector<1x256xf32>
    %get3A_2465 = arith.constant 1024 : index
    %get3A_2466 = arith.constant 1024 : index
    %get3A_2467 = vector.load %arg4[%get3A_2465, %get3A_2466] : memref<2048x2048xbf16, #tpu.memory_space<vmem>>, vector<256x256xbf16>
    %convert_element_type3A_2468 = arith.truncf %select_n3A_2464 : vector<1x256xf32> to vector<1x256xbf16>
    %while3A_2469 = arith.constant true
    %while3A_2470:2 = scf.while (%while3A_2769 = %convert_element_type3A_2468, %while3A_2770 = %while3A_2469) : (vector<1x256xbf16>, i1) -> (vector<1x256xbf16>, i1) {
      scf.condition(%while3A_2770) %while3A_2769, %while3A_2770 : vector<1x256xbf16>, i1
    } do {
    ^bb0(%while3A_2769: vector<1x256xbf16>, %while3A_2770: i1):
      %dot_general3A_2771 = arith.constant dense<0.000000e+00> : vector<1x256xf32>
      %dot_general3A_2772 = tpu.matmul %while3A_2769, %get3A_2467, %dot_general3A_2771 {dimension_numbers = #tpu.dot_dimension_numbers<[1], [0], [0], [1], [0, 0, 1, 1], [], []>, transpose_lhs_hint = false} : vector<1x256xbf16>, vector<256x256xbf16>, vector<1x256xf32> -> vector<1x256xf32>
      %eq3A_2773 = arith.constant 0.000000e+00 : f32
      %eq3A_2774 = vector.broadcast %eq3A_2773 : f32 to vector<1x256xf32>
      %eq3A_2775 = arith.cmpf oeq, %dot_general3A_2772, %eq3A_2774 : vector<1x256xf32>
      %gt3A_2776 = arith.constant 0.000000e+00 : f32
      %gt3A_2777 = vector.broadcast %gt3A_2776 : f32 to vector<1x256xf32>
      %gt3A_2778 = arith.cmpf ogt, %select_n3A_2464, %gt3A_2777 : vector<1x256xf32>
      %and3A_2779 = arith.andi %eq3A_2775, %gt3A_2778 : vector<1x256xi1>
      %jit3A_2780 = arith.constant 1.000000e+00 : f32
      %jit3A_2781 = arith.constant 0.000000e+00 : f32
      %broadcast_in_dim3A_2782 = vector.broadcast %jit3A_2780 : f32 to vector<1x256xf32>
      %broadcast_in_dim3A_2783 = vector.broadcast %jit3A_2781 : f32 to vector<1x256xf32>
      %select_n3A_2784 = arith.select %and3A_2779, %broadcast_in_dim3A_2782, %broadcast_in_dim3A_2783 : vector<1x256xi1>, vector<1x256xf32>
      %convert_element_type3A_2785 = arith.truncf %select_n3A_2784 : vector<1x256xf32> to vector<1x256xbf16>
      %convert_element_type3A_2786 = arith.extf %convert_element_type3A_2785 : vector<1x256xbf16> to vector<1x256xf32>
      %convert_element_type3A_2787 = arith.extf %while3A_2769 : vector<1x256xbf16> to vector<1x256xf32>
      %sub3A_2788 = arith.subf %convert_element_type3A_2786, %convert_element_type3A_2787 : vector<1x256xf32>
      %abs3A = math.absf %sub3A_2788 : vector<1x256xf32>
      %reduce_sum3A_2789 = vector.shape_cast %abs3A : vector<1x256xf32> to vector<1x1x256xf32>
      %reduce_sum3A_2790 = arith.constant dense<0.000000e+00> : vector<1xf32>
      %reduce_sum3A_2791 = vector.multi_reduction <add>, %reduce_sum3A_2789, %reduce_sum3A_2790 [1, 2] : vector<1x1x256xf32> to vector<1xf32>
      %reduce_sum3A_2792 = vector.shape_cast %reduce_sum3A_2791 : vector<1xf32> to vector<1x1x1xf32>
      %reduce_sum3A_2793 = vector.extract %reduce_sum3A_2792[0, 0, 0] : f32 from vector<1x1x1xf32>
      %gt3A_2794 = arith.constant 0.000000e+00 : f32
      %gt3A_2795 = arith.cmpf ogt, %reduce_sum3A_2793, %gt3A_2794 : f32
      scf.yield %convert_element_type3A_2785, %gt3A_2795 : vector<1x256xbf16>, i1
    }
    %convert_element_type3A_2471 = arith.extf %while3A_2470#0 : vector<1x256xbf16> to vector<1x256xf32>
    %swap3A_2472 = arith.constant 0 : index
    %swap3A_2473 = arith.constant 1024 : index
    %swap3A_2474 = vector.load %arg5[%swap3A_2472, %swap3A_2473] : memref<1x2048xf32, #tpu.memory_space<vmem>>, vector<1x256xf32>
    tpu.vector_store %arg5[%swap3A_2472, %swap3A_2473], %convert_element_type3A_2471 {strides = array<i32>} : memref<1x2048xf32, #tpu.memory_space<vmem>>, vector<1x256xf32>,
    %slice3A_2475 = vector.extract_strided_slice %iota3A {offsets = [0, 1024], sizes = [1, 256], strides = [1, 1]} : vector<1x2048xi32> to vector<1x256xi32>
    %lt3A_2476 = arith.constant 2000 : i32
    %lt3A_2477 = vector.broadcast %lt3A_2476 : i32 to vector<1x256xi32>
    %lt3A_2478 = arith.cmpi slt, %slice3A_2475, %lt3A_2477 : vector<1x256xi32>
    %convert_element_type3A_2479 = arith.extui %lt3A_2478 : vector<1x256xi1> to vector<1x256xi32>
    %convert_element_type3A_2480 = arith.sitofp %convert_element_type3A_2479 : vector<1x256xi32> to vector<1x256xf32>
    %convert_element_type3A_2481 = arith.truncf %convert_element_type3A_2480 : vector<1x256xf32> to vector<1x256xbf16>
    %mul3A_2482 = arith.mulf %while3A_2470#0, %convert_element_type3A_2481 : vector<1x256xbf16>
    %dot_general3A_2483 = arith.constant dense<0.000000e+00> : vector<1x256xf32>
    %dot_general3A_2484 = tpu.matmul %mul3A_2482, %convert_element_type3A_2235, %dot_general3A_2483 {dimension_numbers = #tpu.dot_dimension_numbers<[1], [0], [0], [1], [0, 0, 1, 1], [], []>, transpose_lhs_hint = false} : vector<1x256xbf16>, vector<256x256xbf16>, vector<1x256xf32> -> vector<1x256xf32>
    %add3A_2485 = vector.broadcast %add3A_2438 : f32 to vector<1x256xf32>
    %add3A_2486 = arith.addf %dot_general3A_2484, %add3A_2485 : vector<1x256xf32>
    %convert_element_type3A_2487 = arith.extf %mul3A_2482 : vector<1x256xbf16> to vector<1x256xf32>
    %reduce_sum3A_2488 = vector.shape_cast %convert_element_type3A_2487 : vector<1x256xf32> to vector<1x1x256xf32>
    %reduce_sum3A_2489 = arith.constant dense<0.000000e+00> : vector<1xf32>
    %reduce_sum3A_2490 = vector.multi_reduction <add>, %reduce_sum3A_2488, %reduce_sum3A_2489 [1, 2] : vector<1x1x256xf32> to vector<1xf32>
    %reduce_sum3A_2491 = vector.shape_cast %reduce_sum3A_2490 : vector<1xf32> to vector<1x1x1xf32>
    %reduce_sum3A_2492 = vector.extract %reduce_sum3A_2491[0, 0, 0] : f32 from vector<1x1x1xf32>
    %add3A_2493 = arith.addf %add3A_2438, %reduce_sum3A_2492 : f32
    %swap3A_2494 = arith.constant 0 : index
    %swap3A_2495 = arith.constant 1024 : index
    %swap3A_2496 = vector.load %arg6[%swap3A_2494, %swap3A_2495] : memref<1x2048xf32, #tpu.memory_space<vmem>>, vector<1x256xf32>
    tpu.vector_store %arg6[%swap3A_2494, %swap3A_2495], %add3A_2486 {strides = array<i32>} : memref<1x2048xf32, #tpu.memory_space<vmem>>, vector<1x256xf32>,
    %get3A_2497 = arith.constant 1024 : index
    %get3A_2498 = arith.constant 1280 : index
    %get3A_2499 = vector.load %arg4[%get3A_2497, %get3A_2498] : memref<2048x2048xbf16, #tpu.memory_space<vmem>>, vector<256x768xbf16>
    %dot_general3A_2500 = arith.constant dense<0.000000e+00> : vector<1x768xf32>
    %dot_general3A_2501 = tpu.matmul %while3A_2470#0, %get3A_2499, %dot_general3A_2500 {dimension_numbers = #tpu.dot_dimension_numbers<[1], [0], [0], [1], [0, 0, 1, 1], [], []>, transpose_lhs_hint = false} : vector<1x256xbf16>, vector<256x768xbf16>, vector<1x768xf32> -> vector<1x768xf32>
    %get3A_2502 = arith.constant 0 : index
    %get3A_2503 = arith.constant 1280 : index
    %get3A_2504 = vector.load %arg6[%get3A_2502, %get3A_2503] : memref<1x2048xf32, #tpu.memory_space<vmem>>, vector<1x768xf32>
    %add3A_2505 = arith.addf %get3A_2504, %dot_general3A_2501 : vector<1x768xf32>
    %swap3A_2506 = arith.constant 0 : index
    %swap3A_2507 = arith.constant 1280 : index
    %swap3A_2508 = vector.load %arg6[%swap3A_2506, %swap3A_2507] : memref<1x2048xf32, #tpu.memory_space<vmem>>, vector<1x768xf32>
    tpu.vector_store %arg6[%swap3A_2506, %swap3A_2507], %add3A_2505 {strides = array<i32>} : memref<1x2048xf32, #tpu.memory_space<vmem>>, vector<1x768xf32>,
    %get3A_2509 = arith.constant 0 : index
    %get3A_2510 = arith.constant 1280 : index
    %get3A_2511 = vector.load %arg6[%get3A_2509, %get3A_2510] : memref<1x2048xf32, #tpu.memory_space<vmem>>, vector<1x256xf32>
    %eq3A_2512 = arith.constant 0.000000e+00 : f32
    %eq3A_2513 = vector.broadcast %eq3A_2512 : f32 to vector<1x256xf32>
    %eq3A_2514 = arith.cmpf oeq, %get3A_2511, %eq3A_2513 : vector<1x256xf32>
    %jit3A_2515 = arith.constant 1.000000e+00 : f32
    %jit3A_2516 = arith.constant 0.000000e+00 : f32
    %broadcast_in_dim3A_2517 = vector.broadcast %jit3A_2515 : f32 to vector<1x256xf32>
    %broadcast_in_dim3A_2518 = vector.broadcast %jit3A_2516 : f32 to vector<1x256xf32>
    %select_n3A_2519 = arith.select %eq3A_2514, %broadcast_in_dim3A_2517, %broadcast_in_dim3A_2518 : vector<1x256xi1>, vector<1x256xf32>
    %get3A_2520 = arith.constant 1280 : index
    %get3A_2521 = arith.constant 1280 : index
    %get3A_2522 = vector.load %arg4[%get3A_2520, %get3A_2521] : memref<2048x2048xbf16, #tpu.memory_space<vmem>>, vector<256x256xbf16>
    %convert_element_type3A_2523 = arith.truncf %select_n3A_2519 : vector<1x256xf32> to vector<1x256xbf16>
    %while3A_2524 = arith.constant true
    %while3A_2525:2 = scf.while (%while3A_2769 = %convert_element_type3A_2523, %while3A_2770 = %while3A_2524) : (vector<1x256xbf16>, i1) -> (vector<1x256xbf16>, i1) {
      scf.condition(%while3A_2770) %while3A_2769, %while3A_2770 : vector<1x256xbf16>, i1
    } do {
    ^bb0(%while3A_2769: vector<1x256xbf16>, %while3A_2770: i1):
      %dot_general3A_2771 = arith.constant dense<0.000000e+00> : vector<1x256xf32>
      %dot_general3A_2772 = tpu.matmul %while3A_2769, %get3A_2522, %dot_general3A_2771 {dimension_numbers = #tpu.dot_dimension_numbers<[1], [0], [0], [1], [0, 0, 1, 1], [], []>, transpose_lhs_hint = false} : vector<1x256xbf16>, vector<256x256xbf16>, vector<1x256xf32> -> vector<1x256xf32>
      %eq3A_2773 = arith.constant 0.000000e+00 : f32
      %eq3A_2774 = vector.broadcast %eq3A_2773 : f32 to vector<1x256xf32>
      %eq3A_2775 = arith.cmpf oeq, %dot_general3A_2772, %eq3A_2774 : vector<1x256xf32>
      %gt3A_2776 = arith.constant 0.000000e+00 : f32
      %gt3A_2777 = vector.broadcast %gt3A_2776 : f32 to vector<1x256xf32>
      %gt3A_2778 = arith.cmpf ogt, %select_n3A_2519, %gt3A_2777 : vector<1x256xf32>
      %and3A_2779 = arith.andi %eq3A_2775, %gt3A_2778 : vector<1x256xi1>
      %jit3A_2780 = arith.constant 1.000000e+00 : f32
      %jit3A_2781 = arith.constant 0.000000e+00 : f32
      %broadcast_in_dim3A_2782 = vector.broadcast %jit3A_2780 : f32 to vector<1x256xf32>
      %broadcast_in_dim3A_2783 = vector.broadcast %jit3A_2781 : f32 to vector<1x256xf32>
      %select_n3A_2784 = arith.select %and3A_2779, %broadcast_in_dim3A_2782, %broadcast_in_dim3A_2783 : vector<1x256xi1>, vector<1x256xf32>
      %convert_element_type3A_2785 = arith.truncf %select_n3A_2784 : vector<1x256xf32> to vector<1x256xbf16>
      %convert_element_type3A_2786 = arith.extf %convert_element_type3A_2785 : vector<1x256xbf16> to vector<1x256xf32>
      %convert_element_type3A_2787 = arith.extf %while3A_2769 : vector<1x256xbf16> to vector<1x256xf32>
      %sub3A_2788 = arith.subf %convert_element_type3A_2786, %convert_element_type3A_2787 : vector<1x256xf32>
      %abs3A = math.absf %sub3A_2788 : vector<1x256xf32>
      %reduce_sum3A_2789 = vector.shape_cast %abs3A : vector<1x256xf32> to vector<1x1x256xf32>
      %reduce_sum3A_2790 = arith.constant dense<0.000000e+00> : vector<1xf32>
      %reduce_sum3A_2791 = vector.multi_reduction <add>, %reduce_sum3A_2789, %reduce_sum3A_2790 [1, 2] : vector<1x1x256xf32> to vector<1xf32>
      %reduce_sum3A_2792 = vector.shape_cast %reduce_sum3A_2791 : vector<1xf32> to vector<1x1x1xf32>
      %reduce_sum3A_2793 = vector.extract %reduce_sum3A_2792[0, 0, 0] : f32 from vector<1x1x1xf32>
      %gt3A_2794 = arith.constant 0.000000e+00 : f32
      %gt3A_2795 = arith.cmpf ogt, %reduce_sum3A_2793, %gt3A_2794 : f32
      scf.yield %convert_element_type3A_2785, %gt3A_2795 : vector<1x256xbf16>, i1
    }
    %convert_element_type3A_2526 = arith.extf %while3A_2525#0 : vector<1x256xbf16> to vector<1x256xf32>
    %swap3A_2527 = arith.constant 0 : index
    %swap3A_2528 = arith.constant 1280 : index
    %swap3A_2529 = vector.load %arg5[%swap3A_2527, %swap3A_2528] : memref<1x2048xf32, #tpu.memory_space<vmem>>, vector<1x256xf32>
    tpu.vector_store %arg5[%swap3A_2527, %swap3A_2528], %convert_element_type3A_2526 {strides = array<i32>} : memref<1x2048xf32, #tpu.memory_space<vmem>>, vector<1x256xf32>,
    %slice3A_2530 = vector.extract_strided_slice %iota3A {offsets = [0, 1280], sizes = [1, 256], strides = [1, 1]} : vector<1x2048xi32> to vector<1x256xi32>
    %lt3A_2531 = arith.constant 2000 : i32
    %lt3A_2532 = vector.broadcast %lt3A_2531 : i32 to vector<1x256xi32>
    %lt3A_2533 = arith.cmpi slt, %slice3A_2530, %lt3A_2532 : vector<1x256xi32>
    %convert_element_type3A_2534 = arith.extui %lt3A_2533 : vector<1x256xi1> to vector<1x256xi32>
    %convert_element_type3A_2535 = arith.sitofp %convert_element_type3A_2534 : vector<1x256xi32> to vector<1x256xf32>
    %convert_element_type3A_2536 = arith.truncf %convert_element_type3A_2535 : vector<1x256xf32> to vector<1x256xbf16>
    %mul3A_2537 = arith.mulf %while3A_2525#0, %convert_element_type3A_2536 : vector<1x256xbf16>
    %dot_general3A_2538 = arith.constant dense<0.000000e+00> : vector<1x256xf32>
    %dot_general3A_2539 = tpu.matmul %mul3A_2537, %convert_element_type3A_2235, %dot_general3A_2538 {dimension_numbers = #tpu.dot_dimension_numbers<[1], [0], [0], [1], [0, 0, 1, 1], [], []>, transpose_lhs_hint = false} : vector<1x256xbf16>, vector<256x256xbf16>, vector<1x256xf32> -> vector<1x256xf32>
    %add3A_2540 = vector.broadcast %add3A_2493 : f32 to vector<1x256xf32>
    %add3A_2541 = arith.addf %dot_general3A_2539, %add3A_2540 : vector<1x256xf32>
    %convert_element_type3A_2542 = arith.extf %mul3A_2537 : vector<1x256xbf16> to vector<1x256xf32>
    %reduce_sum3A_2543 = vector.shape_cast %convert_element_type3A_2542 : vector<1x256xf32> to vector<1x1x256xf32>
    %reduce_sum3A_2544 = arith.constant dense<0.000000e+00> : vector<1xf32>
    %reduce_sum3A_2545 = vector.multi_reduction <add>, %reduce_sum3A_2543, %reduce_sum3A_2544 [1, 2] : vector<1x1x256xf32> to vector<1xf32>
    %reduce_sum3A_2546 = vector.shape_cast %reduce_sum3A_2545 : vector<1xf32> to vector<1x1x1xf32>
    %reduce_sum3A_2547 = vector.extract %reduce_sum3A_2546[0, 0, 0] : f32 from vector<1x1x1xf32>
    %add3A_2548 = arith.addf %add3A_2493, %reduce_sum3A_2547 : f32
    %swap3A_2549 = arith.constant 0 : index
    %swap3A_2550 = arith.constant 1280 : index
    %swap3A_2551 = vector.load %arg6[%swap3A_2549, %swap3A_2550] : memref<1x2048xf32, #tpu.memory_space<vmem>>, vector<1x256xf32>
    tpu.vector_store %arg6[%swap3A_2549, %swap3A_2550], %add3A_2541 {strides = array<i32>} : memref<1x2048xf32, #tpu.memory_space<vmem>>, vector<1x256xf32>,
    %get3A_2552 = arith.constant 1280 : index
    %get3A_2553 = arith.constant 1536 : index
    %get3A_2554 = vector.load %arg4[%get3A_2552, %get3A_2553] : memref<2048x2048xbf16, #tpu.memory_space<vmem>>, vector<256x512xbf16>
    %dot_general3A_2555 = arith.constant dense<0.000000e+00> : vector<1x512xf32>
    %dot_general3A_2556 = tpu.matmul %while3A_2525#0, %get3A_2554, %dot_general3A_2555 {dimension_numbers = #tpu.dot_dimension_numbers<[1], [0], [0], [1], [0, 0, 1, 1], [], []>, transpose_lhs_hint = false} : vector<1x256xbf16>, vector<256x512xbf16>, vector<1x512xf32> -> vector<1x512xf32>
    %get3A_2557 = arith.constant 0 : index
    %get3A_2558 = arith.constant 1536 : index
    %get3A_2559 = vector.load %arg6[%get3A_2557, %get3A_2558] : memref<1x2048xf32, #tpu.memory_space<vmem>>, vector<1x512xf32>
    %add3A_2560 = arith.addf %get3A_2559, %dot_general3A_2556 : vector<1x512xf32>
    %swap3A_2561 = arith.constant 0 : index
    %swap3A_2562 = arith.constant 1536 : index
    %swap3A_2563 = vector.load %arg6[%swap3A_2561, %swap3A_2562] : memref<1x2048xf32, #tpu.memory_space<vmem>>, vector<1x512xf32>
    tpu.vector_store %arg6[%swap3A_2561, %swap3A_2562], %add3A_2560 {strides = array<i32>} : memref<1x2048xf32, #tpu.memory_space<vmem>>, vector<1x512xf32>,
    %get3A_2564 = arith.constant 0 : index
    %get3A_2565 = arith.constant 1536 : index
    %get3A_2566 = vector.load %arg6[%get3A_2564, %get3A_2565] : memref<1x2048xf32, #tpu.memory_space<vmem>>, vector<1x256xf32>
    %eq3A_2567 = arith.constant 0.000000e+00 : f32
    %eq3A_2568 = vector.broadcast %eq3A_2567 : f32 to vector<1x256xf32>
    %eq3A_2569 = arith.cmpf oeq, %get3A_2566, %eq3A_2568 : vector<1x256xf32>
    %jit3A_2570 = arith.constant 1.000000e+00 : f32
    %jit3A_2571 = arith.constant 0.000000e+00 : f32
    %broadcast_in_dim3A_2572 = vector.broadcast %jit3A_2570 : f32 to vector<1x256xf32>
    %broadcast_in_dim3A_2573 = vector.broadcast %jit3A_2571 : f32 to vector<1x256xf32>
    %select_n3A_2574 = arith.select %eq3A_2569, %broadcast_in_dim3A_2572, %broadcast_in_dim3A_2573 : vector<1x256xi1>, vector<1x256xf32>
    %get3A_2575 = arith.constant 1536 : index
    %get3A_2576 = arith.constant 1536 : index
    %get3A_2577 = vector.load %arg4[%get3A_2575, %get3A_2576] : memref<2048x2048xbf16, #tpu.memory_space<vmem>>, vector<256x256xbf16>
    %convert_element_type3A_2578 = arith.truncf %select_n3A_2574 : vector<1x256xf32> to vector<1x256xbf16>
    %while3A_2579 = arith.constant true
    %while3A_2580:2 = scf.while (%while3A_2769 = %convert_element_type3A_2578, %while3A_2770 = %while3A_2579) : (vector<1x256xbf16>, i1) -> (vector<1x256xbf16>, i1) {
      scf.condition(%while3A_2770) %while3A_2769, %while3A_2770 : vector<1x256xbf16>, i1
    } do {
    ^bb0(%while3A_2769: vector<1x256xbf16>, %while3A_2770: i1):
      %dot_general3A_2771 = arith.constant dense<0.000000e+00> : vector<1x256xf32>
      %dot_general3A_2772 = tpu.matmul %while3A_2769, %get3A_2577, %dot_general3A_2771 {dimension_numbers = #tpu.dot_dimension_numbers<[1], [0], [0], [1], [0, 0, 1, 1], [], []>, transpose_lhs_hint = false} : vector<1x256xbf16>, vector<256x256xbf16>, vector<1x256xf32> -> vector<1x256xf32>
      %eq3A_2773 = arith.constant 0.000000e+00 : f32
      %eq3A_2774 = vector.broadcast %eq3A_2773 : f32 to vector<1x256xf32>
      %eq3A_2775 = arith.cmpf oeq, %dot_general3A_2772, %eq3A_2774 : vector<1x256xf32>
      %gt3A_2776 = arith.constant 0.000000e+00 : f32
      %gt3A_2777 = vector.broadcast %gt3A_2776 : f32 to vector<1x256xf32>
      %gt3A_2778 = arith.cmpf ogt, %select_n3A_2574, %gt3A_2777 : vector<1x256xf32>
      %and3A_2779 = arith.andi %eq3A_2775, %gt3A_2778 : vector<1x256xi1>
      %jit3A_2780 = arith.constant 1.000000e+00 : f32
      %jit3A_2781 = arith.constant 0.000000e+00 : f32
      %broadcast_in_dim3A_2782 = vector.broadcast %jit3A_2780 : f32 to vector<1x256xf32>
      %broadcast_in_dim3A_2783 = vector.broadcast %jit3A_2781 : f32 to vector<1x256xf32>
      %select_n3A_2784 = arith.select %and3A_2779, %broadcast_in_dim3A_2782, %broadcast_in_dim3A_2783 : vector<1x256xi1>, vector<1x256xf32>
      %convert_element_type3A_2785 = arith.truncf %select_n3A_2784 : vector<1x256xf32> to vector<1x256xbf16>
      %convert_element_type3A_2786 = arith.extf %convert_element_type3A_2785 : vector<1x256xbf16> to vector<1x256xf32>
      %convert_element_type3A_2787 = arith.extf %while3A_2769 : vector<1x256xbf16> to vector<1x256xf32>
      %sub3A_2788 = arith.subf %convert_element_type3A_2786, %convert_element_type3A_2787 : vector<1x256xf32>
      %abs3A = math.absf %sub3A_2788 : vector<1x256xf32>
      %reduce_sum3A_2789 = vector.shape_cast %abs3A : vector<1x256xf32> to vector<1x1x256xf32>
      %reduce_sum3A_2790 = arith.constant dense<0.000000e+00> : vector<1xf32>
      %reduce_sum3A_2791 = vector.multi_reduction <add>, %reduce_sum3A_2789, %reduce_sum3A_2790 [1, 2] : vector<1x1x256xf32> to vector<1xf32>
      %reduce_sum3A_2792 = vector.shape_cast %reduce_sum3A_2791 : vector<1xf32> to vector<1x1x1xf32>
      %reduce_sum3A_2793 = vector.extract %reduce_sum3A_2792[0, 0, 0] : f32 from vector<1x1x1xf32>
      %gt3A_2794 = arith.constant 0.000000e+00 : f32
      %gt3A_2795 = arith.cmpf ogt, %reduce_sum3A_2793, %gt3A_2794 : f32
      scf.yield %convert_element_type3A_2785, %gt3A_2795 : vector<1x256xbf16>, i1
    }
    %convert_element_type3A_2581 = arith.extf %while3A_2580#0 : vector<1x256xbf16> to vector<1x256xf32>
    %swap3A_2582 = arith.constant 0 : index
    %swap3A_2583 = arith.constant 1536 : index
    %swap3A_2584 = vector.load %arg5[%swap3A_2582, %swap3A_2583] : memref<1x2048xf32, #tpu.memory_space<vmem>>, vector<1x256xf32>
    tpu.vector_store %arg5[%swap3A_2582, %swap3A_2583], %convert_element_type3A_2581 {strides = array<i32>} : memref<1x2048xf32, #tpu.memory_space<vmem>>, vector<1x256xf32>,
    %slice3A_2585 = vector.extract_strided_slice %iota3A {offsets = [0, 1536], sizes = [1, 256], strides = [1, 1]} : vector<1x2048xi32> to vector<1x256xi32>
    %lt3A_2586 = arith.constant 2000 : i32
    %lt3A_2587 = vector.broadcast %lt3A_2586 : i32 to vector<1x256xi32>
    %lt3A_2588 = arith.cmpi slt, %slice3A_2585, %lt3A_2587 : vector<1x256xi32>
    %convert_element_type3A_2589 = arith.extui %lt3A_2588 : vector<1x256xi1> to vector<1x256xi32>
    %convert_element_type3A_2590 = arith.sitofp %convert_element_type3A_2589 : vector<1x256xi32> to vector<1x256xf32>
    %convert_element_type3A_2591 = arith.truncf %convert_element_type3A_2590 : vector<1x256xf32> to vector<1x256xbf16>
    %mul3A_2592 = arith.mulf %while3A_2580#0, %convert_element_type3A_2591 : vector<1x256xbf16>
    %dot_general3A_2593 = arith.constant dense<0.000000e+00> : vector<1x256xf32>
    %dot_general3A_2594 = tpu.matmul %mul3A_2592, %convert_element_type3A_2235, %dot_general3A_2593 {dimension_numbers = #tpu.dot_dimension_numbers<[1], [0], [0], [1], [0, 0, 1, 1], [], []>, transpose_lhs_hint = false} : vector<1x256xbf16>, vector<256x256xbf16>, vector<1x256xf32> -> vector<1x256xf32>
    %add3A_2595 = vector.broadcast %add3A_2548 : f32 to vector<1x256xf32>
    %add3A_2596 = arith.addf %dot_general3A_2594, %add3A_2595 : vector<1x256xf32>
    %convert_element_type3A_2597 = arith.extf %mul3A_2592 : vector<1x256xbf16> to vector<1x256xf32>
    %reduce_sum3A_2598 = vector.shape_cast %convert_element_type3A_2597 : vector<1x256xf32> to vector<1x1x256xf32>
    %reduce_sum3A_2599 = arith.constant dense<0.000000e+00> : vector<1xf32>
    %reduce_sum3A_2600 = vector.multi_reduction <add>, %reduce_sum3A_2598, %reduce_sum3A_2599 [1, 2] : vector<1x1x256xf32> to vector<1xf32>
    %reduce_sum3A_2601 = vector.shape_cast %reduce_sum3A_2600 : vector<1xf32> to vector<1x1x1xf32>
    %reduce_sum3A_2602 = vector.extract %reduce_sum3A_2601[0, 0, 0] : f32 from vector<1x1x1xf32>
    %add3A_2603 = arith.addf %add3A_2548, %reduce_sum3A_2602 : f32
    %swap3A_2604 = arith.constant 0 : index
    %swap3A_2605 = arith.constant 1536 : index
    %swap3A_2606 = vector.load %arg6[%swap3A_2604, %swap3A_2605] : memref<1x2048xf32, #tpu.memory_space<vmem>>, vector<1x256xf32>
    tpu.vector_store %arg6[%swap3A_2604, %swap3A_2605], %add3A_2596 {strides = array<i32>} : memref<1x2048xf32, #tpu.memory_space<vmem>>, vector<1x256xf32>,
    %get3A_2607 = arith.constant 1536 : index
    %get3A_2608 = arith.constant 1792 : index
    %get3A_2609 = vector.load %arg4[%get3A_2607, %get3A_2608] : memref<2048x2048xbf16, #tpu.memory_space<vmem>>, vector<256x256xbf16>
    %dot_general3A_2610 = arith.constant dense<0.000000e+00> : vector<1x256xf32>
    %dot_general3A_2611 = tpu.matmul %while3A_2580#0, %get3A_2609, %dot_general3A_2610 {dimension_numbers = #tpu.dot_dimension_numbers<[1], [0], [0], [1], [0, 0, 1, 1], [], []>, transpose_lhs_hint = false} : vector<1x256xbf16>, vector<256x256xbf16>, vector<1x256xf32> -> vector<1x256xf32>
    %get3A_2612 = arith.constant 0 : index
    %get3A_2613 = arith.constant 1792 : index
    %get3A_2614 = vector.load %arg6[%get3A_2612, %get3A_2613] : memref<1x2048xf32, #tpu.memory_space<vmem>>, vector<1x256xf32>
    %add3A_2615 = arith.addf %get3A_2614, %dot_general3A_2611 : vector<1x256xf32>
    %swap3A_2616 = arith.constant 0 : index
    %swap3A_2617 = arith.constant 1792 : index
    %swap3A_2618 = vector.load %arg6[%swap3A_2616, %swap3A_2617] : memref<1x2048xf32, #tpu.memory_space<vmem>>, vector<1x256xf32>
    tpu.vector_store %arg6[%swap3A_2616, %swap3A_2617], %add3A_2615 {strides = array<i32>} : memref<1x2048xf32, #tpu.memory_space<vmem>>, vector<1x256xf32>,
    %get3A_2619 = arith.constant 0 : index
    %get3A_2620 = arith.constant 1792 : index
    %get3A_2621 = vector.load %arg6[%get3A_2619, %get3A_2620] : memref<1x2048xf32, #tpu.memory_space<vmem>>, vector<1x256xf32>
    %eq3A_2622 = arith.constant 0.000000e+00 : f32
    %eq3A_2623 = vector.broadcast %eq3A_2622 : f32 to vector<1x256xf32>
    %eq3A_2624 = arith.cmpf oeq, %get3A_2621, %eq3A_2623 : vector<1x256xf32>
    %jit3A_2625 = arith.constant 1.000000e+00 : f32
    %jit3A_2626 = arith.constant 0.000000e+00 : f32
    %broadcast_in_dim3A_2627 = vector.broadcast %jit3A_2625 : f32 to vector<1x256xf32>
    %broadcast_in_dim3A_2628 = vector.broadcast %jit3A_2626 : f32 to vector<1x256xf32>
    %select_n3A_2629 = arith.select %eq3A_2624, %broadcast_in_dim3A_2627, %broadcast_in_dim3A_2628 : vector<1x256xi1>, vector<1x256xf32>
    %get3A_2630 = arith.constant 1792 : index
    %get3A_2631 = arith.constant 1792 : index
    %get3A_2632 = vector.load %arg4[%get3A_2630, %get3A_2631] : memref<2048x2048xbf16, #tpu.memory_space<vmem>>, vector<256x256xbf16>
    %convert_element_type3A_2633 = arith.truncf %select_n3A_2629 : vector<1x256xf32> to vector<1x256xbf16>
    %while3A_2634 = arith.constant true
    %while3A_2635:2 = scf.while (%while3A_2769 = %convert_element_type3A_2633, %while3A_2770 = %while3A_2634) : (vector<1x256xbf16>, i1) -> (vector<1x256xbf16>, i1) {
      scf.condition(%while3A_2770) %while3A_2769, %while3A_2770 : vector<1x256xbf16>, i1
    } do {
    ^bb0(%while3A_2769: vector<1x256xbf16>, %while3A_2770: i1):
      %dot_general3A_2771 = arith.constant dense<0.000000e+00> : vector<1x256xf32>
      %dot_general3A_2772 = tpu.matmul %while3A_2769, %get3A_2632, %dot_general3A_2771 {dimension_numbers = #tpu.dot_dimension_numbers<[1], [0], [0], [1], [0, 0, 1, 1], [], []>, transpose_lhs_hint = false} : vector<1x256xbf16>, vector<256x256xbf16>, vector<1x256xf32> -> vector<1x256xf32>
      %eq3A_2773 = arith.constant 0.000000e+00 : f32
      %eq3A_2774 = vector.broadcast %eq3A_2773 : f32 to vector<1x256xf32>
      %eq3A_2775 = arith.cmpf oeq, %dot_general3A_2772, %eq3A_2774 : vector<1x256xf32>
      %gt3A_2776 = arith.constant 0.000000e+00 : f32
      %gt3A_2777 = vector.broadcast %gt3A_2776 : f32 to vector<1x256xf32>
      %gt3A_2778 = arith.cmpf ogt, %select_n3A_2629, %gt3A_2777 : vector<1x256xf32>
      %and3A_2779 = arith.andi %eq3A_2775, %gt3A_2778 : vector<1x256xi1>
      %jit3A_2780 = arith.constant 1.000000e+00 : f32
      %jit3A_2781 = arith.constant 0.000000e+00 : f32
      %broadcast_in_dim3A_2782 = vector.broadcast %jit3A_2780 : f32 to vector<1x256xf32>
      %broadcast_in_dim3A_2783 = vector.broadcast %jit3A_2781 : f32 to vector<1x256xf32>
      %select_n3A_2784 = arith.select %and3A_2779, %broadcast_in_dim3A_2782, %broadcast_in_dim3A_2783 : vector<1x256xi1>, vector<1x256xf32>
      %convert_element_type3A_2785 = arith.truncf %select_n3A_2784 : vector<1x256xf32> to vector<1x256xbf16>
      %convert_element_type3A_2786 = arith.extf %convert_element_type3A_2785 : vector<1x256xbf16> to vector<1x256xf32>
      %convert_element_type3A_2787 = arith.extf %while3A_2769 : vector<1x256xbf16> to vector<1x256xf32>
      %sub3A_2788 = arith.subf %convert_element_type3A_2786, %convert_element_type3A_2787 : vector<1x256xf32>
      %abs3A = math.absf %sub3A_2788 : vector<1x256xf32>
      %reduce_sum3A_2789 = vector.shape_cast %abs3A : vector<1x256xf32> to vector<1x1x256xf32>
      %reduce_sum3A_2790 = arith.constant dense<0.000000e+00> : vector<1xf32>
      %reduce_sum3A_2791 = vector.multi_reduction <add>, %reduce_sum3A_2789, %reduce_sum3A_2790 [1, 2] : vector<1x1x256xf32> to vector<1xf32>
      %reduce_sum3A_2792 = vector.shape_cast %reduce_sum3A_2791 : vector<1xf32> to vector<1x1x1xf32>
      %reduce_sum3A_2793 = vector.extract %reduce_sum3A_2792[0, 0, 0] : f32 from vector<1x1x1xf32>
      %gt3A_2794 = arith.constant 0.000000e+00 : f32
      %gt3A_2795 = arith.cmpf ogt, %reduce_sum3A_2793, %gt3A_2794 : f32
      scf.yield %convert_element_type3A_2785, %gt3A_2795 : vector<1x256xbf16>, i1
    }
    %convert_element_type3A_2636 = arith.extf %while3A_2635#0 : vector<1x256xbf16> to vector<1x256xf32>
    %swap3A_2637 = arith.constant 0 : index
    %swap3A_2638 = arith.constant 1792 : index
    %swap3A_2639 = vector.load %arg5[%swap3A_2637, %swap3A_2638] : memref<1x2048xf32, #tpu.memory_space<vmem>>, vector<1x256xf32>
    tpu.vector_store %arg5[%swap3A_2637, %swap3A_2638], %convert_element_type3A_2636 {strides = array<i32>} : memref<1x2048xf32, #tpu.memory_space<vmem>>, vector<1x256xf32>,
    %slice3A_2640 = vector.extract_strided_slice %iota3A {offsets = [0, 1792], sizes = [1, 256], strides = [1, 1]} : vector<1x2048xi32> to vector<1x256xi32>
    %lt3A_2641 = arith.constant 2000 : i32
    %lt3A_2642 = vector.broadcast %lt3A_2641 : i32 to vector<1x256xi32>
    %lt3A_2643 = arith.cmpi slt, %slice3A_2640, %lt3A_2642 : vector<1x256xi32>
    %convert_element_type3A_2644 = arith.extui %lt3A_2643 : vector<1x256xi1> to vector<1x256xi32>
    %convert_element_type3A_2645 = arith.sitofp %convert_element_type3A_2644 : vector<1x256xi32> to vector<1x256xf32>
    %convert_element_type3A_2646 = arith.truncf %convert_element_type3A_2645 : vector<1x256xf32> to vector<1x256xbf16>
    %mul3A_2647 = arith.mulf %while3A_2635#0, %convert_element_type3A_2646 : vector<1x256xbf16>
    %dot_general3A_2648 = arith.constant dense<0.000000e+00> : vector<1x256xf32>
    %dot_general3A_2649 = tpu.matmul %mul3A_2647, %convert_element_type3A_2235, %dot_general3A_2648 {dimension_numbers = #tpu.dot_dimension_numbers<[1], [0], [0], [1], [0, 0, 1, 1], [], []>, transpose_lhs_hint = false} : vector<1x256xbf16>, vector<256x256xbf16>, vector<1x256xf32> -> vector<1x256xf32>
    %add3A_2650 = vector.broadcast %add3A_2603 : f32 to vector<1x256xf32>
    %add3A_2651 = arith.addf %dot_general3A_2649, %add3A_2650 : vector<1x256xf32>
    %swap3A_2652 = arith.constant 0 : index
    %swap3A_2653 = arith.constant 1792 : index
    %swap3A_2654 = vector.load %arg6[%swap3A_2652, %swap3A_2653] : memref<1x2048xf32, #tpu.memory_space<vmem>>, vector<1x256xf32>
    tpu.vector_store %arg6[%swap3A_2652, %swap3A_2653], %add3A_2651 {strides = array<i32>} : memref<1x2048xf32, #tpu.memory_space<vmem>>, vector<1x256xf32>,
    %get3A_2655 = arith.constant 0 : index
    %get3A_2656 = arith.constant 0 : index
    %get3A_2657 = vector.load %arg5[%get3A_2655, %get3A_2656] : memref<1x2048xf32, #tpu.memory_space<vmem>>, vector<1x2048xf32>
    %get3A_2658 = arith.constant 0 : index
    %get3A_2659 = arith.constant 0 : index
    %get3A_2660 = vector.load %arg6[%get3A_2658, %get3A_2659] : memref<1x2048xf32, #tpu.memory_space<vmem>>, vector<1x2048xf32>
    %lt3A_2661 = arith.constant 2000 : i32
    %lt3A_2662 = vector.broadcast %lt3A_2661 : i32 to vector<1x2048xi32>
    %lt3A_2663 = arith.cmpi slt, %iota3A, %lt3A_2662 : vector<1x2048xi32>
    %convert_element_type3A_2664 = arith.extui %lt3A_2663 : vector<1x2048xi1> to vector<1x2048xi32>
    %convert_element_type3A_2665 = arith.sitofp %convert_element_type3A_2664 : vector<1x2048xi32> to vector<1x2048xf32>
    %mul3A_2666 = arith.mulf %get3A_2657, %convert_element_type3A_2665 : vector<1x2048xf32>
    %reduce_sum3A_2667 = vector.shape_cast %mul3A_2666 : vector<1x2048xf32> to vector<1x1x2048xf32>
    %reduce_sum3A_2668 = arith.constant dense<0.000000e+00> : vector<1xf32>
    %reduce_sum3A_2669 = vector.multi_reduction <add>, %reduce_sum3A_2667, %reduce_sum3A_2668 [1, 2] : vector<1x1x2048xf32> to vector<1xf32>
    %reduce_sum3A_2670 = vector.shape_cast %reduce_sum3A_2669 : vector<1xf32> to vector<1x1x1xf32>
    %reduce_sum3A_2671 = vector.extract %reduce_sum3A_2670[0, 0, 0] : f32 from vector<1x1x1xf32>
    %convert_element_type3A_2672 = arith.sitofp %iota3A : vector<1x2048xi32> to vector<1x2048xf32>
    %sub3A_2673 = arith.subf %convert_element_type3A_2672, %get3A_2660 : vector<1x2048xf32>
    %gt3A_2674 = arith.constant 0.000000e+00 : f32
    %gt3A_2675 = vector.broadcast %gt3A_2674 : f32 to vector<1x2048xf32>
    %gt3A_2676 = arith.cmpf ogt, %get3A_2657, %gt3A_2675 : vector<1x2048xf32>
    %add3A_2677 = vector.broadcast %reduce_sum3A_2671 : f32 to vector<1x2048xf32>
    %add3A_2678 = arith.addf %add3A_2677, %sub3A_2673 : vector<1x2048xf32>
    %select_n3A_2679 = arith.select %gt3A_2676, %get3A_2660, %add3A_2678 : vector<1x2048xi1>, vector<1x2048xf32>
    %gt3A_2680 = arith.constant 0.000000e+00 : f32
    %gt3A_2681 = vector.broadcast %gt3A_2680 : f32 to vector<1x2048xf32>
    %gt3A_2682 = arith.cmpf ogt, %convert_element_type3A_2665, %gt3A_2681 : vector<1x2048xf32>
    %jit3A_2683 = arith.constant 3.000000e+03 : f32
    %broadcast_in_dim3A_2684 = vector.broadcast %jit3A_2683 : f32 to vector<1x2048xf32>
    %select_n3A_2685 = arith.select %gt3A_2682, %select_n3A_2679, %broadcast_in_dim3A_2684 : vector<1x2048xi1>, vector<1x2048xf32>
    %iota3A_2686 = tpu.iota {dimensions = array<i32: 0>} : vector<1000x2048xi32>
    %convert_element_type3A_2687 = arith.sitofp %iota3A_2686 : vector<1000x2048xi32> to vector<1000x2048xf32>
    %eq3A_2688 = vector.broadcast %select_n3A_2685 : vector<1x2048xf32> to vector<1000x2048xf32>
    %eq3A_2689 = arith.cmpf oeq, %convert_element_type3A_2687, %eq3A_2688 : vector<1000x2048xf32>
    %convert_element_type3A_2690 = arith.extui %eq3A_2689 : vector<1000x2048xi1> to vector<1000x2048xi32>
    %convert_element_type3A_2691 = arith.sitofp %convert_element_type3A_2690 : vector<1000x2048xi32> to vector<1000x2048xf32>
    %get3A_2692 = arith.constant 0 : index
    %get3A_2693 = arith.constant 0 : index
    %get3A_2694 = vector.load %arg0[%get3A_2692, %get3A_2693] : memref<2048x16xf32, #tpu.memory_space<vmem>>, vector<2048x4xf32>
    %get3A_2695 = arith.constant 0 : index
    %get3A_2696 = arith.constant 4 : index
    %get3A_2697 = vector.load %arg0[%get3A_2695, %get3A_2696] : memref<2048x16xf32, #tpu.memory_space<vmem>>, vector<2048x4xf32>
    %slice3A_2698 = vector.extract_strided_slice %get3A_2697 {offsets = [0, 0], sizes = [2048, 1], strides = [1, 1]} : vector<2048x4xf32> to vector<2048x1xf32>
    %slice3A_2699 = vector.extract_strided_slice %get3A_2697 {offsets = [0, 1], sizes = [2048, 1], strides = [1, 1]} : vector<2048x4xf32> to vector<2048x1xf32>
    %slice3A_2700 = vector.extract_strided_slice %get3A_2697 {offsets = [0, 2], sizes = [2048, 1], strides = [1, 1]} : vector<2048x4xf32> to vector<2048x1xf32>
    %min3A_2701 = arith.constant 3.33220458 : f32
    %min3A_2702 = vector.broadcast %min3A_2701 : f32 to vector<2048x1xf32>
    %min3A_2703 = arith.minimumf %slice3A_2700, %min3A_2702 : vector<2048x1xf32>
    %slice3A_2704 = vector.extract_strided_slice %get3A_2697 {offsets = [0, 3], sizes = [2048, 1], strides = [1, 1]} : vector<2048x4xf32> to vector<2048x1xf32>
    %min3A_2705 = arith.constant 3.33220458 : f32
    %min3A_2706 = vector.broadcast %min3A_2705 : f32 to vector<2048x1xf32>
    %min3A_2707 = arith.minimumf %slice3A_2704, %min3A_2706 : vector<2048x1xf32>
    %slice3A_2708 = vector.extract_strided_slice %get3A_2694 {offsets = [0, 0], sizes = [2048, 1], strides = [1, 1]} : vector<2048x4xf32> to vector<2048x1xf32>
    %slice3A_2709 = vector.extract_strided_slice %get3A_2694 {offsets = [0, 1], sizes = [2048, 1], strides = [1, 1]} : vector<2048x4xf32> to vector<2048x1xf32>
    %slice3A_2710 = vector.extract_strided_slice %get3A_2694 {offsets = [0, 2], sizes = [2048, 1], strides = [1, 1]} : vector<2048x4xf32> to vector<2048x1xf32>
    %slice3A_2711 = vector.extract_strided_slice %get3A_2694 {offsets = [0, 3], sizes = [2048, 1], strides = [1, 1]} : vector<2048x4xf32> to vector<2048x1xf32>
    %sub3A_2712 = arith.subf %slice3A_2710, %slice3A_2708 : vector<2048x1xf32>
    %sub3A_2713 = arith.subf %slice3A_2711, %slice3A_2709 : vector<2048x1xf32>
    %div3A_2714 = arith.constant 2.000000e+00 : f32
    %div3A_2715 = vector.broadcast %div3A_2714 : f32 to vector<2048x1xf32>
    %div3A_2716 = arith.divf %sub3A_2712, %div3A_2715 : vector<2048x1xf32>
    %add3A_2717 = arith.addf %slice3A_2708, %div3A_2716 : vector<2048x1xf32>
    %div3A_2718 = arith.constant 2.000000e+00 : f32
    %div3A_2719 = vector.broadcast %div3A_2718 : f32 to vector<2048x1xf32>
    %div3A_2720 = arith.divf %sub3A_2713, %div3A_2719 : vector<2048x1xf32>
    %add3A_2721 = arith.addf %slice3A_2709, %div3A_2720 : vector<2048x1xf32>
    %mul3A_2722 = arith.mulf %sub3A_2712, %slice3A_2698 : vector<2048x1xf32>
    %add3A_2723 = arith.addf %add3A_2717, %mul3A_2722 : vector<2048x1xf32>
    %mul3A_2724 = arith.mulf %sub3A_2713, %slice3A_2699 : vector<2048x1xf32>
    %add3A_2725 = arith.addf %add3A_2721, %mul3A_2724 : vector<2048x1xf32>
    %exp3A_2726 = math.exp %min3A_2703 : vector<2048x1xf32>
    %mul3A_2727 = arith.mulf %sub3A_2712, %exp3A_2726 : vector<2048x1xf32>
    %exp3A_2728 = math.exp %min3A_2707 : vector<2048x1xf32>
    %mul3A_2729 = arith.mulf %sub3A_2713, %exp3A_2728 : vector<2048x1xf32>
    %div3A_2730 = arith.constant 2.000000e+00 : f32
    %div3A_2731 = vector.broadcast %div3A_2730 : f32 to vector<2048x1xf32>
    %div3A_2732 = arith.divf %mul3A_2727, %div3A_2731 : vector<2048x1xf32>
    %sub3A_2733 = arith.subf %add3A_2723, %div3A_2732 : vector<2048x1xf32>
    %div3A_2734 = arith.constant 2.000000e+00 : f32
    %div3A_2735 = vector.broadcast %div3A_2734 : f32 to vector<2048x1xf32>
    %div3A_2736 = arith.divf %mul3A_2729, %div3A_2735 : vector<2048x1xf32>
    %sub3A_2737 = arith.subf %add3A_2725, %div3A_2736 : vector<2048x1xf32>
    %div3A_2738 = arith.constant 2.000000e+00 : f32
    %div3A_2739 = vector.broadcast %div3A_2738 : f32 to vector<2048x1xf32>
    %div3A_2740 = arith.divf %mul3A_2727, %div3A_2739 : vector<2048x1xf32>
    %add3A_2741 = arith.addf %add3A_2723, %div3A_2740 : vector<2048x1xf32>
    %div3A_2742 = arith.constant 2.000000e+00 : f32
    %div3A_2743 = vector.broadcast %div3A_2742 : f32 to vector<2048x1xf32>
    %div3A_2744 = arith.divf %mul3A_2729, %div3A_2743 : vector<2048x1xf32>
    %add3A_2745 = arith.addf %add3A_2725, %div3A_2744 : vector<2048x1xf32>
    %get3A_2746 = arith.constant 0 : index
    %get3A_2747 = arith.constant 0 : index
    %get3A_2748 = vector.load %arg1[%get3A_2746, %get3A_2747] : memref<2000x1xf32, #tpu.memory_space<vmem>>, vector<2000x1xf32>
    %broadcast_in_dim3A_2749 = arith.constant 0.000000e+00 : f32
    %broadcast_in_dim3A_2750 = vector.broadcast %broadcast_in_dim3A_2749 : f32 to vector<48x1xf32>
    %concatenate3A = tpu.concatenate %get3A_2748, %broadcast_in_dim3A_2750 in 0 : vector<2000x1xf32>, vector<48x1xf32> -> vector<2048x1xf32>
    %concatenate3A_2751 = tpu.concatenate %sub3A_2733, %sub3A_2737, %add3A_2741, %add3A_2745, %concatenate3A in 1 : vector<2048x1xf32>, vector<2048x1xf32>, vector<2048x1xf32>, vector<2048x1xf32>, vector<2048x1xf32> -> vector<2048x5xf32>
    %dot_general3A_2752 = arith.constant dense<0.000000e+00> : vector<1000x5xf32>
    %dot_general3A_2753 = tpu.matmul %convert_element_type3A_2691, %concatenate3A_2751, %dot_general3A_2752 {dimension_numbers = #tpu.dot_dimension_numbers<[1], [0], [0], [1], [0, 0, 1, 1], [], []>, transpose_lhs_hint = false} : vector<1000x2048xf32>, vector<2048x5xf32>, vector<1000x5xf32> -> vector<1000x5xf32>
    %slice3A_2754 = vector.extract_strided_slice %dot_general3A_2753 {offsets = [0, 0], sizes = [1000, 4], strides = [1, 1]} : vector<1000x5xf32> to vector<1000x4xf32>
    %swap3A_2755 = arith.constant 0 : index
    %swap3A_2756 = arith.constant 0 : index
    %swap3A_2757 = vector.load %arg2[%swap3A_2755, %swap3A_2756] : memref<1000x4xf32, #tpu.memory_space<vmem>>, vector<1000x4xf32>
    tpu.vector_store %arg2[%swap3A_2755, %swap3A_2756], %slice3A_2754 {strides = array<i32>} : memref<1000x4xf32, #tpu.memory_space<vmem>>, vector<1000x4xf32>,
    %iota3A_2758 = tpu.iota {dimensions = array<i32: 0>} : vector<1000x1xi32>
    %convert_element_type3A_2759 = arith.sitofp %iota3A_2758 : vector<1000x1xi32> to vector<1000x1xf32>
    %lt3A_2760 = vector.broadcast %reduce_sum3A_2671 : f32 to vector<1000x1xf32>
    %lt3A_2761 = arith.cmpf olt, %convert_element_type3A_2759, %lt3A_2760 : vector<1000x1xf32>
    %slice3A_2762 = vector.extract_strided_slice %dot_general3A_2753 {offsets = [0, 4], sizes = [1000, 1], strides = [1, 1]} : vector<1000x5xf32> to vector<1000x1xf32>
    %jit3A_2763 = arith.constant 0xFF800000 : f32
    %broadcast_in_dim3A_2764 = vector.broadcast %jit3A_2763 : f32 to vector<1000x1xf32>
    %select_n3A_2765 = arith.select %lt3A_2761, %slice3A_2762, %broadcast_in_dim3A_2764 : vector<1000x1xi1>, vector<1000x1xf32>
    %swap3A_2766 = arith.constant 0 : index
    %swap3A_2767 = arith.constant 0 : index
    %swap3A_2768 = vector.load %arg3[%swap3A_2766, %swap3A_2767] : memref<1000x1xf32, #tpu.memory_space<vmem>>, vector<1000x1xf32>
    tpu.vector_store %arg3[%swap3A_2766, %swap3A_2767], %select_n3A_2765 {strides = array<i32>} : memref<1000x1xf32, #tpu.memory_space<vmem>>, vector<1000x1xf32>,
    return
  }
}

</mosaic_0001>

<sc_bundles>
// kernel: kernel.4.cloned.1.call-start
scs
__scs_entry_jumppad:
0x0: {  	(pc) =	sbr.rel $0x88, $3  }
0x1: {  	(tag) =	ssettag $0x0;
	lr =	simm.s32 $0x1  }
0x2: {  	[smem:$0x3F9E] =	sst lr;
	_ =	strace $0xD0000000  }
0x3: {  	_ = 	snop  }
0x4: {  	_ = 	snop  }
0x5: {  	_ = 	snop  }
0x6: {  	_ = 	snop  }
0x7: {  	_ = 	snop  }
__scs_overlays_trampoline_lowered:
0x8: {  	[smem:$0x3FAD] =	sst s0  }
0x9: {  	[smem:$0x3FAE] =	sst s1  }
0xa: {  	[smem:$0x3FAF] =	sst s2  }
0xb: {  	[smem:$0x3FB0] =	sst s3  }
0xc: {  	[smem:$0x3FB1] =	sst s4  }
0xd: {  	[smem:$0x3FB2] =	sst s5  }
0xe: {  	[smem:$0x3FB3] =	sst s6  }
0xf: {  	[smem:$0x3FB4] =	sst s7  }
0x10: {  	[smem:$0x3FB5] =	sst s8  }
0x11: {  	[smem:$0x3FB6] =	sst s9;
	s0 =	simm.s32 @!p0 $0x0  }
0x12: {  	s1 =	sld [smem:$0x3F9C];
	s0 =	simm.s32 @p0 $0x1  }
0x13: {  	[smem:$0x3FB7] =	sst s0;
	s0 =	simm.s32 @!p1 $0x0  }
0x14: {  	s2 =	sld [smem:$0x3F9B];
	s0 =	simm.s32 @p1 $0x1  }
0x15: {  	[smem:$0x3FB8] =	sst s0;
	s0 =	simm.s32 @!p2 $0x0  }
0x16: {  	s3 =	sld [smem:$0x3FDB];
	s0 =	simm.s32 @p2 $0x1  }
0x17: {  	s4 =	simm.s32 $0x1BF5;
	[smem:$0x3FBA] =	sst s0  }
0x18: {  	s0 =	sld [smem:$0x3F9D];
	_ =	swait.ge [sflag:s4], $0x0  }
0x19: {  	s7 =	sld [smem:$0x3F9E]  }
0x1a: {  	s8 =	sadd.s32 $0xFFFFE003, lr  }
0x1b: {  	s9 =	sadd.s32 $0xFFFFFEF7, lr;
	s5 =	simm.s32 $0xFFFFFFFF;
	p2 =	slt.u32 s8, $0xFFFFF086  }
0x1c: {  	p1 =	slt.u32 s9, $0xF7A;
	s5 =	simm.s32 @!p2 $0x0  }
0x1d: {  	s5 =	simm.s32 @p1 $0x1;
	p0 =	seq.s32 s7, s2  }
0x1e: {  	s7 =	smul.u32 @!p0 $0xF7A, s2;
	p2 =	seq.s32 @!p0 s5, $0x0  }
0x1f: {  	s9 =	smul.u32 $0xF7A, s1;
	s8 =	simm.s32 @!p0 $0x1BF5;
	p2 =	por !p2, p0  }
0x20: {  	[sflag:s8] =	ssyncset.s32 @!p0 $0xFFFFF086;
	s6 =	sadd.s32 @!p0 s3, s7;
	s7 =	simm.s32 @!p0 $0x108  }
0x21: {  	s3 =	sadd.s32 s3, s9;
	s6 =	sadd.s32 @!p0 $0x88, s6;
	s7 =	simm.s32 @p2 $0x1082  }
0x22: {  	[simem:s7], [sflag:s8] =	dma.local @!p0 [hbm:s6], $0xF7A  }
0x23: {  	s9 =	sor.u32 $0xD0000000, s2;
	s6 =	simm.s32 $0x108;
	_ =	swait.ge @!p0 [sflag:s8], $0x0  }
0x24: {  	s3 =	sadd.s32 $0x88, s3;
	s6 =	simm.s32 @!p1 $0x1082;
	[sflag:s4] =	ssyncset.s32 $0xFFFFF086  }
0x25: {  	[simem:s6], [sflag:s4] =	dma.local [hbm:s3], $0xF7A  }
0x26: {  	[smem:$0x3F9E] =	sst s1;
	(tag) =	ssettag s2;
	_ =	strace s9  }
0x27: {  	s1 =	sld [smem:$0x3FAE]  }
0x28: {  	s2 =	sld [smem:$0x3FAF]  }
0x29: {  	s4 =	sld [smem:$0x3FB1]  }
0x2a: {  	p0 =	seq.s32 s5, $0x0;
	s5 =	sld [smem:$0x3FB2]  }
0x2b: {  	s6 =	sld [smem:$0x3FB3]  }
0x2c: {  	s7 =	sld [smem:$0x3FB4]  }
0x2d: {  	s3 =	simm.s32 $0x108;
	s8 =	sld [smem:$0x3FB5]  }
0x2e: {  	s3 =	simm.s32 @!p0 $0x1082;
	s9 =	sld [smem:$0x3FB6]  }
0x2f: {  	lr =	sadd.s32 s0, s3;
	s0 =	sld [smem:$0x3FAD]  }
0x30: {  	s3 =	sld [smem:$0x3FB0]  }
0x31: {  	[smem:$0x3FB9] =	sst s10  }
0x32: {  	s10 =	sld [smem:$0x3FB7];
	_ =	sdelay $0x3  }
0x33: {  	p0 =	seq.s32 s10, $0x1;
	s10 =	sld [smem:$0x3FB9];
	_ =	sdelay $0x3  }
0x34: {  	[smem:$0x3FB9] =	sst s10  }
0x35: {  	s10 =	sld [smem:$0x3FB8];
	_ =	sdelay $0x3  }
0x36: {  	p1 =	seq.s32 s10, $0x1;
	s10 =	sld [smem:$0x3FB9];
	_ =	sdelay $0x3  }
0x37: {  	[smem:$0x3FB9] =	sst s10  }
0x38: {  	s10 =	sld [smem:$0x3FBA]  }
0x39: {  	_ = 	snop;
	(pc) =	sbr.ind lr, $3  }
0x3a: {  	_ = 	snop  }
0x3b: {  	_ = 	snop  }
0x3c: {  	p2 =	seq.s32 s10, $0x1;
	s10 =	sld [smem:$0x3FB9]  }
0x3d: {  	_ =	shalt  }
0x3e: {  	_ =	shalt  }
0x3f: {  	_ =	shalt  }
0x40: {  	_ =	shalt  }
0x41: {  	_ =	shalt  }
0x42: {  	_ =	shalt  }
0x43: {  	_ =	shalt  }
0x44: {  	_ =	shalt  }
0x45: {  	_ =	shalt  }
0x46: {  	_ =	shalt  }
0x47: {  	_ =	shalt  }
0x48: {  	_ =	shalt  }
0x49: {  	_ =	shalt  }
0x4a: {  	_ =	shalt  }
0x4b: {  	_ =	shalt  }
0x4c: {  	_ =	shalt  }
0x4d: {  	_ =	shalt  }
0x4e: {  	_ =	shalt  }
0x4f: {  	_ =	shalt  }
0x50: {  	_ =	shalt  }
0x51: {  	_ =	shalt  }
0x52: {  	_ =	shalt  }
0x53: {  	_ =	shalt  }
0x54: {  	_ =	shalt  }
0x55: {  	_ =	shalt  }
0x56: {  	_ =	shalt  }
0x57: {  	_ =	shalt  }
0x58: {  	_ =	shalt  }
0x59: {  	_ =	shalt  }
0x5a: {  	_ =	shalt  }
0x5b: {  	_ =	shalt  }
0x5c: {  	_ =	shalt  }
0x5d: {  	_ =	shalt  }
0x5e: {  	_ =	shalt  }
0x5f: {  	_ =	shalt  }
0x60: {  	_ =	shalt  }
0x61: {  	_ =	shalt  }
0x62: {  	_ =	shalt  }
0x63: {  	_ =	shalt  }
0x64: {  	_ =	shalt  }
0x65: {  	_ =	shalt  }
0x66: {  	_ =	shalt  }
0x67: {  	_ =	shalt  }
0x68: {  	_ =	shalt  }
0x69: {  	_ =	shalt  }
0x6a: {  	_ =	shalt  }
0x6b: {  	_ =	shalt  }
0x6c: {  	_ =	shalt  }
0x6d: {  	_ =	shalt  }
0x6e: {  	_ =	shalt  }
0x6f: {  	_ =	shalt  }
0x70: {  	_ =	shalt  }
0x71: {  	_ =	shalt  }
0x72: {  	_ =	shalt  }
0x73: {  	_ =	shalt  }
0x74: {  	_ =	shalt  }
0x75: {  	_ =	shalt  }
0x76: {  	_ =	shalt  }
0x77: {  	_ =	shalt  }
0x78: {  	_ =	shalt  }
0x79: {  	_ =	shalt  }
0x7a: {  	_ =	shalt  }
0x7b: {  	_ =	shalt  }
0x7c: {  	_ =	shalt  }
0x7d: {  	_ =	shalt  }
0x7e: {  	_ =	shalt  }
0x7f: {  	_ =	shalt  }
0x80: {  	_ =	shalt  }
0x81: {  	_ =	shalt  }
0x82: {  	_ =	shalt  }
0x83: {  	_ =	shalt  }
0x84: {  	_ =	shalt  }
0x85: {  	_ =	shalt  }
0x86: {  	_ =	shalt  }
0x87: {  	_ =	shalt  }
.Lfunc_end0:
.L_simem_size_0:
called_computation_lowered:
.L_overlay_start_0:
0x88: {  	s2 =	sld [smem:$0x3FD9]  }
0x89: {  	s3 =	sld [smem:$0x3FFE];
	_ =	sdelay $0x1  }
0x8a: {  	s1 =	srdreg.scid  }
0x8b: {  	s0 =	sand.u32 $0x1, s1  }
0x8c: {  	s14 =	sshll.u32 s0, $0xA;
	s2 =	sadd.s32 s3, s2  }
0x8d: {  	s2 =	sadd.s32 s2, s14  }
0x8e: {  	[smem:$0x3FC5] =	sst s2  }
0x8f: {  	_ = 	snop  }
0x90: {  	s2 =	sld [smem:$0x3FD0];
	_ =	sdelay $0x2  }
0x91: {  	s15 =	simm.s32 $0xA;
	s4 =	simm.s32 $0x10  }
0x92: {  	[smem:s4], [sflag:s15] =	dma.local [hbm:s2], $0x1  }
0x93: {  	_ =	swait.eq [sflag:s15], $0x1  }
0x94: {  	[sflag:s15] =	ssyncset.done $0x0  }
0x95: {  	[sflag:s15] =	ssyncadd.s32 $0xFFFFFFFF  }
0x96: {  	s16 =	sld [smem:$0x10];
	(tm) =	ssettm $0x1  }
0x97: {  	s17 =	sld [smem:$0x3FFB];
	_ =	sdelay $0x3  }
0x98: {  	_ =	strace s17  }
0x99: {  	s3 =	sld [smem:$0x3FFC];
	_ =	sdelay $0x3  }
0x9a: {  	_ =	strace s3  }
0x9b: {  	s3 =	sld [smem:$0x3FFD];
	_ =	sdelay $0x3  }
0x9c: {  	_ =	strace s3  }
0x9d: {  	_ =	strace $0x8FFFFFFF  }
0x9e: {  	s18 =	sld [smem:$0x3FDB];
	_ =	sdelay $0x1  }
0x9f: {  	s19 =	simm.s32 $_scs_section_size  }
0xa0: {  	s5 =	simm.s32 $_size__tile_overlayer_lowered;
	s6 =	simm.s32 $_tile_overlayer_lowered  }
0xa1: {  	s22 =	simm.s32 $0x1BFF;
	s21 =	sshll.u32 s6, $0x1;
	s3 =	sadd.s32 s19, s18  }
0xa2: {  	s7 =	simm.s32 $0x0;
	s20 =	sshll.u32 s5, $0x1;
	s5 =	sadd.s32 s21, s3  }
0xa3: {  	[timem:s7], [sflag:s22] =	dma.local [hbm:s5], s20  }
0xa4: {  	_ =	swait.ge [sflag:s22], s20  }
0xa5: {  	s4 =	ssub.s32 $0x0, s20;
	[sflag:s22] =	ssyncset.done $0x0  }
0xa6: {  	[sflag:s22] =	ssyncadd.s32 s4;
	_ =	sdelay $0x1  }
0xa7: {  	s23 =	simm.s32 $0x1B8B  }
0xa8: {  	_ =	swait.ge [sflag:s23], $0x1  }
0xa9: {  	[sflag:s23] =	ssyncset.done $0x0  }
0xaa: {  	s25 =	simm.s32 $0x1B8E;
	s24 =	sld [smem:$0x3FFE];
	[sflag:s23] =	ssyncadd.s32 $0xFFFFFFFF  }
0xab: {  	s26 =	simm.s32 $execute0_lowered;
	[smem:$0x3FD2] =	sst s25  }
0xac: {  	s5 =	sshll.u32 s26, $0x1;
	_ =	strace $0x80000046;
	[dreg:$0x1] =	wrdreg $0xFFFFFFFF  }
0xad: {  	s28 =	simm.s32 $_size_execute0_lowered;
	s3 =	sadd.s32 s3, s5;
	[dreg:$0x0] =	wrdreg $0x0  }
0xae: {  	s5 =	sshll.u32 s28, $0x1;
	[dreg:$0x2] =	wrdreg s3  }
0xaf: {  	[dreg:$0x3] =	wrdreg s5  }
0xb0: {  	[dreg:$0x4] =	wrdreg $0xC0  }
0xb1: {  	_ =	task [dreg:s7], $0x5FFFF  }
0xb2: {  	[dreg:$0x1] =	wrdreg $0xFFFFFFFF  }
0xb3: {  	[dreg:$0x0] =	wrdreg $0x60  }
0xb4: {  	[dreg:$0x2] =	wrdreg s24  }
0xb5: {  	[dreg:$0x3] =	wrdreg s16  }
0xb6: {  	[dreg:$0x4] =	wrdreg $0x9  }
0xb7: {  	_ =	task.clear_ibuf [dreg:s7], $0x5FFFF;
	_ =	strace $0x90000046  }
0xb8: {  	s29 =	simm.s32 $0x9;
	_ =	strace $0x80000048  }
0xb9: {  	_ =	swait.ge [sflag:s29], $0x1  }
0xba: {  	[sflag:s29] =	ssyncadd.s32 $0xFFFFFFFF  }
0xbb: {  	_ =	strace $0x90000048  }
0xbc: {  	_ =	sfence  }
0xbd: {  	s30 =	sld [smem:$0x0];
	_ =	sdelay $0x2  }
0xbe: {  	s31 =	sshll.u32 s1, $0xD;
	s1 =	sshrl.u32 s1, $0x2  }
0xbf: {  	s3 =	sand.u32 $0x4000, s31;
	s1 =	sadd.s32 s1, s30  }
0xc0: {  	s0 =	sor.u32 s3, s0;
	s1 =	sshll.u32 s1, $0x11  }
0xc1: {  	s0 =	sor.u32 s1, s0  }
0xc2: {  	s0 =	sadd.s32 $0x8F2B, s0  }
0xc3: {  	[sflag:s0] =	ssyncadd.remote.s32 $0x1  }
0xc4: {  	_ =	sfence.sel $0xFFFF  }
0xc5: {  	[dreg:$0x0] =	wrdreg $0xFFFFFFFF;
	(pc) =	sbr.abs _section_cstart, $3  }
0xc6: {  	[dreg:$0x1] =	wrdreg $0xFFFFFFFF  }
0xc7: {  	_ =	task.clear_ibuf [dreg:s7], $0x2FFFF;
	_ =	strace $0x9FFFFFFF  }
0xc8: {  	(tm) =	ssettm $0x7FFFFFFF  }
0xc9: {  	_ =	shalt  }
tec
execute0_lowered:
.L_overlay_start_1:
0x0: {  	(tag) =	ssettag $0x1  }
0x1: {  	s1 =	srdreg.scid;
	s2 =	rddreg [dreg:$0x0]  }
0x2: {  	s0 =	stileid.u32;
	s4 =	rddreg [dreg:$0x1];
	s6 =	sand.u32 $0x1, s1  }
0x3: {  	s3 =	simm.s32 $0x0;
	s5 =	sshll.u32 s0, $0x7;
	s7 =	sshll.u32 s6, $0x6  }
0x4: {  	[smem:$0x7FF] =	sst s3;
	s8 =	sor.u32 s7, s5  }
0x5: {  	s1 =	rddreg [dreg:$0x2];
	_ =	strace $0x80000047;
	s5 =	sshrl.u32 s8, $0x3  }
0x6: {  	s9 =	ssub.s32 $0x2, s6;
	s5 =	sadd.s32 s4, s5;
	s4 =	simm.s32 $0x2  }
0x7: {  	[tilespmem:s3], [sflag:$0x2] =	stream.linear.gather [hbm4b:s5+s3], $0x40, $0x38;
	[tilespmem:$0x440] =	vst v63  }
0x8: {  	s10 =	sshrl.u32 s9, $0x1;
	_ =	swait.ge [sflag:s4], $0x40  }
0x9: {  	s6 =	simm.s32 $0x40;
	s9 =	ssub.s32 s9, s10;
	[sflag:s4] =	ssyncset.done $0x0  }
0xa: {  	s7 =	simm.s32 $0x1;
	s9 =	smax.u32 s9, $0x1;
	[sflag:s4] =	ssyncadd.s32 $0xFFFFFFC0  }
0xb: {  	[tilespmem:s6], [sflag:$0x1] =	stream.indirect.gather [hbm4b:s2+s6], $0x10, s3, s6, $0xb8;
	[tilespmem:$0x440] =	vst v63  }
0xc: {  	s8 =	sshll.u32 s8, $0x1;
	p0 =	sne.s32 s9, $0x1;
	_ =	swait.ge [sflag:s7], $0x400  }
.Ltmp0:
0xd: {  	s8 =	sadd.s32 s8, s2;
	[sflag:s7] =	ssyncset.done $0x0;
	(pc) =	sbr.rel @!p0 .LBB2_2-.Ltmp0, $4  }
0xe: {  	s8 =	sadd.s32 $0x9E00, s8;
	[sflag:s7] =	ssyncadd.s32 $0xFFFFFC00  }
0xf: {  	[hbm4b:s8+s3] =	stream.linear.scatter [tilespmem:s6], [sflag:$0x2], $0x400, $0x38;
	[tilespmem:$0x440] =	vst v63  }
0x10: {  	_ =	swait.ge [sflag:s4], $0x400  }
0x11: {  	s9 =	sadd.s32 $0xFFFFFFFF, s9;
	[sflag:s4] =	ssyncset.done $0x0  }
.LBB2_1:
0x12: {  	p0 =	sne.s32 s9, $0x1;
	s9 =	sadd.s32 $0xFFFFFFFF, s9;
	[sflag:s4] =	ssyncadd.s32 $0xFFFFFC00  }
0x13: {  	[tilespmem:s3], [sflag:$0x2] =	stream.linear.gather [hbm4b:s5+s3], $0x40, $0x38;
	[tilespmem:$0x440] =	vst v63  }
0x14: {  	_ =	swait.ge [sflag:s4], $0x40  }
0x15: {  	[sflag:s4] =	ssyncset.done $0x0  }
0x16: {  	[sflag:s4] =	ssyncadd.s32 $0xFFFFFFC0  }
0x17: {  	[tilespmem:s6], [sflag:$0x1] =	stream.indirect.gather [hbm4b:s2+s6], $0x10, s3, s6, $0xb8;
	[tilespmem:$0x440] =	vst v63  }
0x18: {  	_ =	swait.ge [sflag:s7], $0x400  }
.Ltmp1:
0x19: {  	[sflag:s7] =	ssyncset.done $0x0;
	(pc) =	sbr.rel @p0 .LBB2_1-.Ltmp1, $4  }
0x1a: {  	[sflag:s7] =	ssyncadd.s32 $0xFFFFFC00  }
0x1b: {  	[hbm4b:s8+s3] =	stream.linear.scatter [tilespmem:s6], [sflag:$0x2], $0x400, $0x38;
	[tilespmem:$0x440] =	vst v63  }
0x1c: {  	_ =	swait.ge [sflag:s4], $0x400  }
0x1d: {  	[sflag:s4] =	ssyncset.done $0x0  }
.LBB2_2:
0x1e: {  	[sflag:s4] =	ssyncadd.s32 $0xFFFFFC00  }
0x1f: {  	_ =	sfence.sel $0x180000  }
0x20: {  	[bflag:$0x0] =	sbarrier.arrive $0xFFFF  }
0x21: {  	p0 =	sne.s32 s0, $0x0;
	_ =	strace $0x90000047  }
0x22: {  	s0 =	sadd.s32 @!p0 $0x100000, s1;
	[bflag:$0x2] =	sbarrier.arrive $0xFFFF  }
0x23: {  	[sflag:s0] =	ssyncadd.tile.s32 @!p0 $0x1;
	_ =	shalt  }
.Lfunc_end2:
_tile_overlayer_lowered:
.L_overlay_start_2:
0x24: {  	(tag) =	ssettag $0x2  }
0x25: {  	s0 =	rddreg [dreg:$0x0];
	s2 =	stileid.u32  }
0x26: {  	s1 =	rddreg [dreg:$0x1];
	p0 =	sne.s32 s2, $0x0  }
0x27: {  	s3 =	rddreg [dreg:$0x2];
	[bflag:$0x3] =	sbarrier.arrive $0xFFFF;
	s2 =	simm.s32 @!p0 $0x1C02  }
0x28: {  	[timem:s3], [sflag:s2] =	dma.local @!p0 [hbm:s0], s1  }
0x29: {  	s0 =	simm.s32 @!p0 $0x2  }
0x2a: {  	_ =	swait.ge @!p0 [sflag:s0], s1  }
0x2b: {  	s1 =	ssub.s32 @!p0 $0x0, s1;
	[sflag:s0] =	ssyncset.done @!p0 $0x0  }
0x2c: {  	[sflag:s0] =	ssyncadd.s32 @!p0 s1  }
0x2d: {  	[bflag:$0x3] =	sbarrier.arrive $0xFFFF  }
0x2e: {  	_ =	shalt  }

</sc_bundles>
